<compile_context>
chip_gen: v7x
topology: tpu7x:2x2x1
jax: 0.10.2.dev20260603
libtpu: 0.0.44.dev20260713+nightly
codegen_flags: <defaults>
</compile_context>

<pallas_src>
import functools

import jax
import jax.numpy as jnp
from jax import lax
from jax.experimental import pallas as pl
from jax.experimental.pallas import tpu as pltpu
from jax.experimental.pallas import tpu_sc as plsc

N_NODES = 10000
NP = 10240
D = 128
E = 640000
NC, NS = 2, 16
NW = NC * NS
CH = 128
NCHUNK = 160
G = 16
NGRP = NCHUNK // G
R = 2
EPAD = NW * NCHUNK * CH
RPT = NP // NS
AGG_DT = jnp.float32


def _mesh():
    return plsc.VectorSubcoreMesh(core_axis_name="c", subcore_axis_name="s",
                                  num_cores=NC, num_subcores=NS)


@functools.cache
def _make_deg_sc():
    return functools.partial(
        pl.kernel,
        out_type=jax.ShapeDtypeStruct((NC, NP), jnp.float32),
        mesh=_mesh(),
        scratch_types=[
            pltpu.VMEM((NCHUNK, CH), jnp.int32),
            pltpu.VMEM((CH,), jnp.float32),
            pltpu.VMEM_SHARED((NP,), jnp.float32),
            pltpu.SemaphoreType.DMA,
        ],
    )(_deg_sc_body)


_DEG_Q = 8


def _deg_sc_body(dst_hbm, zeros_hbm, out_hbm, dstv, ones_v, acc, dsem):
    cid = lax.axis_index("c")
    sid = lax.axis_index("s")
    wid = sid * NC + cid
    pltpu.sync_copy(dst_hbm.at[wid], dstv)
    for b in range(CH // 16):
        ones_v[pl.ds(b * 16, 16)] = jnp.ones((16,), jnp.float32)
    pltpu.sync_copy(zeros_hbm.at[pl.ds(sid * RPT, RPT)],
                    acc.at[pl.ds(sid * RPT, RPT)])
    plsc.subcore_barrier()

    for j in range(_DEG_Q):
        pltpu.make_async_copy(ones_v, acc.at[dstv.at[j]], dsem).start(add=True)

    def body(j, carry):
        pltpu.make_async_copy(ones_v, acc.at[dstv.at[j]], dsem).wait()
        pltpu.make_async_copy(ones_v, acc.at[dstv.at[j]], dsem).start(add=True)
        return carry

    lax.fori_loop(_DEG_Q, NCHUNK, body, 0)
    for j in range(_DEG_Q):
        pltpu.make_async_copy(ones_v, acc.at[dstv.at[j]], dsem).wait()
    plsc.subcore_barrier()
    pltpu.sync_copy(acc.at[pl.ds(sid * RPT, RPT)],
                    out_hbm.at[cid, pl.ds(sid * RPT, RPT)])


@functools.cache
def _make_agg_sc():
    return functools.partial(
        pl.kernel,
        out_type=jax.ShapeDtypeStruct((NC, NP, D), AGG_DT),
        mesh=_mesh(),
        scratch_types=[
            pltpu.VMEM((2, G, CH), jnp.int32),
            pltpu.VMEM((2, G, CH), jnp.int32),
            pltpu.VMEM((R, CH, D), AGG_DT),
            pltpu.VMEM_SHARED((4096, D), AGG_DT),
            [pltpu.SemaphoreType.DMA] * R,
            [pltpu.SemaphoreType.DMA] * R,
            pltpu.SemaphoreType.DMA,
        ],
    )(_agg_sc_body)


def _agg_sc_body(src_hbm, dst_hbm, g_hbm, zeros_hbm, out_hbm,
                 sidx, didx, ring, acc, gsem, ssem, isem):
    cid = lax.axis_index("c")
    sid = lax.axis_index("s")
    wid = sid * NC + cid
    pltpu.sync_copy(g_hbm.at[pl.ds(sid * 256, 256)],
                    acc.at[pl.ds(sid * 256, 256)])
    pltpu.make_async_copy(src_hbm.at[wid, pl.ds(0, G)], sidx.at[0],
                          isem).start()
    pltpu.make_async_copy(dst_hbm.at[wid, pl.ds(0, G)], didx.at[0],
                          isem).start()
    plsc.subcore_barrier()

    def grp_body(grp, carry):
        par = lax.rem(grp, 2)
        pltpu.make_async_copy(src_hbm.at[wid, pl.ds(grp * G, G)],
                              sidx.at[par], isem).wait()
        pltpu.make_async_copy(dst_hbm.at[wid, pl.ds(grp * G, G)],
                              didx.at[par], isem).wait()

        @pl.when(grp + 1 < NGRP)
        def _():
            pltpu.make_async_copy(src_hbm.at[wid, pl.ds((grp + 1) * G, G)],
                                  sidx.at[1 - par], isem).start()
            pltpu.make_async_copy(dst_hbm.at[wid, pl.ds((grp + 1) * G, G)],
                                  didx.at[1 - par], isem).start()

        ra, rb = ring.at[0], ring.at[1]
        gsa, gsb = gsem[0], gsem[1]
        ssa, ssb = ssem[0], ssem[1]
        pltpu.make_async_copy(acc.at[sidx.at[par, 0]], ra, gsa).start()

        def pair(t, c2):
            t0 = 2 * t
            t1 = t0 + 1

            @pl.when(t > 0)
            def _():
                pltpu.make_async_copy(rb, acc.at[didx.at[par, t1]],
                                      ssb).wait()

            pltpu.make_async_copy(acc.at[sidx.at[par, t1]], rb, gsb).start()
            pltpu.make_async_copy(acc.at[sidx.at[par, t0]], ra, gsa).wait()
            pltpu.make_async_copy(ra, acc.at[didx.at[par, t0]],
                                  ssa).start(add=True)
            pltpu.make_async_copy(acc.at[sidx.at[par, t1]], rb, gsb).wait()
            pltpu.make_async_copy(ra, acc.at[didx.at[par, t0]], ssa).wait()
            pltpu.make_async_copy(rb, acc.at[didx.at[par, t1]],
                                  ssb).start(add=True)

            @pl.when(t + 1 < G // 2)
            def _():
                pltpu.make_async_copy(acc.at[sidx.at[par, t0 + 2]], ra,
                                      gsa).start()

            return c2

        lax.fori_loop(0, G // 2, pair, 0)
        pltpu.make_async_copy(rb, acc.at[didx.at[par, G - 1]], ssb).wait()
        return carry

    lax.fori_loop(0, NGRP, grp_body, 0)
    plsc.subcore_barrier()
    pltpu.sync_copy(acc.at[pl.ds(sid * 256, 256)],
                    out_hbm.at[cid, pl.ds(sid * 256, 256)])


BLK = 1024
GRID = NP // BLK


def _dis(dp_blk):
    deg = dp_blk[0] + dp_blk[1] + 1.0
    return lax.rsqrt(deg)


def _mm1_body(x_ref, w1_ref, u_ref):
    u_ref[...] = jnp.dot(x_ref[...], w1_ref[...],
                         preferred_element_type=jnp.float32)


def _scale1_body(dp_ref, u_ref, g1_ref):
    dis = _dis(dp_ref[...])
    g1_ref[...] = (u_ref[...] * dis[:, None]).astype(AGG_DT)


def _mid_body(dp_ref, s1_ref, g1_ref, b1_ref, w2_ref, g2_ref):
    dis = _dis(dp_ref[...])
    s = (s1_ref[0].astype(jnp.float32) + s1_ref[1].astype(jnp.float32)
         + g1_ref[...].astype(jnp.float32))
    y = jnp.maximum(dis[:, None] * s + b1_ref[...][None, :], 0.0)
    g2_ref[...] = jnp.dot(y * dis[:, None], w2_ref[...],
                          preferred_element_type=jnp.float32).astype(AGG_DT)


def _final_body(dp_ref, s2_ref, g2_ref, b2_ref, out_ref):
    dis = _dis(dp_ref[...])
    s = (s2_ref[0].astype(jnp.float32) + s2_ref[1].astype(jnp.float32)
         + g2_ref[...].astype(jnp.float32))
    out_ref[...] = dis[:, None] * s + b2_ref[...][None, :]


def _row_spec():
    return pl.BlockSpec((BLK, D), lambda i: (i, 0))


def _dp_spec():
    return pl.BlockSpec((NC, BLK), lambda i: (0, i))


def _s_spec():
    return pl.BlockSpec((NC, BLK, D), lambda i: (0, i, 0))


def _full(shape):
    return pl.BlockSpec(shape, lambda i: tuple(0 for _ in shape))


def _mm1(x, W1):
    return pl.pallas_call(
        _mm1_body,
        grid=(GRID,),
        in_specs=[_row_spec(), _full((D, D))],
        out_specs=_row_spec(),
        out_shape=jax.ShapeDtypeStruct((NP, D), jnp.float32),
    )(x, W1)


def _scale1(dp, u):
    return pl.pallas_call(
        _scale1_body,
        grid=(GRID,),
        in_specs=[_dp_spec(), _row_spec()],
        out_specs=_row_spec(),
        out_shape=jax.ShapeDtypeStruct((NP, D), AGG_DT),
    )(dp, u)


def _mid(dp, s1, g1, b1, W2):
    return pl.pallas_call(
        _mid_body,
        grid=(GRID,),
        in_specs=[_dp_spec(), _s_spec(), _row_spec(), _full((D,)),
                  _full((D, D))],
        out_specs=_row_spec(),
        out_shape=jax.ShapeDtypeStruct((NP, D), AGG_DT),
    )(dp, s1, g1, b1, W2)


def _final(dp, s2, g2, b2):
    return pl.pallas_call(
        _final_body,
        grid=(GRID,),
        in_specs=[_dp_spec(), _s_spec(), _row_spec(), _full((D,))],
        out_specs=_row_spec(),
        out_shape=jax.ShapeDtypeStruct((NP, D), jnp.float32),
    )(dp, s2, g2, b2)


def kernel(x, edge_index, W1, b1, W2, b2):
    src = edge_index[0].astype(jnp.int32)
    dst = edge_index[1].astype(jnp.int32)
    pad = EPAD - E
    ar = jnp.arange(pad, dtype=jnp.int32)
    src_p = (jnp.concatenate([src, ar % N_NODES]) % 4096).reshape(NW, NCHUNK, CH)
    dst_p = (jnp.concatenate([dst, N_NODES + (ar % 16)]) % 4096).reshape(NW, NCHUNK, CH)

    xp = jnp.zeros((NP, D), jnp.float32).at[:N_NODES].set(x)
    zeros2d = jnp.zeros((NP, D), AGG_DT)
    zeros1d = jnp.zeros((NP,), jnp.float32)

    deg_sc = _make_deg_sc()
    agg_sc = _make_agg_sc()
    dp = deg_sc(dst_p, zeros1d)
    u1 = _mm1(xp, W1)
    g1 = _scale1(dp, u1)
    s1 = agg_sc(src_p, dst_p, g1, zeros2d)
    g2 = _mid(dp, s1, g1, b1, W2)
    s2 = agg_sc(src_p, dst_p, g2, zeros2d)
    out = _final(dp, s2, g2, b2)
    return out[:N_NODES]

# --- scband reference (transcript-rebuilt; emitter-appended) ---
"""Pipeline reference for scband-gcnencoder-63221918597720 (READ-ONLY COPY).

The authoritative reference and input builder live on the scoring server;
editing this copy changes nothing except your own understanding.
"""

import jax, jax.numpy as jnp
import numpy as np

N_NODES = 10000
N_EDGES = 640000
IN_DIM = 128
HID_DIM = 128
EMB_DIM = 128


def setup_inputs(seed: int = 0) -> dict:
    key = jax.random.key(seed)
    k_x, k_e, k_w1, k_b1, k_w2, k_b2 = jax.random.split(key, 6)
    x = jax.random.normal(k_x, (N_NODES, IN_DIM), dtype=jnp.float32)
    edge_index = jax.random.randint(k_e, (2, N_EDGES), 0, N_NODES, dtype=jnp.int64)
    # GCNConv params (PyG: glorot weight, zeros bias; here random init for reference)
    W1 = jax.random.normal(k_w1, (IN_DIM, HID_DIM), dtype=jnp.float32) * (1.0 / np.sqrt(IN_DIM))
    b1 = jnp.zeros((HID_DIM,), dtype=jnp.float32)
    W2 = jax.random.normal(k_w2, (HID_DIM, EMB_DIM), dtype=jnp.float32) * (1.0 / np.sqrt(HID_DIM))
    b2 = jnp.zeros((EMB_DIM,), dtype=jnp.float32)
    return {"x": x, "edge_index": edge_index, "W1": W1, "b1": b1, "W2": W2, "b2": b2}


def _gcn_norm(edge_index, num_nodes):
    # add self loops (PyG GCNConv default add_self_loops=True)
    loop = jnp.arange(num_nodes, dtype=edge_index.dtype)
    src = jnp.concatenate([edge_index[0], loop])
    dst = jnp.concatenate([edge_index[1], loop])
    ones = jnp.ones(src.shape[0], dtype=jnp.float32)
    deg = jax.ops.segment_sum(ones, dst, num_segments=num_nodes)
    deg_inv_sqrt = jnp.where(deg > 0, jax.lax.rsqrt(deg), 0.0)
    norm = deg_inv_sqrt[src] * deg_inv_sqrt[dst]
    return src, dst, norm


def _gcn_conv(x, W, b, src, dst, norm, num_nodes):
    # PyG GCNConv: linear transform first, then normalized aggregation, then bias
    h = x @ W
    msg = h[src] * norm[:, None]
    out = jax.ops.segment_sum(msg, dst, num_segments=num_nodes)
    return out + b


def reference(x, edge_index, W1, b1, W2, b2):
    num_nodes = x.shape[0]
    src, dst, norm = _gcn_norm(edge_index, num_nodes)
    h = _gcn_conv(x, W1, b1, src, dst, norm, num_nodes)
    h = jax.nn.relu(h)
    out = _gcn_conv(h, W2, b2, src, dst, norm, num_nodes)
    return out

if __name__ == "__main__":
    import jax
    _d = setup_inputs()
    print(jax.jit(kernel)(*tuple(_d.values())))

</pallas_src>

<mosaic_0001>
#map = affine_map<(d0, d1) -> (0, 0, 0)>
#map1 = affine_map<(d0, d1) -> (0)>
#map2 = affine_map<(d0, d1) -> (0, 0)>
module attributes {stable_mosaic.version = 14 : i64} {
  func.func @_deg_sc_body(%arg0: i32, %arg1: i32, %arg2: memref<32x160x128xi32, #tpu.memory_space<hbm>>, %arg3: memref<10240xf32, #tpu.memory_space<hbm>>, %arg4: memref<2x10240xf32, #tpu.memory_space<hbm>>, %arg5: memref<160x128xi32, #tpu.memory_space<vmem>>, %arg6: memref<128xf32, #tpu.memory_space<vmem>>, %arg7: memref<10240xf32, #tpu.memory_space<vmem_shared>>, %arg8: memref<!tpu.dma_semaphore, #tpu.memory_space<semaphore_mem>>) attributes {dimension_semantics = [#tpu.dimension_semantics<core_parallel>, #tpu.dimension_semantics<subcore_parallel>], iteration_bounds = array<i64: 2, 16>, scalar_prefetch = 0 : i64, scratch_operands = 4 : i64, tpu.core_type = #tpu.core_type<sc_vector_subcore>, window_params = [{transform_indices = #map}, {transform_indices = #map1}, {transform_indices = #map2}]} {
    %mul3A = arith.constant 2 : i32
    %mul3A_0 = arith.muli %arg1, %mul3A : i32
    %add3A = arith.addi %mul3A_0, %arg0 : i32
    "tpu.region"() ({
      %run_scoped3A = tpu.sem_alloc : memref<!tpu.dma_semaphore, #tpu.memory_space<semaphore_mem>>
      %dma_start3A_155 = arith.constant 0 : i32
      %dma_start3A_156 = arith.constant 0 : i32
      %dma_start3A_157 = tpu.memref_slice %arg2[%add3A, %dma_start3A_155, %dma_start3A_156] : memref<32x160x128xi32, #tpu.memory_space<hbm>> -> memref<1x160x128xi32, #tpu.memory_space<hbm>>
      %dma_start3A_158 = tpu.memref_squeeze %dma_start3A_157 : memref<1x160x128xi32, #tpu.memory_space<hbm>> -> memref<160x128xi32, #tpu.memory_space<hbm>>
      %dma_start3A_159 = arith.constant 0 : i32
      %dma_start3A_160 = arith.constant 0 : i32
      %dma_start3A_161 = tpu.memref_slice %arg2[%add3A, %dma_start3A_159, %dma_start3A_160] : memref<32x160x128xi32, #tpu.memory_space<hbm>> -> memref<1x160x128xi32, #tpu.memory_space<hbm>>
      %dma_start3A_162 = tpu.memref_squeeze %dma_start3A_161 : memref<1x160x128xi32, #tpu.memory_space<hbm>> -> memref<160x128xi32, #tpu.memory_space<hbm>>
      tpu.enqueue_dma source(%dma_start3A_162 : memref<160x128xi32, #tpu.memory_space<hbm>>) target(%arg5 : memref<160x128xi32, #tpu.memory_space<vmem>>) target_semaphore(%run_scoped3A : memref<!tpu.dma_semaphore, #tpu.memory_space<semaphore_mem>>)
      %dma_wait3A_163 = arith.constant 0 : i32
      %dma_wait3A_164 = arith.constant 0 : i32
      %dma_wait3A_165 = tpu.memref_slice %arg2[%add3A, %dma_wait3A_163, %dma_wait3A_164] : memref<32x160x128xi32, #tpu.memory_space<hbm>> -> memref<1x160x128xi32, #tpu.memory_space<hbm>>
      %dma_wait3A_166 = tpu.memref_squeeze %dma_wait3A_165 : memref<1x160x128xi32, #tpu.memory_space<hbm>> -> memref<160x128xi32, #tpu.memory_space<hbm>>
      %dma_wait3A_167 = arith.constant 0 : i32
      %dma_wait3A_168 = arith.constant 0 : i32
      %dma_wait3A_169 = tpu.memref_slice %arg2[%add3A, %dma_wait3A_167, %dma_wait3A_168] : memref<32x160x128xi32, #tpu.memory_space<hbm>> -> memref<1x160x128xi32, #tpu.memory_space<hbm>>
      %dma_wait3A_170 = tpu.memref_squeeze %dma_wait3A_169 : memref<1x160x128xi32, #tpu.memory_space<hbm>> -> memref<160x128xi32, #tpu.memory_space<hbm>>
      tpu.wait_dma2 semaphore(%run_scoped3A : memref<!tpu.dma_semaphore, #tpu.memory_space<semaphore_mem>>) src(%dma_wait3A_170 : memref<160x128xi32, #tpu.memory_space<hbm>>) dst(%arg5 : memref<160x128xi32, #tpu.memory_space<vmem>>)
      tpu.yield
    }) : () -> ()
    %broadcast_in_dim3A = arith.constant 1.000000e+00 : f32
    %broadcast_in_dim3A_1 = vector.broadcast %broadcast_in_dim3A : f32 to vector<16xf32>
    %swap3A = arith.constant 0 : index
    %swap3A_2 = tpu.vector_load %arg6[%swap3A] {strides = array<i32>} : memref<128xf32, #tpu.memory_space<vmem>>, vector<16xf32>,
    %swap3A_3 = vector.shape_cast %swap3A_2 : vector<16xf32> to vector<16xf32>
    %swap3A_4 = vector.shape_cast %broadcast_in_dim3A_1 : vector<16xf32> to vector<16xf32>
    tpu.vector_store %arg6[%swap3A], %swap3A_4 {strides = array<i32>} : memref<128xf32, #tpu.memory_space<vmem>>, vector<16xf32>,
    %broadcast_in_dim3A_5 = arith.constant 1.000000e+00 : f32
    %broadcast_in_dim3A_6 = vector.broadcast %broadcast_in_dim3A_5 : f32 to vector<16xf32>
    %swap3A_7 = arith.constant 16 : index
    %swap3A_8 = tpu.vector_load %arg6[%swap3A_7] {strides = array<i32>} : memref<128xf32, #tpu.memory_space<vmem>>, vector<16xf32>,
    %swap3A_9 = vector.shape_cast %swap3A_8 : vector<16xf32> to vector<16xf32>
    %swap3A_10 = vector.shape_cast %broadcast_in_dim3A_6 : vector<16xf32> to vector<16xf32>
    tpu.vector_store %arg6[%swap3A_7], %swap3A_10 {strides = array<i32>} : memref<128xf32, #tpu.memory_space<vmem>>, vector<16xf32>,
    %broadcast_in_dim3A_11 = arith.constant 1.000000e+00 : f32
    %broadcast_in_dim3A_12 = vector.broadcast %broadcast_in_dim3A_11 : f32 to vector<16xf32>
    %swap3A_13 = arith.constant 32 : index
    %swap3A_14 = tpu.vector_load %arg6[%swap3A_13] {strides = array<i32>} : memref<128xf32, #tpu.memory_space<vmem>>, vector<16xf32>,
    %swap3A_15 = vector.shape_cast %swap3A_14 : vector<16xf32> to vector<16xf32>
    %swap3A_16 = vector.shape_cast %broadcast_in_dim3A_12 : vector<16xf32> to vector<16xf32>
    tpu.vector_store %arg6[%swap3A_13], %swap3A_16 {strides = array<i32>} : memref<128xf32, #tpu.memory_space<vmem>>, vector<16xf32>,
    %broadcast_in_dim3A_17 = arith.constant 1.000000e+00 : f32
    %broadcast_in_dim3A_18 = vector.broadcast %broadcast_in_dim3A_17 : f32 to vector<16xf32>
    %swap3A_19 = arith.constant 48 : index
    %swap3A_20 = tpu.vector_load %arg6[%swap3A_19] {strides = array<i32>} : memref<128xf32, #tpu.memory_space<vmem>>, vector<16xf32>,
    %swap3A_21 = vector.shape_cast %swap3A_20 : vector<16xf32> to vector<16xf32>
    %swap3A_22 = vector.shape_cast %broadcast_in_dim3A_18 : vector<16xf32> to vector<16xf32>
    tpu.vector_store %arg6[%swap3A_19], %swap3A_22 {strides = array<i32>} : memref<128xf32, #tpu.memory_space<vmem>>, vector<16xf32>,
    %broadcast_in_dim3A_23 = arith.constant 1.000000e+00 : f32
    %broadcast_in_dim3A_24 = vector.broadcast %broadcast_in_dim3A_23 : f32 to vector<16xf32>
    %swap3A_25 = arith.constant 64 : index
    %swap3A_26 = tpu.vector_load %arg6[%swap3A_25] {strides = array<i32>} : memref<128xf32, #tpu.memory_space<vmem>>, vector<16xf32>,
    %swap3A_27 = vector.shape_cast %swap3A_26 : vector<16xf32> to vector<16xf32>
    %swap3A_28 = vector.shape_cast %broadcast_in_dim3A_24 : vector<16xf32> to vector<16xf32>
    tpu.vector_store %arg6[%swap3A_25], %swap3A_28 {strides = array<i32>} : memref<128xf32, #tpu.memory_space<vmem>>, vector<16xf32>,
    %broadcast_in_dim3A_29 = arith.constant 1.000000e+00 : f32
    %broadcast_in_dim3A_30 = vector.broadcast %broadcast_in_dim3A_29 : f32 to vector<16xf32>
    %swap3A_31 = arith.constant 80 : index
    %swap3A_32 = tpu.vector_load %arg6[%swap3A_31] {strides = array<i32>} : memref<128xf32, #tpu.memory_space<vmem>>, vector<16xf32>,
    %swap3A_33 = vector.shape_cast %swap3A_32 : vector<16xf32> to vector<16xf32>
    %swap3A_34 = vector.shape_cast %broadcast_in_dim3A_30 : vector<16xf32> to vector<16xf32>
    tpu.vector_store %arg6[%swap3A_31], %swap3A_34 {strides = array<i32>} : memref<128xf32, #tpu.memory_space<vmem>>, vector<16xf32>,
    %broadcast_in_dim3A_35 = arith.constant 1.000000e+00 : f32
    %broadcast_in_dim3A_36 = vector.broadcast %broadcast_in_dim3A_35 : f32 to vector<16xf32>
    %swap3A_37 = arith.constant 96 : index
    %swap3A_38 = tpu.vector_load %arg6[%swap3A_37] {strides = array<i32>} : memref<128xf32, #tpu.memory_space<vmem>>, vector<16xf32>,
    %swap3A_39 = vector.shape_cast %swap3A_38 : vector<16xf32> to vector<16xf32>
    %swap3A_40 = vector.shape_cast %broadcast_in_dim3A_36 : vector<16xf32> to vector<16xf32>
    tpu.vector_store %arg6[%swap3A_37], %swap3A_40 {strides = array<i32>} : memref<128xf32, #tpu.memory_space<vmem>>, vector<16xf32>,
    %broadcast_in_dim3A_41 = arith.constant 1.000000e+00 : f32
    %broadcast_in_dim3A_42 = vector.broadcast %broadcast_in_dim3A_41 : f32 to vector<16xf32>
    %swap3A_43 = arith.constant 112 : index
    %swap3A_44 = tpu.vector_load %arg6[%swap3A_43] {strides = array<i32>} : memref<128xf32, #tpu.memory_space<vmem>>, vector<16xf32>,
    %swap3A_45 = vector.shape_cast %swap3A_44 : vector<16xf32> to vector<16xf32>
    %swap3A_46 = vector.shape_cast %broadcast_in_dim3A_42 : vector<16xf32> to vector<16xf32>
    tpu.vector_store %arg6[%swap3A_43], %swap3A_46 {strides = array<i32>} : memref<128xf32, #tpu.memory_space<vmem>>, vector<16xf32>,
    %mul3A_47 = arith.constant 640 : i32
    %mul3A_48 = arith.muli %arg1, %mul3A_47 : i32
    %mul3A_49 = arith.constant 640 : i32
    %mul3A_50 = arith.muli %arg1, %mul3A_49 : i32
    "tpu.region"() ({
      %run_scoped3A = tpu.sem_alloc : memref<!tpu.dma_semaphore, #tpu.memory_space<semaphore_mem>>
      %dma_start3A_155 = tpu.memref_slice %arg7[%mul3A_50] : memref<10240xf32, #tpu.memory_space<vmem_shared>> -> memref<640xf32, #tpu.memory_space<vmem_shared>>
      %dma_start3A_156 = tpu.memref_slice %arg3[%mul3A_48] : memref<10240xf32, #tpu.memory_space<hbm>> -> memref<640xf32, #tpu.memory_space<hbm>>
      tpu.enqueue_dma source(%dma_start3A_156 : memref<640xf32, #tpu.memory_space<hbm>>) target(%dma_start3A_155 : memref<640xf32, #tpu.memory_space<vmem_shared>>) target_semaphore(%run_scoped3A : memref<!tpu.dma_semaphore, #tpu.memory_space<semaphore_mem>>)
      %dma_wait3A_157 = tpu.memref_slice %arg7[%mul3A_50] : memref<10240xf32, #tpu.memory_space<vmem_shared>> -> memref<640xf32, #tpu.memory_space<vmem_shared>>
      %dma_wait3A_158 = tpu.memref_slice %arg3[%mul3A_48] : memref<10240xf32, #tpu.memory_space<hbm>> -> memref<640xf32, #tpu.memory_space<hbm>>
      tpu.wait_dma2 semaphore(%run_scoped3A : memref<!tpu.dma_semaphore, #tpu.memory_space<semaphore_mem>>) src(%dma_wait3A_158 : memref<640xf32, #tpu.memory_space<hbm>>) dst(%dma_wait3A_157 : memref<640xf32, #tpu.memory_space<vmem_shared>>)
      tpu.yield
    }) : () -> ()
    %barrier3A = arith.constant 0 : index
    tpu.barrier barrier_id(%barrier3A)
    %dma_start3A = arith.constant 0 : i32
    %dma_start3A_51 = arith.constant 0 : i32
    %dma_start3A_52 = tpu.memref_slice %arg5[%dma_start3A, %dma_start3A_51] : memref<160x128xi32, #tpu.memory_space<vmem>> -> memref<1x128xi32, #tpu.memory_space<vmem>>
    %dma_start3A_53 = tpu.memref_squeeze %dma_start3A_52 : memref<1x128xi32, #tpu.memory_space<vmem>> -> memref<128xi32, #tpu.memory_space<vmem>>
    %dma_start3A_54 = arith.constant 0 : i32
    %dma_start3A_55 = tpu.memref_slice %arg7[%dma_start3A_54] : memref<10240xf32, #tpu.memory_space<vmem_shared>> -> memref<10240xf32, #tpu.memory_space<vmem_shared>>
    tpu.enqueue_indirect_dma source(%arg6 : memref<128xf32, #tpu.memory_space<vmem>>) target(%dma_start3A_55 : memref<10240xf32, #tpu.memory_space<vmem_shared>>) offsets(%dma_start3A_53 : memref<128xi32, #tpu.memory_space<vmem>>) semaphore(%arg8 : memref<!tpu.dma_semaphore, #tpu.memory_space<semaphore_mem>>) {add = true}
    %dma_start3A_56 = arith.constant 1 : i32
    %dma_start3A_57 = arith.constant 0 : i32
    %dma_start3A_58 = tpu.memref_slice %arg5[%dma_start3A_56, %dma_start3A_57] : memref<160x128xi32, #tpu.memory_space<vmem>> -> memref<1x128xi32, #tpu.memory_space<vmem>>
    %dma_start3A_59 = tpu.memref_squeeze %dma_start3A_58 : memref<1x128xi32, #tpu.memory_space<vmem>> -> memref<128xi32, #tpu.memory_space<vmem>>
    %dma_start3A_60 = arith.constant 0 : i32
    %dma_start3A_61 = tpu.memref_slice %arg7[%dma_start3A_60] : memref<10240xf32, #tpu.memory_space<vmem_shared>> -> memref<10240xf32, #tpu.memory_space<vmem_shared>>
    tpu.enqueue_indirect_dma source(%arg6 : memref<128xf32, #tpu.memory_space<vmem>>) target(%dma_start3A_61 : memref<10240xf32, #tpu.memory_space<vmem_shared>>) offsets(%dma_start3A_59 : memref<128xi32, #tpu.memory_space<vmem>>) semaphore(%arg8 : memref<!tpu.dma_semaphore, #tpu.memory_space<semaphore_mem>>) {add = true}
    %dma_start3A_62 = arith.constant 2 : i32
    %dma_start3A_63 = arith.constant 0 : i32
    %dma_start3A_64 = tpu.memref_slice %arg5[%dma_start3A_62, %dma_start3A_63] : memref<160x128xi32, #tpu.memory_space<vmem>> -> memref<1x128xi32, #tpu.memory_space<vmem>>
    %dma_start3A_65 = tpu.memref_squeeze %dma_start3A_64 : memref<1x128xi32, #tpu.memory_space<vmem>> -> memref<128xi32, #tpu.memory_space<vmem>>
    %dma_start3A_66 = arith.constant 0 : i32
    %dma_start3A_67 = tpu.memref_slice %arg7[%dma_start3A_66] : memref<10240xf32, #tpu.memory_space<vmem_shared>> -> memref<10240xf32, #tpu.memory_space<vmem_shared>>
    tpu.enqueue_indirect_dma source(%arg6 : memref<128xf32, #tpu.memory_space<vmem>>) target(%dma_start3A_67 : memref<10240xf32, #tpu.memory_space<vmem_shared>>) offsets(%dma_start3A_65 : memref<128xi32, #tpu.memory_space<vmem>>) semaphore(%arg8 : memref<!tpu.dma_semaphore, #tpu.memory_space<semaphore_mem>>) {add = true}
    %dma_start3A_68 = arith.constant 3 : i32
    %dma_start3A_69 = arith.constant 0 : i32
    %dma_start3A_70 = tpu.memref_slice %arg5[%dma_start3A_68, %dma_start3A_69] : memref<160x128xi32, #tpu.memory_space<vmem>> -> memref<1x128xi32, #tpu.memory_space<vmem>>
    %dma_start3A_71 = tpu.memref_squeeze %dma_start3A_70 : memref<1x128xi32, #tpu.memory_space<vmem>> -> memref<128xi32, #tpu.memory_space<vmem>>
    %dma_start3A_72 = arith.constant 0 : i32
    %dma_start3A_73 = tpu.memref_slice %arg7[%dma_start3A_72] : memref<10240xf32, #tpu.memory_space<vmem_shared>> -> memref<10240xf32, #tpu.memory_space<vmem_shared>>
    tpu.enqueue_indirect_dma source(%arg6 : memref<128xf32, #tpu.memory_space<vmem>>) target(%dma_start3A_73 : memref<10240xf32, #tpu.memory_space<vmem_shared>>) offsets(%dma_start3A_71 : memref<128xi32, #tpu.memory_space<vmem>>) semaphore(%arg8 : memref<!tpu.dma_semaphore, #tpu.memory_space<semaphore_mem>>) {add = true}
    %dma_start3A_74 = arith.constant 4 : i32
    %dma_start3A_75 = arith.constant 0 : i32
    %dma_start3A_76 = tpu.memref_slice %arg5[%dma_start3A_74, %dma_start3A_75] : memref<160x128xi32, #tpu.memory_space<vmem>> -> memref<1x128xi32, #tpu.memory_space<vmem>>
    %dma_start3A_77 = tpu.memref_squeeze %dma_start3A_76 : memref<1x128xi32, #tpu.memory_space<vmem>> -> memref<128xi32, #tpu.memory_space<vmem>>
    %dma_start3A_78 = arith.constant 0 : i32
    %dma_start3A_79 = tpu.memref_slice %arg7[%dma_start3A_78] : memref<10240xf32, #tpu.memory_space<vmem_shared>> -> memref<10240xf32, #tpu.memory_space<vmem_shared>>
    tpu.enqueue_indirect_dma source(%arg6 : memref<128xf32, #tpu.memory_space<vmem>>) target(%dma_start3A_79 : memref<10240xf32, #tpu.memory_space<vmem_shared>>) offsets(%dma_start3A_77 : memref<128xi32, #tpu.memory_space<vmem>>) semaphore(%arg8 : memref<!tpu.dma_semaphore, #tpu.memory_space<semaphore_mem>>) {add = true}
    %dma_start3A_80 = arith.constant 5 : i32
    %dma_start3A_81 = arith.constant 0 : i32
    %dma_start3A_82 = tpu.memref_slice %arg5[%dma_start3A_80, %dma_start3A_81] : memref<160x128xi32, #tpu.memory_space<vmem>> -> memref<1x128xi32, #tpu.memory_space<vmem>>
    %dma_start3A_83 = tpu.memref_squeeze %dma_start3A_82 : memref<1x128xi32, #tpu.memory_space<vmem>> -> memref<128xi32, #tpu.memory_space<vmem>>
    %dma_start3A_84 = arith.constant 0 : i32
    %dma_start3A_85 = tpu.memref_slice %arg7[%dma_start3A_84] : memref<10240xf32, #tpu.memory_space<vmem_shared>> -> memref<10240xf32, #tpu.memory_space<vmem_shared>>
    tpu.enqueue_indirect_dma source(%arg6 : memref<128xf32, #tpu.memory_space<vmem>>) target(%dma_start3A_85 : memref<10240xf32, #tpu.memory_space<vmem_shared>>) offsets(%dma_start3A_83 : memref<128xi32, #tpu.memory_space<vmem>>) semaphore(%arg8 : memref<!tpu.dma_semaphore, #tpu.memory_space<semaphore_mem>>) {add = true}
    %dma_start3A_86 = arith.constant 6 : i32
    %dma_start3A_87 = arith.constant 0 : i32
    %dma_start3A_88 = tpu.memref_slice %arg5[%dma_start3A_86, %dma_start3A_87] : memref<160x128xi32, #tpu.memory_space<vmem>> -> memref<1x128xi32, #tpu.memory_space<vmem>>
    %dma_start3A_89 = tpu.memref_squeeze %dma_start3A_88 : memref<1x128xi32, #tpu.memory_space<vmem>> -> memref<128xi32, #tpu.memory_space<vmem>>
    %dma_start3A_90 = arith.constant 0 : i32
    %dma_start3A_91 = tpu.memref_slice %arg7[%dma_start3A_90] : memref<10240xf32, #tpu.memory_space<vmem_shared>> -> memref<10240xf32, #tpu.memory_space<vmem_shared>>
    tpu.enqueue_indirect_dma source(%arg6 : memref<128xf32, #tpu.memory_space<vmem>>) target(%dma_start3A_91 : memref<10240xf32, #tpu.memory_space<vmem_shared>>) offsets(%dma_start3A_89 : memref<128xi32, #tpu.memory_space<vmem>>) semaphore(%arg8 : memref<!tpu.dma_semaphore, #tpu.memory_space<semaphore_mem>>) {add = true}
    %dma_start3A_92 = arith.constant 7 : i32
    %dma_start3A_93 = arith.constant 0 : i32
    %dma_start3A_94 = tpu.memref_slice %arg5[%dma_start3A_92, %dma_start3A_93] : memref<160x128xi32, #tpu.memory_space<vmem>> -> memref<1x128xi32, #tpu.memory_space<vmem>>
    %dma_start3A_95 = tpu.memref_squeeze %dma_start3A_94 : memref<1x128xi32, #tpu.memory_space<vmem>> -> memref<128xi32, #tpu.memory_space<vmem>>
    %dma_start3A_96 = arith.constant 0 : i32
    %dma_start3A_97 = tpu.memref_slice %arg7[%dma_start3A_96] : memref<10240xf32, #tpu.memory_space<vmem_shared>> -> memref<10240xf32, #tpu.memory_space<vmem_shared>>
    tpu.enqueue_indirect_dma source(%arg6 : memref<128xf32, #tpu.memory_space<vmem>>) target(%dma_start3A_97 : memref<10240xf32, #tpu.memory_space<vmem_shared>>) offsets(%dma_start3A_95 : memref<128xi32, #tpu.memory_space<vmem>>) semaphore(%arg8 : memref<!tpu.dma_semaphore, #tpu.memory_space<semaphore_mem>>) {add = true}
    %scan3A = arith.constant 0 : i32
    %scan3A_98 = arith.constant 8 : i32
    %scan3A_99 = arith.constant 152 : i32
    %scan3A_100 = arith.addi %scan3A_98, %scan3A_99 : i32
    %scan3A_101 = arith.constant 1 : i32
    scf.for %scan3A_155 = %scan3A_98 to %scan3A_100 step %scan3A_101  : i32 {
      %dma_wait3A_156 = arith.constant 0 : i32
      %dma_wait3A_157 = tpu.memref_slice %arg5[%scan3A_155, %dma_wait3A_156] : memref<160x128xi32, #tpu.memory_space<vmem>> -> memref<1x128xi32, #tpu.memory_space<vmem>>
      %dma_wait3A_158 = tpu.memref_squeeze %dma_wait3A_157 : memref<1x128xi32, #tpu.memory_space<vmem>> -> memref<128xi32, #tpu.memory_space<vmem>>
      %dma_wait3A_159 = arith.constant 0 : i32
      %dma_wait3A_160 = tpu.memref_slice %arg7[%dma_wait3A_159] : memref<10240xf32, #tpu.memory_space<vmem_shared>> -> memref<10240xf32, #tpu.memory_space<vmem_shared>>
      tpu.wait_indirect_dma semaphore(%arg8 : memref<!tpu.dma_semaphore, #tpu.memory_space<semaphore_mem>>) src(%arg6 : memref<128xf32, #tpu.memory_space<vmem>>) dst(%dma_wait3A_160 : memref<10240xf32, #tpu.memory_space<vmem_shared>>)
      %dma_start3A_161 = arith.constant 0 : i32
      %dma_start3A_162 = tpu.memref_slice %arg5[%scan3A_155, %dma_start3A_161] : memref<160x128xi32, #tpu.memory_space<vmem>> -> memref<1x128xi32, #tpu.memory_space<vmem>>
      %dma_start3A_163 = tpu.memref_squeeze %dma_start3A_162 : memref<1x128xi32, #tpu.memory_space<vmem>> -> memref<128xi32, #tpu.memory_space<vmem>>
      %dma_start3A_164 = arith.constant 0 : i32
      %dma_start3A_165 = tpu.memref_slice %arg7[%dma_start3A_164] : memref<10240xf32, #tpu.memory_space<vmem_shared>> -> memref<10240xf32, #tpu.memory_space<vmem_shared>>
      tpu.enqueue_indirect_dma source(%arg6 : memref<128xf32, #tpu.memory_space<vmem>>) target(%dma_start3A_165 : memref<10240xf32, #tpu.memory_space<vmem_shared>>) offsets(%dma_start3A_163 : memref<128xi32, #tpu.memory_space<vmem>>) semaphore(%arg8 : memref<!tpu.dma_semaphore, #tpu.memory_space<semaphore_mem>>) {add = true}
    }
    %scan3A_102 = arith.constant 152 : i32
    %dma_wait3A = arith.constant 0 : i32
    %dma_wait3A_103 = arith.constant 0 : i32
    %dma_wait3A_104 = tpu.memref_slice %arg5[%dma_wait3A, %dma_wait3A_103] : memref<160x128xi32, #tpu.memory_space<vmem>> -> memref<1x128xi32, #tpu.memory_space<vmem>>
    %dma_wait3A_105 = tpu.memref_squeeze %dma_wait3A_104 : memref<1x128xi32, #tpu.memory_space<vmem>> -> memref<128xi32, #tpu.memory_space<vmem>>
    %dma_wait3A_106 = arith.constant 0 : i32
    %dma_wait3A_107 = tpu.memref_slice %arg7[%dma_wait3A_106] : memref<10240xf32, #tpu.memory_space<vmem_shared>> -> memref<10240xf32, #tpu.memory_space<vmem_shared>>
    tpu.wait_indirect_dma semaphore(%arg8 : memref<!tpu.dma_semaphore, #tpu.memory_space<semaphore_mem>>) src(%arg6 : memref<128xf32, #tpu.memory_space<vmem>>) dst(%dma_wait3A_107 : memref<10240xf32, #tpu.memory_space<vmem_shared>>)
    %dma_wait3A_108 = arith.constant 1 : i32
    %dma_wait3A_109 = arith.constant 0 : i32
    %dma_wait3A_110 = tpu.memref_slice %arg5[%dma_wait3A_108, %dma_wait3A_109] : memref<160x128xi32, #tpu.memory_space<vmem>> -> memref<1x128xi32, #tpu.memory_space<vmem>>
    %dma_wait3A_111 = tpu.memref_squeeze %dma_wait3A_110 : memref<1x128xi32, #tpu.memory_space<vmem>> -> memref<128xi32, #tpu.memory_space<vmem>>
    %dma_wait3A_112 = arith.constant 0 : i32
    %dma_wait3A_113 = tpu.memref_slice %arg7[%dma_wait3A_112] : memref<10240xf32, #tpu.memory_space<vmem_shared>> -> memref<10240xf32, #tpu.memory_space<vmem_shared>>
    tpu.wait_indirect_dma semaphore(%arg8 : memref<!tpu.dma_semaphore, #tpu.memory_space<semaphore_mem>>) src(%arg6 : memref<128xf32, #tpu.memory_space<vmem>>) dst(%dma_wait3A_113 : memref<10240xf32, #tpu.memory_space<vmem_shared>>)
    %dma_wait3A_114 = arith.constant 2 : i32
    %dma_wait3A_115 = arith.constant 0 : i32
    %dma_wait3A_116 = tpu.memref_slice %arg5[%dma_wait3A_114, %dma_wait3A_115] : memref<160x128xi32, #tpu.memory_space<vmem>> -> memref<1x128xi32, #tpu.memory_space<vmem>>
    %dma_wait3A_117 = tpu.memref_squeeze %dma_wait3A_116 : memref<1x128xi32, #tpu.memory_space<vmem>> -> memref<128xi32, #tpu.memory_space<vmem>>
    %dma_wait3A_118 = arith.constant 0 : i32
    %dma_wait3A_119 = tpu.memref_slice %arg7[%dma_wait3A_118] : memref<10240xf32, #tpu.memory_space<vmem_shared>> -> memref<10240xf32, #tpu.memory_space<vmem_shared>>
    tpu.wait_indirect_dma semaphore(%arg8 : memref<!tpu.dma_semaphore, #tpu.memory_space<semaphore_mem>>) src(%arg6 : memref<128xf32, #tpu.memory_space<vmem>>) dst(%dma_wait3A_119 : memref<10240xf32, #tpu.memory_space<vmem_shared>>)
    %dma_wait3A_120 = arith.constant 3 : i32
    %dma_wait3A_121 = arith.constant 0 : i32
    %dma_wait3A_122 = tpu.memref_slice %arg5[%dma_wait3A_120, %dma_wait3A_121] : memref<160x128xi32, #tpu.memory_space<vmem>> -> memref<1x128xi32, #tpu.memory_space<vmem>>
    %dma_wait3A_123 = tpu.memref_squeeze %dma_wait3A_122 : memref<1x128xi32, #tpu.memory_space<vmem>> -> memref<128xi32, #tpu.memory_space<vmem>>
    %dma_wait3A_124 = arith.constant 0 : i32
    %dma_wait3A_125 = tpu.memref_slice %arg7[%dma_wait3A_124] : memref<10240xf32, #tpu.memory_space<vmem_shared>> -> memref<10240xf32, #tpu.memory_space<vmem_shared>>
    tpu.wait_indirect_dma semaphore(%arg8 : memref<!tpu.dma_semaphore, #tpu.memory_space<semaphore_mem>>) src(%arg6 : memref<128xf32, #tpu.memory_space<vmem>>) dst(%dma_wait3A_125 : memref<10240xf32, #tpu.memory_space<vmem_shared>>)
    %dma_wait3A_126 = arith.constant 4 : i32
    %dma_wait3A_127 = arith.constant 0 : i32
    %dma_wait3A_128 = tpu.memref_slice %arg5[%dma_wait3A_126, %dma_wait3A_127] : memref<160x128xi32, #tpu.memory_space<vmem>> -> memref<1x128xi32, #tpu.memory_space<vmem>>
    %dma_wait3A_129 = tpu.memref_squeeze %dma_wait3A_128 : memref<1x128xi32, #tpu.memory_space<vmem>> -> memref<128xi32, #tpu.memory_space<vmem>>
    %dma_wait3A_130 = arith.constant 0 : i32
    %dma_wait3A_131 = tpu.memref_slice %arg7[%dma_wait3A_130] : memref<10240xf32, #tpu.memory_space<vmem_shared>> -> memref<10240xf32, #tpu.memory_space<vmem_shared>>
    tpu.wait_indirect_dma semaphore(%arg8 : memref<!tpu.dma_semaphore, #tpu.memory_space<semaphore_mem>>) src(%arg6 : memref<128xf32, #tpu.memory_space<vmem>>) dst(%dma_wait3A_131 : memref<10240xf32, #tpu.memory_space<vmem_shared>>)
    %dma_wait3A_132 = arith.constant 5 : i32
    %dma_wait3A_133 = arith.constant 0 : i32
    %dma_wait3A_134 = tpu.memref_slice %arg5[%dma_wait3A_132, %dma_wait3A_133] : memref<160x128xi32, #tpu.memory_space<vmem>> -> memref<1x128xi32, #tpu.memory_space<vmem>>
    %dma_wait3A_135 = tpu.memref_squeeze %dma_wait3A_134 : memref<1x128xi32, #tpu.memory_space<vmem>> -> memref<128xi32, #tpu.memory_space<vmem>>
    %dma_wait3A_136 = arith.constant 0 : i32
    %dma_wait3A_137 = tpu.memref_slice %arg7[%dma_wait3A_136] : memref<10240xf32, #tpu.memory_space<vmem_shared>> -> memref<10240xf32, #tpu.memory_space<vmem_shared>>
    tpu.wait_indirect_dma semaphore(%arg8 : memref<!tpu.dma_semaphore, #tpu.memory_space<semaphore_mem>>) src(%arg6 : memref<128xf32, #tpu.memory_space<vmem>>) dst(%dma_wait3A_137 : memref<10240xf32, #tpu.memory_space<vmem_shared>>)
    %dma_wait3A_138 = arith.constant 6 : i32
    %dma_wait3A_139 = arith.constant 0 : i32
    %dma_wait3A_140 = tpu.memref_slice %arg5[%dma_wait3A_138, %dma_wait3A_139] : memref<160x128xi32, #tpu.memory_space<vmem>> -> memref<1x128xi32, #tpu.memory_space<vmem>>
    %dma_wait3A_141 = tpu.memref_squeeze %dma_wait3A_140 : memref<1x128xi32, #tpu.memory_space<vmem>> -> memref<128xi32, #tpu.memory_space<vmem>>
    %dma_wait3A_142 = arith.constant 0 : i32
    %dma_wait3A_143 = tpu.memref_slice %arg7[%dma_wait3A_142] : memref<10240xf32, #tpu.memory_space<vmem_shared>> -> memref<10240xf32, #tpu.memory_space<vmem_shared>>
    tpu.wait_indirect_dma semaphore(%arg8 : memref<!tpu.dma_semaphore, #tpu.memory_space<semaphore_mem>>) src(%arg6 : memref<128xf32, #tpu.memory_space<vmem>>) dst(%dma_wait3A_143 : memref<10240xf32, #tpu.memory_space<vmem_shared>>)
    %dma_wait3A_144 = arith.constant 7 : i32
    %dma_wait3A_145 = arith.constant 0 : i32
    %dma_wait3A_146 = tpu.memref_slice %arg5[%dma_wait3A_144, %dma_wait3A_145] : memref<160x128xi32, #tpu.memory_space<vmem>> -> memref<1x128xi32, #tpu.memory_space<vmem>>
    %dma_wait3A_147 = tpu.memref_squeeze %dma_wait3A_146 : memref<1x128xi32, #tpu.memory_space<vmem>> -> memref<128xi32, #tpu.memory_space<vmem>>
    %dma_wait3A_148 = arith.constant 0 : i32
    %dma_wait3A_149 = tpu.memref_slice %arg7[%dma_wait3A_148] : memref<10240xf32, #tpu.memory_space<vmem_shared>> -> memref<10240xf32, #tpu.memory_space<vmem_shared>>
    tpu.wait_indirect_dma semaphore(%arg8 : memref<!tpu.dma_semaphore, #tpu.memory_space<semaphore_mem>>) src(%arg6 : memref<128xf32, #tpu.memory_space<vmem>>) dst(%dma_wait3A_149 : memref<10240xf32, #tpu.memory_space<vmem_shared>>)
    %barrier3A_150 = arith.constant 0 : index
    tpu.barrier barrier_id(%barrier3A_150)
    %mul3A_151 = arith.constant 640 : i32
    %mul3A_152 = arith.muli %arg1, %mul3A_151 : i32
    %mul3A_153 = arith.constant 640 : i32
    %mul3A_154 = arith.muli %arg1, %mul3A_153 : i32
    "tpu.region"() ({
      %run_scoped3A = tpu.sem_alloc : memref<!tpu.dma_semaphore, #tpu.memory_space<semaphore_mem>>
      %dma_start3A_155 = tpu.memref_slice %arg4[%arg0, %mul3A_154] : memref<2x10240xf32, #tpu.memory_space<hbm>> -> memref<1x640xf32, #tpu.memory_space<hbm>>
      %dma_start3A_156 = tpu.memref_squeeze %dma_start3A_155 : memref<1x640xf32, #tpu.memory_space<hbm>> -> memref<640xf32, #tpu.memory_space<hbm>>
      %dma_start3A_157 = tpu.memref_slice %arg7[%mul3A_152] : memref<10240xf32, #tpu.memory_space<vmem_shared>> -> memref<640xf32, #tpu.memory_space<vmem_shared>>
      tpu.enqueue_dma source(%dma_start3A_157 : memref<640xf32, #tpu.memory_space<vmem_shared>>) target(%dma_start3A_156 : memref<640xf32, #tpu.memory_space<hbm>>) target_semaphore(%run_scoped3A : memref<!tpu.dma_semaphore, #tpu.memory_space<semaphore_mem>>)
      %dma_wait3A_158 = tpu.memref_slice %arg4[%arg0, %mul3A_154] : memref<2x10240xf32, #tpu.memory_space<hbm>> -> memref<1x640xf32, #tpu.memory_space<hbm>>
      %dma_wait3A_159 = tpu.memref_squeeze %dma_wait3A_158 : memref<1x640xf32, #tpu.memory_space<hbm>> -> memref<640xf32, #tpu.memory_space<hbm>>
      %dma_wait3A_160 = tpu.memref_slice %arg7[%mul3A_152] : memref<10240xf32, #tpu.memory_space<vmem_shared>> -> memref<640xf32, #tpu.memory_space<vmem_shared>>
      tpu.wait_dma2 semaphore(%run_scoped3A : memref<!tpu.dma_semaphore, #tpu.memory_space<semaphore_mem>>) src(%dma_wait3A_160 : memref<640xf32, #tpu.memory_space<vmem_shared>>) dst(%dma_wait3A_159 : memref<640xf32, #tpu.memory_space<hbm>>)
      tpu.yield
    }) : () -> ()
    return
  }
}

#map = affine_map<(d0, d1) -> (0, 0, 0)>
#map1 = affine_map<(d0, d1) -> (0, 0)>
module attributes {stable_mosaic.version = 14 : i64} {
  func.func @_agg_sc_body(%arg0: i32, %arg1: i32, %arg2: memref<32x160x128xi32, #tpu.memory_space<hbm>>, %arg3: memref<32x160x128xi32, #tpu.memory_space<hbm>>, %arg4: memref<10240x128xf32, #tpu.memory_space<hbm>>, %arg5: memref<10240x128xf32, #tpu.memory_space<hbm>>, %arg6: memref<2x10240x128xf32, #tpu.memory_space<hbm>>, %arg7: memref<2x16x128xi32, #tpu.memory_space<vmem>>, %arg8: memref<2x16x128xi32, #tpu.memory_space<vmem>>, %arg9: memref<2x128x128xf32, #tpu.memory_space<vmem>>, %arg10: memref<4096x128xf32, #tpu.memory_space<vmem_shared>>, %arg11: memref<!tpu.dma_semaphore, #tpu.memory_space<semaphore_mem>>, %arg12: memref<!tpu.dma_semaphore, #tpu.memory_space<semaphore_mem>>, %arg13: memref<!tpu.dma_semaphore, #tpu.memory_space<semaphore_mem>>, %arg14: memref<!tpu.dma_semaphore, #tpu.memory_space<semaphore_mem>>, %arg15: memref<!tpu.dma_semaphore, #tpu.memory_space<semaphore_mem>>) attributes {dimension_semantics = [#tpu.dimension_semantics<core_parallel>, #tpu.dimension_semantics<subcore_parallel>], iteration_bounds = array<i64: 2, 16>, scalar_prefetch = 0 : i64, scratch_operands = 9 : i64, tpu.core_type = #tpu.core_type<sc_vector_subcore>, window_params = [{transform_indices = #map}, {transform_indices = #map}, {transform_indices = #map1}, {transform_indices = #map1}, {transform_indices = #map}]} {
    %mul3A = arith.constant 2 : i32
    %mul3A_0 = arith.muli %arg1, %mul3A : i32
    %add3A = arith.addi %mul3A_0, %arg0 : i32
    %mul3A_1 = arith.constant 256 : i32
    %mul3A_2 = arith.muli %arg1, %mul3A_1 : i32
    %mul3A_3 = arith.constant 256 : i32
    %mul3A_4 = arith.muli %arg1, %mul3A_3 : i32
    "tpu.region"() ({
      %run_scoped3A = tpu.sem_alloc : memref<!tpu.dma_semaphore, #tpu.memory_space<semaphore_mem>>
      %dma_start3A_48 = arith.constant 0 : i32
      %dma_start3A_49 = tpu.memref_slice %arg10[%mul3A_4, %dma_start3A_48] : memref<4096x128xf32, #tpu.memory_space<vmem_shared>> -> memref<256x128xf32, #tpu.memory_space<vmem_shared>>
      %dma_start3A_50 = arith.constant 0 : i32
      %dma_start3A_51 = tpu.memref_slice %arg4[%mul3A_2, %dma_start3A_50] : memref<10240x128xf32, #tpu.memory_space<hbm>> -> memref<256x128xf32, #tpu.memory_space<hbm>>
      tpu.enqueue_dma source(%dma_start3A_51 : memref<256x128xf32, #tpu.memory_space<hbm>>) target(%dma_start3A_49 : memref<256x128xf32, #tpu.memory_space<vmem_shared>>) target_semaphore(%run_scoped3A : memref<!tpu.dma_semaphore, #tpu.memory_space<semaphore_mem>>)
      %dma_wait3A = arith.constant 0 : i32
      %dma_wait3A_52 = tpu.memref_slice %arg10[%mul3A_4, %dma_wait3A] : memref<4096x128xf32, #tpu.memory_space<vmem_shared>> -> memref<256x128xf32, #tpu.memory_space<vmem_shared>>
      %dma_wait3A_53 = arith.constant 0 : i32
      %dma_wait3A_54 = tpu.memref_slice %arg4[%mul3A_2, %dma_wait3A_53] : memref<10240x128xf32, #tpu.memory_space<hbm>> -> memref<256x128xf32, #tpu.memory_space<hbm>>
      tpu.wait_dma2 semaphore(%run_scoped3A : memref<!tpu.dma_semaphore, #tpu.memory_space<semaphore_mem>>) src(%dma_wait3A_54 : memref<256x128xf32, #tpu.memory_space<hbm>>) dst(%dma_wait3A_52 : memref<256x128xf32, #tpu.memory_space<vmem_shared>>)
      tpu.yield
    }) : () -> ()
    %dma_start3A = arith.constant 0 : i32
    %dma_start3A_5 = arith.constant 0 : i32
    %dma_start3A_6 = arith.constant 0 : i32
    %dma_start3A_7 = tpu.memref_slice %arg7[%dma_start3A, %dma_start3A_5, %dma_start3A_6] : memref<2x16x128xi32, #tpu.memory_space<vmem>> -> memref<1x16x128xi32, #tpu.memory_space<vmem>>
    %dma_start3A_8 = tpu.memref_squeeze %dma_start3A_7 : memref<1x16x128xi32, #tpu.memory_space<vmem>> -> memref<16x128xi32, #tpu.memory_space<vmem>>
    %dma_start3A_9 = arith.constant 0 : i32
    %dma_start3A_10 = arith.constant 0 : i32
    %dma_start3A_11 = tpu.memref_slice %arg2[%add3A, %dma_start3A_9, %dma_start3A_10] : memref<32x160x128xi32, #tpu.memory_space<hbm>> -> memref<1x16x128xi32, #tpu.memory_space<hbm>>
    %dma_start3A_12 = tpu.memref_squeeze %dma_start3A_11 : memref<1x16x128xi32, #tpu.memory_space<hbm>> -> memref<16x128xi32, #tpu.memory_space<hbm>>
    %dma_start3A_13 = arith.constant 0 : i32
    %dma_start3A_14 = arith.constant 0 : i32
    %dma_start3A_15 = tpu.memref_slice %arg7[%dma_start3A, %dma_start3A_13, %dma_start3A_14] : memref<2x16x128xi32, #tpu.memory_space<vmem>> -> memref<1x16x128xi32, #tpu.memory_space<vmem>>
    %dma_start3A_16 = tpu.memref_squeeze %dma_start3A_15 : memref<1x16x128xi32, #tpu.memory_space<vmem>> -> memref<16x128xi32, #tpu.memory_space<vmem>>
    %dma_start3A_17 = arith.constant 0 : i32
    %dma_start3A_18 = arith.constant 0 : i32
    %dma_start3A_19 = tpu.memref_slice %arg2[%add3A, %dma_start3A_17, %dma_start3A_18] : memref<32x160x128xi32, #tpu.memory_space<hbm>> -> memref<1x16x128xi32, #tpu.memory_space<hbm>>
    %dma_start3A_20 = tpu.memref_squeeze %dma_start3A_19 : memref<1x16x128xi32, #tpu.memory_space<hbm>> -> memref<16x128xi32, #tpu.memory_space<hbm>>
    tpu.enqueue_dma source(%dma_start3A_20 : memref<16x128xi32, #tpu.memory_space<hbm>>) target(%dma_start3A_16 : memref<16x128xi32, #tpu.memory_space<vmem>>) target_semaphore(%arg15 : memref<!tpu.dma_semaphore, #tpu.memory_space<semaphore_mem>>)
    %dma_start3A_21 = arith.constant 0 : i32
    %dma_start3A_22 = arith.constant 0 : i32
    %dma_start3A_23 = arith.constant 0 : i32
    %dma_start3A_24 = tpu.memref_slice %arg8[%dma_start3A_21, %dma_start3A_22, %dma_start3A_23] : memref<2x16x128xi32, #tpu.memory_space<vmem>> -> memref<1x16x128xi32, #tpu.memory_space<vmem>>
    %dma_start3A_25 = tpu.memref_squeeze %dma_start3A_24 : memref<1x16x128xi32, #tpu.memory_space<vmem>> -> memref<16x128xi32, #tpu.memory_space<vmem>>
    %dma_start3A_26 = arith.constant 0 : i32
    %dma_start3A_27 = arith.constant 0 : i32
    %dma_start3A_28 = tpu.memref_slice %arg3[%add3A, %dma_start3A_26, %dma_start3A_27] : memref<32x160x128xi32, #tpu.memory_space<hbm>> -> memref<1x16x128xi32, #tpu.memory_space<hbm>>
    %dma_start3A_29 = tpu.memref_squeeze %dma_start3A_28 : memref<1x16x128xi32, #tpu.memory_space<hbm>> -> memref<16x128xi32, #tpu.memory_space<hbm>>
    %dma_start3A_30 = arith.constant 0 : i32
    %dma_start3A_31 = arith.constant 0 : i32
    %dma_start3A_32 = tpu.memref_slice %arg8[%dma_start3A_21, %dma_start3A_30, %dma_start3A_31] : memref<2x16x128xi32, #tpu.memory_space<vmem>> -> memref<1x16x128xi32, #tpu.memory_space<vmem>>
    %dma_start3A_33 = tpu.memref_squeeze %dma_start3A_32 : memref<1x16x128xi32, #tpu.memory_space<vmem>> -> memref<16x128xi32, #tpu.memory_space<vmem>>
    %dma_start3A_34 = arith.constant 0 : i32
    %dma_start3A_35 = arith.constant 0 : i32
    %dma_start3A_36 = tpu.memref_slice %arg3[%add3A, %dma_start3A_34, %dma_start3A_35] : memref<32x160x128xi32, #tpu.memory_space<hbm>> -> memref<1x16x128xi32, #tpu.memory_space<hbm>>
    %dma_start3A_37 = tpu.memref_squeeze %dma_start3A_36 : memref<1x16x128xi32, #tpu.memory_space<hbm>> -> memref<16x128xi32, #tpu.memory_space<hbm>>
    tpu.enqueue_dma source(%dma_start3A_37 : memref<16x128xi32, #tpu.memory_space<hbm>>) target(%dma_start3A_33 : memref<16x128xi32, #tpu.memory_space<vmem>>) target_semaphore(%arg15 : memref<!tpu.dma_semaphore, #tpu.memory_space<semaphore_mem>>)
    %barrier3A = arith.constant 0 : index
    tpu.barrier barrier_id(%barrier3A)
    %scan3A = arith.constant 0 : i32
    %scan3A_38 = arith.constant 0 : i32
    %scan3A_39 = arith.constant 10 : i32
    %scan3A_40 = arith.addi %scan3A_38, %scan3A_39 : i32
    %scan3A_41 = arith.constant 1 : i32
    scf.for %scan3A_48 = %scan3A_38 to %scan3A_40 step %scan3A_41  : i32 {
      %rem3A = arith.constant 2 : i32
      %rem3A_49 = arith.remsi %scan3A_48, %rem3A : i32
      %mul3A_50 = arith.constant 16 : i32
      %mul3A_51 = arith.muli %scan3A_48, %mul3A_50 : i32
      %dma_wait3A = arith.constant 0 : i32
      %dma_wait3A_52 = arith.constant 0 : i32
      %dma_wait3A_53 = tpu.memref_slice %arg7[%rem3A_49, %dma_wait3A, %dma_wait3A_52] : memref<2x16x128xi32, #tpu.memory_space<vmem>> -> memref<1x16x128xi32, #tpu.memory_space<vmem>>
      %dma_wait3A_54 = tpu.memref_squeeze %dma_wait3A_53 : memref<1x16x128xi32, #tpu.memory_space<vmem>> -> memref<16x128xi32, #tpu.memory_space<vmem>>
      %dma_wait3A_55 = arith.constant 0 : i32
      %dma_wait3A_56 = tpu.memref_slice %arg2[%add3A, %mul3A_51, %dma_wait3A_55] : memref<32x160x128xi32, #tpu.memory_space<hbm>> -> memref<1x16x128xi32, #tpu.memory_space<hbm>>
      %dma_wait3A_57 = tpu.memref_squeeze %dma_wait3A_56 : memref<1x16x128xi32, #tpu.memory_space<hbm>> -> memref<16x128xi32, #tpu.memory_space<hbm>>
      %dma_wait3A_58 = arith.constant 0 : i32
      %dma_wait3A_59 = arith.constant 0 : i32
      %dma_wait3A_60 = tpu.memref_slice %arg7[%rem3A_49, %dma_wait3A_58, %dma_wait3A_59] : memref<2x16x128xi32, #tpu.memory_space<vmem>> -> memref<1x16x128xi32, #tpu.memory_space<vmem>>
      %dma_wait3A_61 = tpu.memref_squeeze %dma_wait3A_60 : memref<1x16x128xi32, #tpu.memory_space<vmem>> -> memref<16x128xi32, #tpu.memory_space<vmem>>
      %dma_wait3A_62 = arith.constant 0 : i32
      %dma_wait3A_63 = tpu.memref_slice %arg2[%add3A, %mul3A_51, %dma_wait3A_62] : memref<32x160x128xi32, #tpu.memory_space<hbm>> -> memref<1x16x128xi32, #tpu.memory_space<hbm>>
      %dma_wait3A_64 = tpu.memref_squeeze %dma_wait3A_63 : memref<1x16x128xi32, #tpu.memory_space<hbm>> -> memref<16x128xi32, #tpu.memory_space<hbm>>
      tpu.wait_dma2 semaphore(%arg15 : memref<!tpu.dma_semaphore, #tpu.memory_space<semaphore_mem>>) src(%dma_wait3A_64 : memref<16x128xi32, #tpu.memory_space<hbm>>) dst(%dma_wait3A_61 : memref<16x128xi32, #tpu.memory_space<vmem>>)
      %mul3A_65 = arith.constant 16 : i32
      %mul3A_66 = arith.muli %scan3A_48, %mul3A_65 : i32
      %dma_wait3A_67 = arith.constant 0 : i32
      %dma_wait3A_68 = arith.constant 0 : i32
      %dma_wait3A_69 = tpu.memref_slice %arg8[%rem3A_49, %dma_wait3A_67, %dma_wait3A_68] : memref<2x16x128xi32, #tpu.memory_space<vmem>> -> memref<1x16x128xi32, #tpu.memory_space<vmem>>
      %dma_wait3A_70 = tpu.memref_squeeze %dma_wait3A_69 : memref<1x16x128xi32, #tpu.memory_space<vmem>> -> memref<16x128xi32, #tpu.memory_space<vmem>>
      %dma_wait3A_71 = arith.constant 0 : i32
      %dma_wait3A_72 = tpu.memref_slice %arg3[%add3A, %mul3A_66, %dma_wait3A_71] : memref<32x160x128xi32, #tpu.memory_space<hbm>> -> memref<1x16x128xi32, #tpu.memory_space<hbm>>
      %dma_wait3A_73 = tpu.memref_squeeze %dma_wait3A_72 : memref<1x16x128xi32, #tpu.memory_space<hbm>> -> memref<16x128xi32, #tpu.memory_space<hbm>>
      %dma_wait3A_74 = arith.constant 0 : i32
      %dma_wait3A_75 = arith.constant 0 : i32
      %dma_wait3A_76 = tpu.memref_slice %arg8[%rem3A_49, %dma_wait3A_74, %dma_wait3A_75] : memref<2x16x128xi32, #tpu.memory_space<vmem>> -> memref<1x16x128xi32, #tpu.memory_space<vmem>>
      %dma_wait3A_77 = tpu.memref_squeeze %dma_wait3A_76 : memref<1x16x128xi32, #tpu.memory_space<vmem>> -> memref<16x128xi32, #tpu.memory_space<vmem>>
      %dma_wait3A_78 = arith.constant 0 : i32
      %dma_wait3A_79 = tpu.memref_slice %arg3[%add3A, %mul3A_66, %dma_wait3A_78] : memref<32x160x128xi32, #tpu.memory_space<hbm>> -> memref<1x16x128xi32, #tpu.memory_space<hbm>>
      %dma_wait3A_80 = tpu.memref_squeeze %dma_wait3A_79 : memref<1x16x128xi32, #tpu.memory_space<hbm>> -> memref<16x128xi32, #tpu.memory_space<hbm>>
      tpu.wait_dma2 semaphore(%arg15 : memref<!tpu.dma_semaphore, #tpu.memory_space<semaphore_mem>>) src(%dma_wait3A_80 : memref<16x128xi32, #tpu.memory_space<hbm>>) dst(%dma_wait3A_77 : memref<16x128xi32, #tpu.memory_space<vmem>>)
      %add3A_81 = arith.constant 1 : i32
      %add3A_82 = arith.addi %scan3A_48, %add3A_81 : i32
      %lt3A = arith.constant 10 : i32
      %lt3A_83 = arith.cmpi slt, %add3A_82, %lt3A : i32
      %convert_element_type3A = arith.extui %lt3A_83 : i1 to i32
      %cond3A = arith.constant 0 : i32
      %cond3A_84 = arith.cmpi ne, %convert_element_type3A, %cond3A : i32
      scf.if %cond3A_84 {
        %add3A_117 = arith.constant 1 : i32
        %add3A_118 = arith.addi %scan3A_48, %add3A_117 : i32
        %mul3A_119 = arith.constant 16 : i32
        %mul3A_120 = arith.muli %add3A_118, %mul3A_119 : i32
        %sub3A = arith.constant 1 : i32
        %sub3A_121 = arith.subi %sub3A, %rem3A_49 : i32
        %dma_start3A_122 = arith.constant 0 : i32
        %dma_start3A_123 = arith.constant 0 : i32
        %dma_start3A_124 = tpu.memref_slice %arg7[%sub3A_121, %dma_start3A_122, %dma_start3A_123] : memref<2x16x128xi32, #tpu.memory_space<vmem>> -> memref<1x16x128xi32, #tpu.memory_space<vmem>>
        %dma_start3A_125 = tpu.memref_squeeze %dma_start3A_124 : memref<1x16x128xi32, #tpu.memory_space<vmem>> -> memref<16x128xi32, #tpu.memory_space<vmem>>
        %dma_start3A_126 = arith.constant 0 : i32
        %dma_start3A_127 = tpu.memref_slice %arg2[%add3A, %mul3A_120, %dma_start3A_126] : memref<32x160x128xi32, #tpu.memory_space<hbm>> -> memref<1x16x128xi32, #tpu.memory_space<hbm>>
        %dma_start3A_128 = tpu.memref_squeeze %dma_start3A_127 : memref<1x16x128xi32, #tpu.memory_space<hbm>> -> memref<16x128xi32, #tpu.memory_space<hbm>>
        %dma_start3A_129 = arith.constant 0 : i32
        %dma_start3A_130 = arith.constant 0 : i32
        %dma_start3A_131 = tpu.memref_slice %arg7[%sub3A_121, %dma_start3A_129, %dma_start3A_130] : memref<2x16x128xi32, #tpu.memory_space<vmem>> -> memref<1x16x128xi32, #tpu.memory_space<vmem>>
        %dma_start3A_132 = tpu.memref_squeeze %dma_start3A_131 : memref<1x16x128xi32, #tpu.memory_space<vmem>> -> memref<16x128xi32, #tpu.memory_space<vmem>>
        %dma_start3A_133 = arith.constant 0 : i32
        %dma_start3A_134 = tpu.memref_slice %arg2[%add3A, %mul3A_120, %dma_start3A_133] : memref<32x160x128xi32, #tpu.memory_space<hbm>> -> memref<1x16x128xi32, #tpu.memory_space<hbm>>
        %dma_start3A_135 = tpu.memref_squeeze %dma_start3A_134 : memref<1x16x128xi32, #tpu.memory_space<hbm>> -> memref<16x128xi32, #tpu.memory_space<hbm>>
        tpu.enqueue_dma source(%dma_start3A_135 : memref<16x128xi32, #tpu.memory_space<hbm>>) target(%dma_start3A_132 : memref<16x128xi32, #tpu.memory_space<vmem>>) target_semaphore(%arg15 : memref<!tpu.dma_semaphore, #tpu.memory_space<semaphore_mem>>)
        %add3A_136 = arith.constant 1 : i32
        %add3A_137 = arith.addi %scan3A_48, %add3A_136 : i32
        %mul3A_138 = arith.constant 16 : i32
        %mul3A_139 = arith.muli %add3A_137, %mul3A_138 : i32
        %sub3A_140 = arith.constant 1 : i32
        %sub3A_141 = arith.subi %sub3A_140, %rem3A_49 : i32
        %dma_start3A_142 = arith.constant 0 : i32
        %dma_start3A_143 = arith.constant 0 : i32
        %dma_start3A_144 = tpu.memref_slice %arg8[%sub3A_141, %dma_start3A_142, %dma_start3A_143] : memref<2x16x128xi32, #tpu.memory_space<vmem>> -> memref<1x16x128xi32, #tpu.memory_space<vmem>>
        %dma_start3A_145 = tpu.memref_squeeze %dma_start3A_144 : memref<1x16x128xi32, #tpu.memory_space<vmem>> -> memref<16x128xi32, #tpu.memory_space<vmem>>
        %dma_start3A_146 = arith.constant 0 : i32
        %dma_start3A_147 = tpu.memref_slice %arg3[%add3A, %mul3A_139, %dma_start3A_146] : memref<32x160x128xi32, #tpu.memory_space<hbm>> -> memref<1x16x128xi32, #tpu.memory_space<hbm>>
        %dma_start3A_148 = tpu.memref_squeeze %dma_start3A_147 : memref<1x16x128xi32, #tpu.memory_space<hbm>> -> memref<16x128xi32, #tpu.memory_space<hbm>>
        %dma_start3A_149 = arith.constant 0 : i32
        %dma_start3A_150 = arith.constant 0 : i32
        %dma_start3A_151 = tpu.memref_slice %arg8[%sub3A_141, %dma_start3A_149, %dma_start3A_150] : memref<2x16x128xi32, #tpu.memory_space<vmem>> -> memref<1x16x128xi32, #tpu.memory_space<vmem>>
        %dma_start3A_152 = tpu.memref_squeeze %dma_start3A_151 : memref<1x16x128xi32, #tpu.memory_space<vmem>> -> memref<16x128xi32, #tpu.memory_space<vmem>>
        %dma_start3A_153 = arith.constant 0 : i32
        %dma_start3A_154 = tpu.memref_slice %arg3[%add3A, %mul3A_139, %dma_start3A_153] : memref<32x160x128xi32, #tpu.memory_space<hbm>> -> memref<1x16x128xi32, #tpu.memory_space<hbm>>
        %dma_start3A_155 = tpu.memref_squeeze %dma_start3A_154 : memref<1x16x128xi32, #tpu.memory_space<hbm>> -> memref<16x128xi32, #tpu.memory_space<hbm>>
        tpu.enqueue_dma source(%dma_start3A_155 : memref<16x128xi32, #tpu.memory_space<hbm>>) target(%dma_start3A_152 : memref<16x128xi32, #tpu.memory_space<vmem>>) target_semaphore(%arg15 : memref<!tpu.dma_semaphore, #tpu.memory_space<semaphore_mem>>)
      } else {
      }
      %dma_start3A_85 = arith.constant 0 : i32
      %dma_start3A_86 = arith.constant 0 : i32
      %dma_start3A_87 = arith.constant 0 : i32
      %dma_start3A_88 = arith.constant 0 : i32
      %dma_start3A_89 = tpu.memref_slice %arg9[%dma_start3A_86, %dma_start3A_87, %dma_start3A_88] : memref<2x128x128xf32, #tpu.memory_space<vmem>> -> memref<1x128x128xf32, #tpu.memory_space<vmem>>
      %dma_start3A_90 = tpu.memref_squeeze %dma_start3A_89 : memref<1x128x128xf32, #tpu.memory_space<vmem>> -> memref<128x128xf32, #tpu.memory_space<vmem>>
      %dma_start3A_91 = arith.constant 0 : i32
      %dma_start3A_92 = tpu.memref_slice %arg7[%rem3A_49, %dma_start3A_85, %dma_start3A_91] : memref<2x16x128xi32, #tpu.memory_space<vmem>> -> memref<1x1x128xi32, #tpu.memory_space<vmem>>
      %dma_start3A_93 = tpu.memref_squeeze %dma_start3A_92 : memref<1x1x128xi32, #tpu.memory_space<vmem>> -> memref<128xi32, #tpu.memory_space<vmem>>
      %dma_start3A_94 = arith.constant 0 : i32
      %dma_start3A_95 = arith.constant 0 : i32
      %dma_start3A_96 = tpu.memref_slice %arg10[%dma_start3A_94, %dma_start3A_95] : memref<4096x128xf32, #tpu.memory_space<vmem_shared>> -> memref<4096x128xf32, #tpu.memory_space<vmem_shared>>
      tpu.enqueue_indirect_dma source(%dma_start3A_96 : memref<4096x128xf32, #tpu.memory_space<vmem_shared>>) target(%dma_start3A_90 : memref<128x128xf32, #tpu.memory_space<vmem>>) offsets(%dma_start3A_93 : memref<128xi32, #tpu.memory_space<vmem>>) semaphore(%arg11 : memref<!tpu.dma_semaphore, #tpu.memory_space<semaphore_mem>>)
      %scan3A_97 = arith.constant 0 : i32
      %scan3A_98 = arith.constant 1 : i32
      %scan3A_99 = arith.constant 0 : i32
      %scan3A_100 = arith.constant 0 : i32
      %scan3A_101 = arith.constant 8 : i32
      %scan3A_102 = arith.addi %scan3A_100, %scan3A_101 : i32
      %scan3A_103 = arith.constant 1 : i32
      scf.for %scan3A_117 = %scan3A_100 to %scan3A_102 step %scan3A_103  : i32 {
        %mul3A_118 = arith.constant 2 : i32
        %mul3A_119 = arith.muli %mul3A_118, %scan3A_117 : i32
        %add3A_120 = arith.constant 1 : i32
        %add3A_121 = arith.addi %mul3A_119, %add3A_120 : i32
        %gt3A = arith.constant 0 : i32
        %gt3A_122 = arith.cmpi sgt, %scan3A_117, %gt3A : i32
        %convert_element_type3A_123 = arith.extui %gt3A_122 : i1 to i32
        %cond3A_124 = arith.constant 0 : i32
        %cond3A_125 = arith.cmpi ne, %convert_element_type3A_123, %cond3A_124 : i32
        scf.if %cond3A_125 {
          %dma_wait3A_193 = arith.constant 0 : i32
          %dma_wait3A_194 = arith.constant 0 : i32
          %dma_wait3A_195 = tpu.memref_slice %arg9[%scan3A_98, %dma_wait3A_193, %dma_wait3A_194] : memref<2x128x128xf32, #tpu.memory_space<vmem>> -> memref<1x128x128xf32, #tpu.memory_space<vmem>>
          %dma_wait3A_196 = tpu.memref_squeeze %dma_wait3A_195 : memref<1x128x128xf32, #tpu.memory_space<vmem>> -> memref<128x128xf32, #tpu.memory_space<vmem>>
          %dma_wait3A_197 = arith.constant 0 : i32
          %dma_wait3A_198 = tpu.memref_slice %arg8[%rem3A_49, %add3A_121, %dma_wait3A_197] : memref<2x16x128xi32, #tpu.memory_space<vmem>> -> memref<1x1x128xi32, #tpu.memory_space<vmem>>
          %dma_wait3A_199 = tpu.memref_squeeze %dma_wait3A_198 : memref<1x1x128xi32, #tpu.memory_space<vmem>> -> memref<128xi32, #tpu.memory_space<vmem>>
          %dma_wait3A_200 = arith.constant 0 : i32
          %dma_wait3A_201 = arith.constant 0 : i32
          %dma_wait3A_202 = tpu.memref_slice %arg10[%dma_wait3A_200, %dma_wait3A_201] : memref<4096x128xf32, #tpu.memory_space<vmem_shared>> -> memref<4096x128xf32, #tpu.memory_space<vmem_shared>>
          tpu.wait_indirect_dma semaphore(%arg14 : memref<!tpu.dma_semaphore, #tpu.memory_space<semaphore_mem>>) src(%dma_wait3A_196 : memref<128x128xf32, #tpu.memory_space<vmem>>) dst(%dma_wait3A_202 : memref<4096x128xf32, #tpu.memory_space<vmem_shared>>)
        } else {
        }
        %dma_start3A_126 = arith.constant 0 : i32
        %dma_start3A_127 = arith.constant 0 : i32
        %dma_start3A_128 = tpu.memref_slice %arg9[%scan3A_98, %dma_start3A_126, %dma_start3A_127] : memref<2x128x128xf32, #tpu.memory_space<vmem>> -> memref<1x128x128xf32, #tpu.memory_space<vmem>>
        %dma_start3A_129 = tpu.memref_squeeze %dma_start3A_128 : memref<1x128x128xf32, #tpu.memory_space<vmem>> -> memref<128x128xf32, #tpu.memory_space<vmem>>
        %dma_start3A_130 = arith.constant 0 : i32
        %dma_start3A_131 = tpu.memref_slice %arg7[%rem3A_49, %add3A_121, %dma_start3A_130] : memref<2x16x128xi32, #tpu.memory_space<vmem>> -> memref<1x1x128xi32, #tpu.memory_space<vmem>>
        %dma_start3A_132 = tpu.memref_squeeze %dma_start3A_131 : memref<1x1x128xi32, #tpu.memory_space<vmem>> -> memref<128xi32, #tpu.memory_space<vmem>>
        %dma_start3A_133 = arith.constant 0 : i32
        %dma_start3A_134 = arith.constant 0 : i32
        %dma_start3A_135 = tpu.memref_slice %arg10[%dma_start3A_133, %dma_start3A_134] : memref<4096x128xf32, #tpu.memory_space<vmem_shared>> -> memref<4096x128xf32, #tpu.memory_space<vmem_shared>>
        tpu.enqueue_indirect_dma source(%dma_start3A_135 : memref<4096x128xf32, #tpu.memory_space<vmem_shared>>) target(%dma_start3A_129 : memref<128x128xf32, #tpu.memory_space<vmem>>) offsets(%dma_start3A_132 : memref<128xi32, #tpu.memory_space<vmem>>) semaphore(%arg12 : memref<!tpu.dma_semaphore, #tpu.memory_space<semaphore_mem>>)
        %dma_wait3A_136 = arith.constant 0 : i32
        %dma_wait3A_137 = arith.constant 0 : i32
        %dma_wait3A_138 = tpu.memref_slice %arg9[%scan3A_99, %dma_wait3A_136, %dma_wait3A_137] : memref<2x128x128xf32, #tpu.memory_space<vmem>> -> memref<1x128x128xf32, #tpu.memory_space<vmem>>
        %dma_wait3A_139 = tpu.memref_squeeze %dma_wait3A_138 : memref<1x128x128xf32, #tpu.memory_space<vmem>> -> memref<128x128xf32, #tpu.memory_space<vmem>>
        %dma_wait3A_140 = arith.constant 0 : i32
        %dma_wait3A_141 = tpu.memref_slice %arg7[%rem3A_49, %mul3A_119, %dma_wait3A_140] : memref<2x16x128xi32, #tpu.memory_space<vmem>> -> memref<1x1x128xi32, #tpu.memory_space<vmem>>
        %dma_wait3A_142 = tpu.memref_squeeze %dma_wait3A_141 : memref<1x1x128xi32, #tpu.memory_space<vmem>> -> memref<128xi32, #tpu.memory_space<vmem>>
        %dma_wait3A_143 = arith.constant 0 : i32
        %dma_wait3A_144 = arith.constant 0 : i32
        %dma_wait3A_145 = tpu.memref_slice %arg10[%dma_wait3A_143, %dma_wait3A_144] : memref<4096x128xf32, #tpu.memory_space<vmem_shared>> -> memref<4096x128xf32, #tpu.memory_space<vmem_shared>>
        tpu.wait_indirect_dma semaphore(%arg11 : memref<!tpu.dma_semaphore, #tpu.memory_space<semaphore_mem>>) src(%dma_wait3A_145 : memref<4096x128xf32, #tpu.memory_space<vmem_shared>>) dst(%dma_wait3A_139 : memref<128x128xf32, #tpu.memory_space<vmem>>)
        %dma_start3A_146 = arith.constant 0 : i32
        %dma_start3A_147 = arith.constant 0 : i32
        %dma_start3A_148 = tpu.memref_slice %arg9[%scan3A_99, %dma_start3A_146, %dma_start3A_147] : memref<2x128x128xf32, #tpu.memory_space<vmem>> -> memref<1x128x128xf32, #tpu.memory_space<vmem>>
        %dma_start3A_149 = tpu.memref_squeeze %dma_start3A_148 : memref<1x128x128xf32, #tpu.memory_space<vmem>> -> memref<128x128xf32, #tpu.memory_space<vmem>>
        %dma_start3A_150 = arith.constant 0 : i32
        %dma_start3A_151 = tpu.memref_slice %arg8[%rem3A_49, %mul3A_119, %dma_start3A_150] : memref<2x16x128xi32, #tpu.memory_space<vmem>> -> memref<1x1x128xi32, #tpu.memory_space<vmem>>
        %dma_start3A_152 = tpu.memref_squeeze %dma_start3A_151 : memref<1x1x128xi32, #tpu.memory_space<vmem>> -> memref<128xi32, #tpu.memory_space<vmem>>
        %dma_start3A_153 = arith.constant 0 : i32
        %dma_start3A_154 = arith.constant 0 : i32
        %dma_start3A_155 = tpu.memref_slice %arg10[%dma_start3A_153, %dma_start3A_154] : memref<4096x128xf32, #tpu.memory_space<vmem_shared>> -> memref<4096x128xf32, #tpu.memory_space<vmem_shared>>
        tpu.enqueue_indirect_dma source(%dma_start3A_149 : memref<128x128xf32, #tpu.memory_space<vmem>>) target(%dma_start3A_155 : memref<4096x128xf32, #tpu.memory_space<vmem_shared>>) offsets(%dma_start3A_152 : memref<128xi32, #tpu.memory_space<vmem>>) semaphore(%arg13 : memref<!tpu.dma_semaphore, #tpu.memory_space<semaphore_mem>>) {add = true}
        %dma_wait3A_156 = arith.constant 0 : i32
        %dma_wait3A_157 = arith.constant 0 : i32
        %dma_wait3A_158 = tpu.memref_slice %arg9[%scan3A_98, %dma_wait3A_156, %dma_wait3A_157] : memref<2x128x128xf32, #tpu.memory_space<vmem>> -> memref<1x128x128xf32, #tpu.memory_space<vmem>>
        %dma_wait3A_159 = tpu.memref_squeeze %dma_wait3A_158 : memref<1x128x128xf32, #tpu.memory_space<vmem>> -> memref<128x128xf32, #tpu.memory_space<vmem>>
        %dma_wait3A_160 = arith.constant 0 : i32
        %dma_wait3A_161 = tpu.memref_slice %arg7[%rem3A_49, %add3A_121, %dma_wait3A_160] : memref<2x16x128xi32, #tpu.memory_space<vmem>> -> memref<1x1x128xi32, #tpu.memory_space<vmem>>
        %dma_wait3A_162 = tpu.memref_squeeze %dma_wait3A_161 : memref<1x1x128xi32, #tpu.memory_space<vmem>> -> memref<128xi32, #tpu.memory_space<vmem>>
        %dma_wait3A_163 = arith.constant 0 : i32
        %dma_wait3A_164 = arith.constant 0 : i32
        %dma_wait3A_165 = tpu.memref_slice %arg10[%dma_wait3A_163, %dma_wait3A_164] : memref<4096x128xf32, #tpu.memory_space<vmem_shared>> -> memref<4096x128xf32, #tpu.memory_space<vmem_shared>>
        tpu.wait_indirect_dma semaphore(%arg12 : memref<!tpu.dma_semaphore, #tpu.memory_space<semaphore_mem>>) src(%dma_wait3A_165 : memref<4096x128xf32, #tpu.memory_space<vmem_shared>>) dst(%dma_wait3A_159 : memref<128x128xf32, #tpu.memory_space<vmem>>)
        %dma_wait3A_166 = arith.constant 0 : i32
        %dma_wait3A_167 = arith.constant 0 : i32
        %dma_wait3A_168 = tpu.memref_slice %arg9[%scan3A_99, %dma_wait3A_166, %dma_wait3A_167] : memref<2x128x128xf32, #tpu.memory_space<vmem>> -> memref<1x128x128xf32, #tpu.memory_space<vmem>>
        %dma_wait3A_169 = tpu.memref_squeeze %dma_wait3A_168 : memref<1x128x128xf32, #tpu.memory_space<vmem>> -> memref<128x128xf32, #tpu.memory_space<vmem>>
        %dma_wait3A_170 = arith.constant 0 : i32
        %dma_wait3A_171 = tpu.memref_slice %arg8[%rem3A_49, %mul3A_119, %dma_wait3A_170] : memref<2x16x128xi32, #tpu.memory_space<vmem>> -> memref<1x1x128xi32, #tpu.memory_space<vmem>>
        %dma_wait3A_172 = tpu.memref_squeeze %dma_wait3A_171 : memref<1x1x128xi32, #tpu.memory_space<vmem>> -> memref<128xi32, #tpu.memory_space<vmem>>
        %dma_wait3A_173 = arith.constant 0 : i32
        %dma_wait3A_174 = arith.constant 0 : i32
        %dma_wait3A_175 = tpu.memref_slice %arg10[%dma_wait3A_173, %dma_wait3A_174] : memref<4096x128xf32, #tpu.memory_space<vmem_shared>> -> memref<4096x128xf32, #tpu.memory_space<vmem_shared>>
        tpu.wait_indirect_dma semaphore(%arg13 : memref<!tpu.dma_semaphore, #tpu.memory_space<semaphore_mem>>) src(%dma_wait3A_169 : memref<128x128xf32, #tpu.memory_space<vmem>>) dst(%dma_wait3A_175 : memref<4096x128xf32, #tpu.memory_space<vmem_shared>>)
        %dma_start3A_176 = arith.constant 0 : i32
        %dma_start3A_177 = arith.constant 0 : i32
        %dma_start3A_178 = tpu.memref_slice %arg9[%scan3A_98, %dma_start3A_176, %dma_start3A_177] : memref<2x128x128xf32, #tpu.memory_space<vmem>> -> memref<1x128x128xf32, #tpu.memory_space<vmem>>
        %dma_start3A_179 = tpu.memref_squeeze %dma_start3A_178 : memref<1x128x128xf32, #tpu.memory_space<vmem>> -> memref<128x128xf32, #tpu.memory_space<vmem>>
        %dma_start3A_180 = arith.constant 0 : i32
        %dma_start3A_181 = tpu.memref_slice %arg8[%rem3A_49, %add3A_121, %dma_start3A_180] : memref<2x16x128xi32, #tpu.memory_space<vmem>> -> memref<1x1x128xi32, #tpu.memory_space<vmem>>
        %dma_start3A_182 = tpu.memref_squeeze %dma_start3A_181 : memref<1x1x128xi32, #tpu.memory_space<vmem>> -> memref<128xi32, #tpu.memory_space<vmem>>
        %dma_start3A_183 = arith.constant 0 : i32
        %dma_start3A_184 = arith.constant 0 : i32
        %dma_start3A_185 = tpu.memref_slice %arg10[%dma_start3A_183, %dma_start3A_184] : memref<4096x128xf32, #tpu.memory_space<vmem_shared>> -> memref<4096x128xf32, #tpu.memory_space<vmem_shared>>
        tpu.enqueue_indirect_dma source(%dma_start3A_179 : memref<128x128xf32, #tpu.memory_space<vmem>>) target(%dma_start3A_185 : memref<4096x128xf32, #tpu.memory_space<vmem_shared>>) offsets(%dma_start3A_182 : memref<128xi32, #tpu.memory_space<vmem>>) semaphore(%arg14 : memref<!tpu.dma_semaphore, #tpu.memory_space<semaphore_mem>>) {add = true}
        %add3A_186 = arith.constant 1 : i32
        %add3A_187 = arith.addi %scan3A_117, %add3A_186 : i32
        %lt3A_188 = arith.constant 8 : i32
        %lt3A_189 = arith.cmpi slt, %add3A_187, %lt3A_188 : i32
        %convert_element_type3A_190 = arith.extui %lt3A_189 : i1 to i32
        %cond3A_191 = arith.constant 0 : i32
        %cond3A_192 = arith.cmpi ne, %convert_element_type3A_190, %cond3A_191 : i32
        scf.if %cond3A_192 {
          %add3A_193 = arith.constant 2 : i32
          %add3A_194 = arith.addi %mul3A_119, %add3A_193 : i32
          %dma_start3A_195 = arith.constant 0 : i32
          %dma_start3A_196 = arith.constant 0 : i32
          %dma_start3A_197 = tpu.memref_slice %arg9[%scan3A_99, %dma_start3A_195, %dma_start3A_196] : memref<2x128x128xf32, #tpu.memory_space<vmem>> -> memref<1x128x128xf32, #tpu.memory_space<vmem>>
          %dma_start3A_198 = tpu.memref_squeeze %dma_start3A_197 : memref<1x128x128xf32, #tpu.memory_space<vmem>> -> memref<128x128xf32, #tpu.memory_space<vmem>>
          %dma_start3A_199 = arith.constant 0 : i32
          %dma_start3A_200 = tpu.memref_slice %arg7[%rem3A_49, %add3A_194, %dma_start3A_199] : memref<2x16x128xi32, #tpu.memory_space<vmem>> -> memref<1x1x128xi32, #tpu.memory_space<vmem>>
          %dma_start3A_201 = tpu.memref_squeeze %dma_start3A_200 : memref<1x1x128xi32, #tpu.memory_space<vmem>> -> memref<128xi32, #tpu.memory_space<vmem>>
          %dma_start3A_202 = arith.constant 0 : i32
          %dma_start3A_203 = arith.constant 0 : i32
          %dma_start3A_204 = tpu.memref_slice %arg10[%dma_start3A_202, %dma_start3A_203] : memref<4096x128xf32, #tpu.memory_space<vmem_shared>> -> memref<4096x128xf32, #tpu.memory_space<vmem_shared>>
          tpu.enqueue_indirect_dma source(%dma_start3A_204 : memref<4096x128xf32, #tpu.memory_space<vmem_shared>>) target(%dma_start3A_198 : memref<128x128xf32, #tpu.memory_space<vmem>>) offsets(%dma_start3A_201 : memref<128xi32, #tpu.memory_space<vmem>>) semaphore(%arg11 : memref<!tpu.dma_semaphore, #tpu.memory_space<semaphore_mem>>)
        } else {
        }
      }
      %scan3A_104 = arith.constant 8 : i32
      %dma_wait3A_105 = arith.constant 1 : i32
      %dma_wait3A_106 = arith.constant 15 : i32
      %dma_wait3A_107 = arith.constant 0 : i32
      %dma_wait3A_108 = arith.constant 0 : i32
      %dma_wait3A_109 = tpu.memref_slice %arg9[%dma_wait3A_105, %dma_wait3A_107, %dma_wait3A_108] : memref<2x128x128xf32, #tpu.memory_space<vmem>> -> memref<1x128x128xf32, #tpu.memory_space<vmem>>
      %dma_wait3A_110 = tpu.memref_squeeze %dma_wait3A_109 : memref<1x128x128xf32, #tpu.memory_space<vmem>> -> memref<128x128xf32, #tpu.memory_space<vmem>>
      %dma_wait3A_111 = arith.constant 0 : i32
      %dma_wait3A_112 = tpu.memref_slice %arg8[%rem3A_49, %dma_wait3A_106, %dma_wait3A_111] : memref<2x16x128xi32, #tpu.memory_space<vmem>> -> memref<1x1x128xi32, #tpu.memory_space<vmem>>
      %dma_wait3A_113 = tpu.memref_squeeze %dma_wait3A_112 : memref<1x1x128xi32, #tpu.memory_space<vmem>> -> memref<128xi32, #tpu.memory_space<vmem>>
      %dma_wait3A_114 = arith.constant 0 : i32
      %dma_wait3A_115 = arith.constant 0 : i32
      %dma_wait3A_116 = tpu.memref_slice %arg10[%dma_wait3A_114, %dma_wait3A_115] : memref<4096x128xf32, #tpu.memory_space<vmem_shared>> -> memref<4096x128xf32, #tpu.memory_space<vmem_shared>>
      tpu.wait_indirect_dma semaphore(%arg14 : memref<!tpu.dma_semaphore, #tpu.memory_space<semaphore_mem>>) src(%dma_wait3A_110 : memref<128x128xf32, #tpu.memory_space<vmem>>) dst(%dma_wait3A_116 : memref<4096x128xf32, #tpu.memory_space<vmem_shared>>)
    }
    %scan3A_42 = arith.constant 10 : i32
    %barrier3A_43 = arith.constant 0 : index
    tpu.barrier barrier_id(%barrier3A_43)
    %mul3A_44 = arith.constant 256 : i32
    %mul3A_45 = arith.muli %arg1, %mul3A_44 : i32
    %mul3A_46 = arith.constant 256 : i32
    %mul3A_47 = arith.muli %arg1, %mul3A_46 : i32
    "tpu.region"() ({
      %run_scoped3A = tpu.sem_alloc : memref<!tpu.dma_semaphore, #tpu.memory_space<semaphore_mem>>
      %dma_start3A_48 = arith.constant 0 : i32
      %dma_start3A_49 = tpu.memref_slice %arg6[%arg0, %mul3A_47, %dma_start3A_48] : memref<2x10240x128xf32, #tpu.memory_space<hbm>> -> memref<1x256x128xf32, #tpu.memory_space<hbm>>
      %dma_start3A_50 = tpu.memref_squeeze %dma_start3A_49 : memref<1x256x128xf32, #tpu.memory_space<hbm>> -> memref<256x128xf32, #tpu.memory_space<hbm>>
      %dma_start3A_51 = arith.constant 0 : i32
      %dma_start3A_52 = tpu.memref_slice %arg10[%mul3A_45, %dma_start3A_51] : memref<4096x128xf32, #tpu.memory_space<vmem_shared>> -> memref<256x128xf32, #tpu.memory_space<vmem_shared>>
      tpu.enqueue_dma source(%dma_start3A_52 : memref<256x128xf32, #tpu.memory_space<vmem_shared>>) target(%dma_start3A_50 : memref<256x128xf32, #tpu.memory_space<hbm>>) target_semaphore(%run_scoped3A : memref<!tpu.dma_semaphore, #tpu.memory_space<semaphore_mem>>)
      %dma_wait3A = arith.constant 0 : i32
      %dma_wait3A_53 = tpu.memref_slice %arg6[%arg0, %mul3A_47, %dma_wait3A] : memref<2x10240x128xf32, #tpu.memory_space<hbm>> -> memref<1x256x128xf32, #tpu.memory_space<hbm>>
      %dma_wait3A_54 = tpu.memref_squeeze %dma_wait3A_53 : memref<1x256x128xf32, #tpu.memory_space<hbm>> -> memref<256x128xf32, #tpu.memory_space<hbm>>
      %dma_wait3A_55 = arith.constant 0 : i32
      %dma_wait3A_56 = tpu.memref_slice %arg10[%mul3A_45, %dma_wait3A_55] : memref<4096x128xf32, #tpu.memory_space<vmem_shared>> -> memref<256x128xf32, #tpu.memory_space<vmem_shared>>
      tpu.wait_dma2 semaphore(%run_scoped3A : memref<!tpu.dma_semaphore, #tpu.memory_space<semaphore_mem>>) src(%dma_wait3A_56 : memref<256x128xf32, #tpu.memory_space<vmem_shared>>) dst(%dma_wait3A_54 : memref<256x128xf32, #tpu.memory_space<hbm>>)
      tpu.yield
    }) : () -> ()
    return
  }
}

#map = affine_map<(d0, d1) -> (0, 0, 0)>
#map1 = affine_map<(d0, d1) -> (0, 0)>
module attributes {stable_mosaic.version = 14 : i64} {
  func.func @_agg_sc_body(%arg0: i32, %arg1: i32, %arg2: memref<32x160x128xi32, #tpu.memory_space<hbm>>, %arg3: memref<32x160x128xi32, #tpu.memory_space<hbm>>, %arg4: memref<10240x128xf32, #tpu.memory_space<hbm>>, %arg5: memref<10240x128xf32, #tpu.memory_space<hbm>>, %arg6: memref<2x10240x128xf32, #tpu.memory_space<hbm>>, %arg7: memref<2x16x128xi32, #tpu.memory_space<vmem>>, %arg8: memref<2x16x128xi32, #tpu.memory_space<vmem>>, %arg9: memref<2x128x128xf32, #tpu.memory_space<vmem>>, %arg10: memref<4096x128xf32, #tpu.memory_space<vmem_shared>>, %arg11: memref<!tpu.dma_semaphore, #tpu.memory_space<semaphore_mem>>, %arg12: memref<!tpu.dma_semaphore, #tpu.memory_space<semaphore_mem>>, %arg13: memref<!tpu.dma_semaphore, #tpu.memory_space<semaphore_mem>>, %arg14: memref<!tpu.dma_semaphore, #tpu.memory_space<semaphore_mem>>, %arg15: memref<!tpu.dma_semaphore, #tpu.memory_space<semaphore_mem>>) attributes {dimension_semantics = [#tpu.dimension_semantics<core_parallel>, #tpu.dimension_semantics<subcore_parallel>], iteration_bounds = array<i64: 2, 16>, scalar_prefetch = 0 : i64, scratch_operands = 9 : i64, tpu.core_type = #tpu.core_type<sc_vector_subcore>, window_params = [{transform_indices = #map}, {transform_indices = #map}, {transform_indices = #map1}, {transform_indices = #map1}, {transform_indices = #map}]} {
    %mul3A = arith.constant 2 : i32
    %mul3A_0 = arith.muli %arg1, %mul3A : i32
    %add3A = arith.addi %mul3A_0, %arg0 : i32
    %mul3A_1 = arith.constant 256 : i32
    %mul3A_2 = arith.muli %arg1, %mul3A_1 : i32
    %mul3A_3 = arith.constant 256 : i32
    %mul3A_4 = arith.muli %arg1, %mul3A_3 : i32
    "tpu.region"() ({
      %run_scoped3A = tpu.sem_alloc : memref<!tpu.dma_semaphore, #tpu.memory_space<semaphore_mem>>
      %dma_start3A_48 = arith.constant 0 : i32
      %dma_start3A_49 = tpu.memref_slice %arg10[%mul3A_4, %dma_start3A_48] : memref<4096x128xf32, #tpu.memory_space<vmem_shared>> -> memref<256x128xf32, #tpu.memory_space<vmem_shared>>
      %dma_start3A_50 = arith.constant 0 : i32
      %dma_start3A_51 = tpu.memref_slice %arg4[%mul3A_2, %dma_start3A_50] : memref<10240x128xf32, #tpu.memory_space<hbm>> -> memref<256x128xf32, #tpu.memory_space<hbm>>
      tpu.enqueue_dma source(%dma_start3A_51 : memref<256x128xf32, #tpu.memory_space<hbm>>) target(%dma_start3A_49 : memref<256x128xf32, #tpu.memory_space<vmem_shared>>) target_semaphore(%run_scoped3A : memref<!tpu.dma_semaphore, #tpu.memory_space<semaphore_mem>>)
      %dma_wait3A = arith.constant 0 : i32
      %dma_wait3A_52 = tpu.memref_slice %arg10[%mul3A_4, %dma_wait3A] : memref<4096x128xf32, #tpu.memory_space<vmem_shared>> -> memref<256x128xf32, #tpu.memory_space<vmem_shared>>
      %dma_wait3A_53 = arith.constant 0 : i32
      %dma_wait3A_54 = tpu.memref_slice %arg4[%mul3A_2, %dma_wait3A_53] : memref<10240x128xf32, #tpu.memory_space<hbm>> -> memref<256x128xf32, #tpu.memory_space<hbm>>
      tpu.wait_dma2 semaphore(%run_scoped3A : memref<!tpu.dma_semaphore, #tpu.memory_space<semaphore_mem>>) src(%dma_wait3A_54 : memref<256x128xf32, #tpu.memory_space<hbm>>) dst(%dma_wait3A_52 : memref<256x128xf32, #tpu.memory_space<vmem_shared>>)
      tpu.yield
    }) : () -> ()
    %dma_start3A = arith.constant 0 : i32
    %dma_start3A_5 = arith.constant 0 : i32
    %dma_start3A_6 = arith.constant 0 : i32
    %dma_start3A_7 = tpu.memref_slice %arg7[%dma_start3A, %dma_start3A_5, %dma_start3A_6] : memref<2x16x128xi32, #tpu.memory_space<vmem>> -> memref<1x16x128xi32, #tpu.memory_space<vmem>>
    %dma_start3A_8 = tpu.memref_squeeze %dma_start3A_7 : memref<1x16x128xi32, #tpu.memory_space<vmem>> -> memref<16x128xi32, #tpu.memory_space<vmem>>
    %dma_start3A_9 = arith.constant 0 : i32
    %dma_start3A_10 = arith.constant 0 : i32
    %dma_start3A_11 = tpu.memref_slice %arg2[%add3A, %dma_start3A_9, %dma_start3A_10] : memref<32x160x128xi32, #tpu.memory_space<hbm>> -> memref<1x16x128xi32, #tpu.memory_space<hbm>>
    %dma_start3A_12 = tpu.memref_squeeze %dma_start3A_11 : memref<1x16x128xi32, #tpu.memory_space<hbm>> -> memref<16x128xi32, #tpu.memory_space<hbm>>
    %dma_start3A_13 = arith.constant 0 : i32
    %dma_start3A_14 = arith.constant 0 : i32
    %dma_start3A_15 = tpu.memref_slice %arg7[%dma_start3A, %dma_start3A_13, %dma_start3A_14] : memref<2x16x128xi32, #tpu.memory_space<vmem>> -> memref<1x16x128xi32, #tpu.memory_space<vmem>>
    %dma_start3A_16 = tpu.memref_squeeze %dma_start3A_15 : memref<1x16x128xi32, #tpu.memory_space<vmem>> -> memref<16x128xi32, #tpu.memory_space<vmem>>
    %dma_start3A_17 = arith.constant 0 : i32
    %dma_start3A_18 = arith.constant 0 : i32
    %dma_start3A_19 = tpu.memref_slice %arg2[%add3A, %dma_start3A_17, %dma_start3A_18] : memref<32x160x128xi32, #tpu.memory_space<hbm>> -> memref<1x16x128xi32, #tpu.memory_space<hbm>>
    %dma_start3A_20 = tpu.memref_squeeze %dma_start3A_19 : memref<1x16x128xi32, #tpu.memory_space<hbm>> -> memref<16x128xi32, #tpu.memory_space<hbm>>
    tpu.enqueue_dma source(%dma_start3A_20 : memref<16x128xi32, #tpu.memory_space<hbm>>) target(%dma_start3A_16 : memref<16x128xi32, #tpu.memory_space<vmem>>) target_semaphore(%arg15 : memref<!tpu.dma_semaphore, #tpu.memory_space<semaphore_mem>>)
    %dma_start3A_21 = arith.constant 0 : i32
    %dma_start3A_22 = arith.constant 0 : i32
    %dma_start3A_23 = arith.constant 0 : i32
    %dma_start3A_24 = tpu.memref_slice %arg8[%dma_start3A_21, %dma_start3A_22, %dma_start3A_23] : memref<2x16x128xi32, #tpu.memory_space<vmem>> -> memref<1x16x128xi32, #tpu.memory_space<vmem>>
    %dma_start3A_25 = tpu.memref_squeeze %dma_start3A_24 : memref<1x16x128xi32, #tpu.memory_space<vmem>> -> memref<16x128xi32, #tpu.memory_space<vmem>>
    %dma_start3A_26 = arith.constant 0 : i32
    %dma_start3A_27 = arith.constant 0 : i32
    %dma_start3A_28 = tpu.memref_slice %arg3[%add3A, %dma_start3A_26, %dma_start3A_27] : memref<32x160x128xi32, #tpu.memory_space<hbm>> -> memref<1x16x128xi32, #tpu.memory_space<hbm>>
    %dma_start3A_29 = tpu.memref_squeeze %dma_start3A_28 : memref<1x16x128xi32, #tpu.memory_space<hbm>> -> memref<16x128xi32, #tpu.memory_space<hbm>>
    %dma_start3A_30 = arith.constant 0 : i32
    %dma_start3A_31 = arith.constant 0 : i32
    %dma_start3A_32 = tpu.memref_slice %arg8[%dma_start3A_21, %dma_start3A_30, %dma_start3A_31] : memref<2x16x128xi32, #tpu.memory_space<vmem>> -> memref<1x16x128xi32, #tpu.memory_space<vmem>>
    %dma_start3A_33 = tpu.memref_squeeze %dma_start3A_32 : memref<1x16x128xi32, #tpu.memory_space<vmem>> -> memref<16x128xi32, #tpu.memory_space<vmem>>
    %dma_start3A_34 = arith.constant 0 : i32
    %dma_start3A_35 = arith.constant 0 : i32
    %dma_start3A_36 = tpu.memref_slice %arg3[%add3A, %dma_start3A_34, %dma_start3A_35] : memref<32x160x128xi32, #tpu.memory_space<hbm>> -> memref<1x16x128xi32, #tpu.memory_space<hbm>>
    %dma_start3A_37 = tpu.memref_squeeze %dma_start3A_36 : memref<1x16x128xi32, #tpu.memory_space<hbm>> -> memref<16x128xi32, #tpu.memory_space<hbm>>
    tpu.enqueue_dma source(%dma_start3A_37 : memref<16x128xi32, #tpu.memory_space<hbm>>) target(%dma_start3A_33 : memref<16x128xi32, #tpu.memory_space<vmem>>) target_semaphore(%arg15 : memref<!tpu.dma_semaphore, #tpu.memory_space<semaphore_mem>>)
    %barrier3A = arith.constant 0 : index
    tpu.barrier barrier_id(%barrier3A)
    %scan3A = arith.constant 0 : i32
    %scan3A_38 = arith.constant 0 : i32
    %scan3A_39 = arith.constant 10 : i32
    %scan3A_40 = arith.addi %scan3A_38, %scan3A_39 : i32
    %scan3A_41 = arith.constant 1 : i32
    scf.for %scan3A_48 = %scan3A_38 to %scan3A_40 step %scan3A_41  : i32 {
      %rem3A = arith.constant 2 : i32
      %rem3A_49 = arith.remsi %scan3A_48, %rem3A : i32
      %mul3A_50 = arith.constant 16 : i32
      %mul3A_51 = arith.muli %scan3A_48, %mul3A_50 : i32
      %dma_wait3A = arith.constant 0 : i32
      %dma_wait3A_52 = arith.constant 0 : i32
      %dma_wait3A_53 = tpu.memref_slice %arg7[%rem3A_49, %dma_wait3A, %dma_wait3A_52] : memref<2x16x128xi32, #tpu.memory_space<vmem>> -> memref<1x16x128xi32, #tpu.memory_space<vmem>>
      %dma_wait3A_54 = tpu.memref_squeeze %dma_wait3A_53 : memref<1x16x128xi32, #tpu.memory_space<vmem>> -> memref<16x128xi32, #tpu.memory_space<vmem>>
      %dma_wait3A_55 = arith.constant 0 : i32
      %dma_wait3A_56 = tpu.memref_slice %arg2[%add3A, %mul3A_51, %dma_wait3A_55] : memref<32x160x128xi32, #tpu.memory_space<hbm>> -> memref<1x16x128xi32, #tpu.memory_space<hbm>>
      %dma_wait3A_57 = tpu.memref_squeeze %dma_wait3A_56 : memref<1x16x128xi32, #tpu.memory_space<hbm>> -> memref<16x128xi32, #tpu.memory_space<hbm>>
      %dma_wait3A_58 = arith.constant 0 : i32
      %dma_wait3A_59 = arith.constant 0 : i32
      %dma_wait3A_60 = tpu.memref_slice %arg7[%rem3A_49, %dma_wait3A_58, %dma_wait3A_59] : memref<2x16x128xi32, #tpu.memory_space<vmem>> -> memref<1x16x128xi32, #tpu.memory_space<vmem>>
      %dma_wait3A_61 = tpu.memref_squeeze %dma_wait3A_60 : memref<1x16x128xi32, #tpu.memory_space<vmem>> -> memref<16x128xi32, #tpu.memory_space<vmem>>
      %dma_wait3A_62 = arith.constant 0 : i32
      %dma_wait3A_63 = tpu.memref_slice %arg2[%add3A, %mul3A_51, %dma_wait3A_62] : memref<32x160x128xi32, #tpu.memory_space<hbm>> -> memref<1x16x128xi32, #tpu.memory_space<hbm>>
      %dma_wait3A_64 = tpu.memref_squeeze %dma_wait3A_63 : memref<1x16x128xi32, #tpu.memory_space<hbm>> -> memref<16x128xi32, #tpu.memory_space<hbm>>
      tpu.wait_dma2 semaphore(%arg15 : memref<!tpu.dma_semaphore, #tpu.memory_space<semaphore_mem>>) src(%dma_wait3A_64 : memref<16x128xi32, #tpu.memory_space<hbm>>) dst(%dma_wait3A_61 : memref<16x128xi32, #tpu.memory_space<vmem>>)
      %mul3A_65 = arith.constant 16 : i32
      %mul3A_66 = arith.muli %scan3A_48, %mul3A_65 : i32
      %dma_wait3A_67 = arith.constant 0 : i32
      %dma_wait3A_68 = arith.constant 0 : i32
      %dma_wait3A_69 = tpu.memref_slice %arg8[%rem3A_49, %dma_wait3A_67, %dma_wait3A_68] : memref<2x16x128xi32, #tpu.memory_space<vmem>> -> memref<1x16x128xi32, #tpu.memory_space<vmem>>
      %dma_wait3A_70 = tpu.memref_squeeze %dma_wait3A_69 : memref<1x16x128xi32, #tpu.memory_space<vmem>> -> memref<16x128xi32, #tpu.memory_space<vmem>>
      %dma_wait3A_71 = arith.constant 0 : i32
      %dma_wait3A_72 = tpu.memref_slice %arg3[%add3A, %mul3A_66, %dma_wait3A_71] : memref<32x160x128xi32, #tpu.memory_space<hbm>> -> memref<1x16x128xi32, #tpu.memory_space<hbm>>
      %dma_wait3A_73 = tpu.memref_squeeze %dma_wait3A_72 : memref<1x16x128xi32, #tpu.memory_space<hbm>> -> memref<16x128xi32, #tpu.memory_space<hbm>>
      %dma_wait3A_74 = arith.constant 0 : i32
      %dma_wait3A_75 = arith.constant 0 : i32
      %dma_wait3A_76 = tpu.memref_slice %arg8[%rem3A_49, %dma_wait3A_74, %dma_wait3A_75] : memref<2x16x128xi32, #tpu.memory_space<vmem>> -> memref<1x16x128xi32, #tpu.memory_space<vmem>>
      %dma_wait3A_77 = tpu.memref_squeeze %dma_wait3A_76 : memref<1x16x128xi32, #tpu.memory_space<vmem>> -> memref<16x128xi32, #tpu.memory_space<vmem>>
      %dma_wait3A_78 = arith.constant 0 : i32
      %dma_wait3A_79 = tpu.memref_slice %arg3[%add3A, %mul3A_66, %dma_wait3A_78] : memref<32x160x128xi32, #tpu.memory_space<hbm>> -> memref<1x16x128xi32, #tpu.memory_space<hbm>>
      %dma_wait3A_80 = tpu.memref_squeeze %dma_wait3A_79 : memref<1x16x128xi32, #tpu.memory_space<hbm>> -> memref<16x128xi32, #tpu.memory_space<hbm>>
      tpu.wait_dma2 semaphore(%arg15 : memref<!tpu.dma_semaphore, #tpu.memory_space<semaphore_mem>>) src(%dma_wait3A_80 : memref<16x128xi32, #tpu.memory_space<hbm>>) dst(%dma_wait3A_77 : memref<16x128xi32, #tpu.memory_space<vmem>>)
      %add3A_81 = arith.constant 1 : i32
      %add3A_82 = arith.addi %scan3A_48, %add3A_81 : i32
      %lt3A = arith.constant 10 : i32
      %lt3A_83 = arith.cmpi slt, %add3A_82, %lt3A : i32
      %convert_element_type3A = arith.extui %lt3A_83 : i1 to i32
      %cond3A = arith.constant 0 : i32
      %cond3A_84 = arith.cmpi ne, %convert_element_type3A, %cond3A : i32
      scf.if %cond3A_84 {
        %add3A_117 = arith.constant 1 : i32
        %add3A_118 = arith.addi %scan3A_48, %add3A_117 : i32
        %mul3A_119 = arith.constant 16 : i32
        %mul3A_120 = arith.muli %add3A_118, %mul3A_119 : i32
        %sub3A = arith.constant 1 : i32
        %sub3A_121 = arith.subi %sub3A, %rem3A_49 : i32
        %dma_start3A_122 = arith.constant 0 : i32
        %dma_start3A_123 = arith.constant 0 : i32
        %dma_start3A_124 = tpu.memref_slice %arg7[%sub3A_121, %dma_start3A_122, %dma_start3A_123] : memref<2x16x128xi32, #tpu.memory_space<vmem>> -> memref<1x16x128xi32, #tpu.memory_space<vmem>>
        %dma_start3A_125 = tpu.memref_squeeze %dma_start3A_124 : memref<1x16x128xi32, #tpu.memory_space<vmem>> -> memref<16x128xi32, #tpu.memory_space<vmem>>
        %dma_start3A_126 = arith.constant 0 : i32
        %dma_start3A_127 = tpu.memref_slice %arg2[%add3A, %mul3A_120, %dma_start3A_126] : memref<32x160x128xi32, #tpu.memory_space<hbm>> -> memref<1x16x128xi32, #tpu.memory_space<hbm>>
        %dma_start3A_128 = tpu.memref_squeeze %dma_start3A_127 : memref<1x16x128xi32, #tpu.memory_space<hbm>> -> memref<16x128xi32, #tpu.memory_space<hbm>>
        %dma_start3A_129 = arith.constant 0 : i32
        %dma_start3A_130 = arith.constant 0 : i32
        %dma_start3A_131 = tpu.memref_slice %arg7[%sub3A_121, %dma_start3A_129, %dma_start3A_130] : memref<2x16x128xi32, #tpu.memory_space<vmem>> -> memref<1x16x128xi32, #tpu.memory_space<vmem>>
        %dma_start3A_132 = tpu.memref_squeeze %dma_start3A_131 : memref<1x16x128xi32, #tpu.memory_space<vmem>> -> memref<16x128xi32, #tpu.memory_space<vmem>>
        %dma_start3A_133 = arith.constant 0 : i32
        %dma_start3A_134 = tpu.memref_slice %arg2[%add3A, %mul3A_120, %dma_start3A_133] : memref<32x160x128xi32, #tpu.memory_space<hbm>> -> memref<1x16x128xi32, #tpu.memory_space<hbm>>
        %dma_start3A_135 = tpu.memref_squeeze %dma_start3A_134 : memref<1x16x128xi32, #tpu.memory_space<hbm>> -> memref<16x128xi32, #tpu.memory_space<hbm>>
        tpu.enqueue_dma source(%dma_start3A_135 : memref<16x128xi32, #tpu.memory_space<hbm>>) target(%dma_start3A_132 : memref<16x128xi32, #tpu.memory_space<vmem>>) target_semaphore(%arg15 : memref<!tpu.dma_semaphore, #tpu.memory_space<semaphore_mem>>)
        %add3A_136 = arith.constant 1 : i32
        %add3A_137 = arith.addi %scan3A_48, %add3A_136 : i32
        %mul3A_138 = arith.constant 16 : i32
        %mul3A_139 = arith.muli %add3A_137, %mul3A_138 : i32
        %sub3A_140 = arith.constant 1 : i32
        %sub3A_141 = arith.subi %sub3A_140, %rem3A_49 : i32
        %dma_start3A_142 = arith.constant 0 : i32
        %dma_start3A_143 = arith.constant 0 : i32
        %dma_start3A_144 = tpu.memref_slice %arg8[%sub3A_141, %dma_start3A_142, %dma_start3A_143] : memref<2x16x128xi32, #tpu.memory_space<vmem>> -> memref<1x16x128xi32, #tpu.memory_space<vmem>>
        %dma_start3A_145 = tpu.memref_squeeze %dma_start3A_144 : memref<1x16x128xi32, #tpu.memory_space<vmem>> -> memref<16x128xi32, #tpu.memory_space<vmem>>
        %dma_start3A_146 = arith.constant 0 : i32
        %dma_start3A_147 = tpu.memref_slice %arg3[%add3A, %mul3A_139, %dma_start3A_146] : memref<32x160x128xi32, #tpu.memory_space<hbm>> -> memref<1x16x128xi32, #tpu.memory_space<hbm>>
        %dma_start3A_148 = tpu.memref_squeeze %dma_start3A_147 : memref<1x16x128xi32, #tpu.memory_space<hbm>> -> memref<16x128xi32, #tpu.memory_space<hbm>>
        %dma_start3A_149 = arith.constant 0 : i32
        %dma_start3A_150 = arith.constant 0 : i32
        %dma_start3A_151 = tpu.memref_slice %arg8[%sub3A_141, %dma_start3A_149, %dma_start3A_150] : memref<2x16x128xi32, #tpu.memory_space<vmem>> -> memref<1x16x128xi32, #tpu.memory_space<vmem>>
        %dma_start3A_152 = tpu.memref_squeeze %dma_start3A_151 : memref<1x16x128xi32, #tpu.memory_space<vmem>> -> memref<16x128xi32, #tpu.memory_space<vmem>>
        %dma_start3A_153 = arith.constant 0 : i32
        %dma_start3A_154 = tpu.memref_slice %arg3[%add3A, %mul3A_139, %dma_start3A_153] : memref<32x160x128xi32, #tpu.memory_space<hbm>> -> memref<1x16x128xi32, #tpu.memory_space<hbm>>
        %dma_start3A_155 = tpu.memref_squeeze %dma_start3A_154 : memref<1x16x128xi32, #tpu.memory_space<hbm>> -> memref<16x128xi32, #tpu.memory_space<hbm>>
        tpu.enqueue_dma source(%dma_start3A_155 : memref<16x128xi32, #tpu.memory_space<hbm>>) target(%dma_start3A_152 : memref<16x128xi32, #tpu.memory_space<vmem>>) target_semaphore(%arg15 : memref<!tpu.dma_semaphore, #tpu.memory_space<semaphore_mem>>)
      } else {
      }
      %dma_start3A_85 = arith.constant 0 : i32
      %dma_start3A_86 = arith.constant 0 : i32
      %dma_start3A_87 = arith.constant 0 : i32
      %dma_start3A_88 = arith.constant 0 : i32
      %dma_start3A_89 = tpu.memref_slice %arg9[%dma_start3A_86, %dma_start3A_87, %dma_start3A_88] : memref<2x128x128xf32, #tpu.memory_space<vmem>> -> memref<1x128x128xf32, #tpu.memory_space<vmem>>
      %dma_start3A_90 = tpu.memref_squeeze %dma_start3A_89 : memref<1x128x128xf32, #tpu.memory_space<vmem>> -> memref<128x128xf32, #tpu.memory_space<vmem>>
      %dma_start3A_91 = arith.constant 0 : i32
      %dma_start3A_92 = tpu.memref_slice %arg7[%rem3A_49, %dma_start3A_85, %dma_start3A_91] : memref<2x16x128xi32, #tpu.memory_space<vmem>> -> memref<1x1x128xi32, #tpu.memory_space<vmem>>
      %dma_start3A_93 = tpu.memref_squeeze %dma_start3A_92 : memref<1x1x128xi32, #tpu.memory_space<vmem>> -> memref<128xi32, #tpu.memory_space<vmem>>
      %dma_start3A_94 = arith.constant 0 : i32
      %dma_start3A_95 = arith.constant 0 : i32
      %dma_start3A_96 = tpu.memref_slice %arg10[%dma_start3A_94, %dma_start3A_95] : memref<4096x128xf32, #tpu.memory_space<vmem_shared>> -> memref<4096x128xf32, #tpu.memory_space<vmem_shared>>
      tpu.enqueue_indirect_dma source(%dma_start3A_96 : memref<4096x128xf32, #tpu.memory_space<vmem_shared>>) target(%dma_start3A_90 : memref<128x128xf32, #tpu.memory_space<vmem>>) offsets(%dma_start3A_93 : memref<128xi32, #tpu.memory_space<vmem>>) semaphore(%arg11 : memref<!tpu.dma_semaphore, #tpu.memory_space<semaphore_mem>>)
      %scan3A_97 = arith.constant 0 : i32
      %scan3A_98 = arith.constant 1 : i32
      %scan3A_99 = arith.constant 0 : i32
      %scan3A_100 = arith.constant 0 : i32
      %scan3A_101 = arith.constant 8 : i32
      %scan3A_102 = arith.addi %scan3A_100, %scan3A_101 : i32
      %scan3A_103 = arith.constant 1 : i32
      scf.for %scan3A_117 = %scan3A_100 to %scan3A_102 step %scan3A_103  : i32 {
        %mul3A_118 = arith.constant 2 : i32
        %mul3A_119 = arith.muli %mul3A_118, %scan3A_117 : i32
        %add3A_120 = arith.constant 1 : i32
        %add3A_121 = arith.addi %mul3A_119, %add3A_120 : i32
        %gt3A = arith.constant 0 : i32
        %gt3A_122 = arith.cmpi sgt, %scan3A_117, %gt3A : i32
        %convert_element_type3A_123 = arith.extui %gt3A_122 : i1 to i32
        %cond3A_124 = arith.constant 0 : i32
        %cond3A_125 = arith.cmpi ne, %convert_element_type3A_123, %cond3A_124 : i32
        scf.if %cond3A_125 {
          %dma_wait3A_193 = arith.constant 0 : i32
          %dma_wait3A_194 = arith.constant 0 : i32
          %dma_wait3A_195 = tpu.memref_slice %arg9[%scan3A_98, %dma_wait3A_193, %dma_wait3A_194] : memref<2x128x128xf32, #tpu.memory_space<vmem>> -> memref<1x128x128xf32, #tpu.memory_space<vmem>>
          %dma_wait3A_196 = tpu.memref_squeeze %dma_wait3A_195 : memref<1x128x128xf32, #tpu.memory_space<vmem>> -> memref<128x128xf32, #tpu.memory_space<vmem>>
          %dma_wait3A_197 = arith.constant 0 : i32
          %dma_wait3A_198 = tpu.memref_slice %arg8[%rem3A_49, %add3A_121, %dma_wait3A_197] : memref<2x16x128xi32, #tpu.memory_space<vmem>> -> memref<1x1x128xi32, #tpu.memory_space<vmem>>
          %dma_wait3A_199 = tpu.memref_squeeze %dma_wait3A_198 : memref<1x1x128xi32, #tpu.memory_space<vmem>> -> memref<128xi32, #tpu.memory_space<vmem>>
          %dma_wait3A_200 = arith.constant 0 : i32
          %dma_wait3A_201 = arith.constant 0 : i32
          %dma_wait3A_202 = tpu.memref_slice %arg10[%dma_wait3A_200, %dma_wait3A_201] : memref<4096x128xf32, #tpu.memory_space<vmem_shared>> -> memref<4096x128xf32, #tpu.memory_space<vmem_shared>>
          tpu.wait_indirect_dma semaphore(%arg14 : memref<!tpu.dma_semaphore, #tpu.memory_space<semaphore_mem>>) src(%dma_wait3A_196 : memref<128x128xf32, #tpu.memory_space<vmem>>) dst(%dma_wait3A_202 : memref<4096x128xf32, #tpu.memory_space<vmem_shared>>)
        } else {
        }
        %dma_start3A_126 = arith.constant 0 : i32
        %dma_start3A_127 = arith.constant 0 : i32
        %dma_start3A_128 = tpu.memref_slice %arg9[%scan3A_98, %dma_start3A_126, %dma_start3A_127] : memref<2x128x128xf32, #tpu.memory_space<vmem>> -> memref<1x128x128xf32, #tpu.memory_space<vmem>>
        %dma_start3A_129 = tpu.memref_squeeze %dma_start3A_128 : memref<1x128x128xf32, #tpu.memory_space<vmem>> -> memref<128x128xf32, #tpu.memory_space<vmem>>
        %dma_start3A_130 = arith.constant 0 : i32
        %dma_start3A_131 = tpu.memref_slice %arg7[%rem3A_49, %add3A_121, %dma_start3A_130] : memref<2x16x128xi32, #tpu.memory_space<vmem>> -> memref<1x1x128xi32, #tpu.memory_space<vmem>>
        %dma_start3A_132 = tpu.memref_squeeze %dma_start3A_131 : memref<1x1x128xi32, #tpu.memory_space<vmem>> -> memref<128xi32, #tpu.memory_space<vmem>>
        %dma_start3A_133 = arith.constant 0 : i32
        %dma_start3A_134 = arith.constant 0 : i32
        %dma_start3A_135 = tpu.memref_slice %arg10[%dma_start3A_133, %dma_start3A_134] : memref<4096x128xf32, #tpu.memory_space<vmem_shared>> -> memref<4096x128xf32, #tpu.memory_space<vmem_shared>>
        tpu.enqueue_indirect_dma source(%dma_start3A_135 : memref<4096x128xf32, #tpu.memory_space<vmem_shared>>) target(%dma_start3A_129 : memref<128x128xf32, #tpu.memory_space<vmem>>) offsets(%dma_start3A_132 : memref<128xi32, #tpu.memory_space<vmem>>) semaphore(%arg12 : memref<!tpu.dma_semaphore, #tpu.memory_space<semaphore_mem>>)
        %dma_wait3A_136 = arith.constant 0 : i32
        %dma_wait3A_137 = arith.constant 0 : i32
        %dma_wait3A_138 = tpu.memref_slice %arg9[%scan3A_99, %dma_wait3A_136, %dma_wait3A_137] : memref<2x128x128xf32, #tpu.memory_space<vmem>> -> memref<1x128x128xf32, #tpu.memory_space<vmem>>
        %dma_wait3A_139 = tpu.memref_squeeze %dma_wait3A_138 : memref<1x128x128xf32, #tpu.memory_space<vmem>> -> memref<128x128xf32, #tpu.memory_space<vmem>>
        %dma_wait3A_140 = arith.constant 0 : i32
        %dma_wait3A_141 = tpu.memref_slice %arg7[%rem3A_49, %mul3A_119, %dma_wait3A_140] : memref<2x16x128xi32, #tpu.memory_space<vmem>> -> memref<1x1x128xi32, #tpu.memory_space<vmem>>
        %dma_wait3A_142 = tpu.memref_squeeze %dma_wait3A_141 : memref<1x1x128xi32, #tpu.memory_space<vmem>> -> memref<128xi32, #tpu.memory_space<vmem>>
        %dma_wait3A_143 = arith.constant 0 : i32
        %dma_wait3A_144 = arith.constant 0 : i32
        %dma_wait3A_145 = tpu.memref_slice %arg10[%dma_wait3A_143, %dma_wait3A_144] : memref<4096x128xf32, #tpu.memory_space<vmem_shared>> -> memref<4096x128xf32, #tpu.memory_space<vmem_shared>>
        tpu.wait_indirect_dma semaphore(%arg11 : memref<!tpu.dma_semaphore, #tpu.memory_space<semaphore_mem>>) src(%dma_wait3A_145 : memref<4096x128xf32, #tpu.memory_space<vmem_shared>>) dst(%dma_wait3A_139 : memref<128x128xf32, #tpu.memory_space<vmem>>)
        %dma_start3A_146 = arith.constant 0 : i32
        %dma_start3A_147 = arith.constant 0 : i32
        %dma_start3A_148 = tpu.memref_slice %arg9[%scan3A_99, %dma_start3A_146, %dma_start3A_147] : memref<2x128x128xf32, #tpu.memory_space<vmem>> -> memref<1x128x128xf32, #tpu.memory_space<vmem>>
        %dma_start3A_149 = tpu.memref_squeeze %dma_start3A_148 : memref<1x128x128xf32, #tpu.memory_space<vmem>> -> memref<128x128xf32, #tpu.memory_space<vmem>>
        %dma_start3A_150 = arith.constant 0 : i32
        %dma_start3A_151 = tpu.memref_slice %arg8[%rem3A_49, %mul3A_119, %dma_start3A_150] : memref<2x16x128xi32, #tpu.memory_space<vmem>> -> memref<1x1x128xi32, #tpu.memory_space<vmem>>
        %dma_start3A_152 = tpu.memref_squeeze %dma_start3A_151 : memref<1x1x128xi32, #tpu.memory_space<vmem>> -> memref<128xi32, #tpu.memory_space<vmem>>
        %dma_start3A_153 = arith.constant 0 : i32
        %dma_start3A_154 = arith.constant 0 : i32
        %dma_start3A_155 = tpu.memref_slice %arg10[%dma_start3A_153, %dma_start3A_154] : memref<4096x128xf32, #tpu.memory_space<vmem_shared>> -> memref<4096x128xf32, #tpu.memory_space<vmem_shared>>
        tpu.enqueue_indirect_dma source(%dma_start3A_149 : memref<128x128xf32, #tpu.memory_space<vmem>>) target(%dma_start3A_155 : memref<4096x128xf32, #tpu.memory_space<vmem_shared>>) offsets(%dma_start3A_152 : memref<128xi32, #tpu.memory_space<vmem>>) semaphore(%arg13 : memref<!tpu.dma_semaphore, #tpu.memory_space<semaphore_mem>>) {add = true}
        %dma_wait3A_156 = arith.constant 0 : i32
        %dma_wait3A_157 = arith.constant 0 : i32
        %dma_wait3A_158 = tpu.memref_slice %arg9[%scan3A_98, %dma_wait3A_156, %dma_wait3A_157] : memref<2x128x128xf32, #tpu.memory_space<vmem>> -> memref<1x128x128xf32, #tpu.memory_space<vmem>>
        %dma_wait3A_159 = tpu.memref_squeeze %dma_wait3A_158 : memref<1x128x128xf32, #tpu.memory_space<vmem>> -> memref<128x128xf32, #tpu.memory_space<vmem>>
        %dma_wait3A_160 = arith.constant 0 : i32
        %dma_wait3A_161 = tpu.memref_slice %arg7[%rem3A_49, %add3A_121, %dma_wait3A_160] : memref<2x16x128xi32, #tpu.memory_space<vmem>> -> memref<1x1x128xi32, #tpu.memory_space<vmem>>
        %dma_wait3A_162 = tpu.memref_squeeze %dma_wait3A_161 : memref<1x1x128xi32, #tpu.memory_space<vmem>> -> memref<128xi32, #tpu.memory_space<vmem>>
        %dma_wait3A_163 = arith.constant 0 : i32
        %dma_wait3A_164 = arith.constant 0 : i32
        %dma_wait3A_165 = tpu.memref_slice %arg10[%dma_wait3A_163, %dma_wait3A_164] : memref<4096x128xf32, #tpu.memory_space<vmem_shared>> -> memref<4096x128xf32, #tpu.memory_space<vmem_shared>>
        tpu.wait_indirect_dma semaphore(%arg12 : memref<!tpu.dma_semaphore, #tpu.memory_space<semaphore_mem>>) src(%dma_wait3A_165 : memref<4096x128xf32, #tpu.memory_space<vmem_shared>>) dst(%dma_wait3A_159 : memref<128x128xf32, #tpu.memory_space<vmem>>)
        %dma_wait3A_166 = arith.constant 0 : i32
        %dma_wait3A_167 = arith.constant 0 : i32
        %dma_wait3A_168 = tpu.memref_slice %arg9[%scan3A_99, %dma_wait3A_166, %dma_wait3A_167] : memref<2x128x128xf32, #tpu.memory_space<vmem>> -> memref<1x128x128xf32, #tpu.memory_space<vmem>>
        %dma_wait3A_169 = tpu.memref_squeeze %dma_wait3A_168 : memref<1x128x128xf32, #tpu.memory_space<vmem>> -> memref<128x128xf32, #tpu.memory_space<vmem>>
        %dma_wait3A_170 = arith.constant 0 : i32
        %dma_wait3A_171 = tpu.memref_slice %arg8[%rem3A_49, %mul3A_119, %dma_wait3A_170] : memref<2x16x128xi32, #tpu.memory_space<vmem>> -> memref<1x1x128xi32, #tpu.memory_space<vmem>>
        %dma_wait3A_172 = tpu.memref_squeeze %dma_wait3A_171 : memref<1x1x128xi32, #tpu.memory_space<vmem>> -> memref<128xi32, #tpu.memory_space<vmem>>
        %dma_wait3A_173 = arith.constant 0 : i32
        %dma_wait3A_174 = arith.constant 0 : i32
        %dma_wait3A_175 = tpu.memref_slice %arg10[%dma_wait3A_173, %dma_wait3A_174] : memref<4096x128xf32, #tpu.memory_space<vmem_shared>> -> memref<4096x128xf32, #tpu.memory_space<vmem_shared>>
        tpu.wait_indirect_dma semaphore(%arg13 : memref<!tpu.dma_semaphore, #tpu.memory_space<semaphore_mem>>) src(%dma_wait3A_169 : memref<128x128xf32, #tpu.memory_space<vmem>>) dst(%dma_wait3A_175 : memref<4096x128xf32, #tpu.memory_space<vmem_shared>>)
        %dma_start3A_176 = arith.constant 0 : i32
        %dma_start3A_177 = arith.constant 0 : i32
        %dma_start3A_178 = tpu.memref_slice %arg9[%scan3A_98, %dma_start3A_176, %dma_start3A_177] : memref<2x128x128xf32, #tpu.memory_space<vmem>> -> memref<1x128x128xf32, #tpu.memory_space<vmem>>
        %dma_start3A_179 = tpu.memref_squeeze %dma_start3A_178 : memref<1x128x128xf32, #tpu.memory_space<vmem>> -> memref<128x128xf32, #tpu.memory_space<vmem>>
        %dma_start3A_180 = arith.constant 0 : i32
        %dma_start3A_181 = tpu.memref_slice %arg8[%rem3A_49, %add3A_121, %dma_start3A_180] : memref<2x16x128xi32, #tpu.memory_space<vmem>> -> memref<1x1x128xi32, #tpu.memory_space<vmem>>
        %dma_start3A_182 = tpu.memref_squeeze %dma_start3A_181 : memref<1x1x128xi32, #tpu.memory_space<vmem>> -> memref<128xi32, #tpu.memory_space<vmem>>
        %dma_start3A_183 = arith.constant 0 : i32
        %dma_start3A_184 = arith.constant 0 : i32
        %dma_start3A_185 = tpu.memref_slice %arg10[%dma_start3A_183, %dma_start3A_184] : memref<4096x128xf32, #tpu.memory_space<vmem_shared>> -> memref<4096x128xf32, #tpu.memory_space<vmem_shared>>
        tpu.enqueue_indirect_dma source(%dma_start3A_179 : memref<128x128xf32, #tpu.memory_space<vmem>>) target(%dma_start3A_185 : memref<4096x128xf32, #tpu.memory_space<vmem_shared>>) offsets(%dma_start3A_182 : memref<128xi32, #tpu.memory_space<vmem>>) semaphore(%arg14 : memref<!tpu.dma_semaphore, #tpu.memory_space<semaphore_mem>>) {add = true}
        %add3A_186 = arith.constant 1 : i32
        %add3A_187 = arith.addi %scan3A_117, %add3A_186 : i32
        %lt3A_188 = arith.constant 8 : i32
        %lt3A_189 = arith.cmpi slt, %add3A_187, %lt3A_188 : i32
        %convert_element_type3A_190 = arith.extui %lt3A_189 : i1 to i32
        %cond3A_191 = arith.constant 0 : i32
        %cond3A_192 = arith.cmpi ne, %convert_element_type3A_190, %cond3A_191 : i32
        scf.if %cond3A_192 {
          %add3A_193 = arith.constant 2 : i32
          %add3A_194 = arith.addi %mul3A_119, %add3A_193 : i32
          %dma_start3A_195 = arith.constant 0 : i32
          %dma_start3A_196 = arith.constant 0 : i32
          %dma_start3A_197 = tpu.memref_slice %arg9[%scan3A_99, %dma_start3A_195, %dma_start3A_196] : memref<2x128x128xf32, #tpu.memory_space<vmem>> -> memref<1x128x128xf32, #tpu.memory_space<vmem>>
          %dma_start3A_198 = tpu.memref_squeeze %dma_start3A_197 : memref<1x128x128xf32, #tpu.memory_space<vmem>> -> memref<128x128xf32, #tpu.memory_space<vmem>>
          %dma_start3A_199 = arith.constant 0 : i32
          %dma_start3A_200 = tpu.memref_slice %arg7[%rem3A_49, %add3A_194, %dma_start3A_199] : memref<2x16x128xi32, #tpu.memory_space<vmem>> -> memref<1x1x128xi32, #tpu.memory_space<vmem>>
          %dma_start3A_201 = tpu.memref_squeeze %dma_start3A_200 : memref<1x1x128xi32, #tpu.memory_space<vmem>> -> memref<128xi32, #tpu.memory_space<vmem>>
          %dma_start3A_202 = arith.constant 0 : i32
          %dma_start3A_203 = arith.constant 0 : i32
          %dma_start3A_204 = tpu.memref_slice %arg10[%dma_start3A_202, %dma_start3A_203] : memref<4096x128xf32, #tpu.memory_space<vmem_shared>> -> memref<4096x128xf32, #tpu.memory_space<vmem_shared>>
          tpu.enqueue_indirect_dma source(%dma_start3A_204 : memref<4096x128xf32, #tpu.memory_space<vmem_shared>>) target(%dma_start3A_198 : memref<128x128xf32, #tpu.memory_space<vmem>>) offsets(%dma_start3A_201 : memref<128xi32, #tpu.memory_space<vmem>>) semaphore(%arg11 : memref<!tpu.dma_semaphore, #tpu.memory_space<semaphore_mem>>)
        } else {
        }
      }
      %scan3A_104 = arith.constant 8 : i32
      %dma_wait3A_105 = arith.constant 1 : i32
      %dma_wait3A_106 = arith.constant 15 : i32
      %dma_wait3A_107 = arith.constant 0 : i32
      %dma_wait3A_108 = arith.constant 0 : i32
      %dma_wait3A_109 = tpu.memref_slice %arg9[%dma_wait3A_105, %dma_wait3A_107, %dma_wait3A_108] : memref<2x128x128xf32, #tpu.memory_space<vmem>> -> memref<1x128x128xf32, #tpu.memory_space<vmem>>
      %dma_wait3A_110 = tpu.memref_squeeze %dma_wait3A_109 : memref<1x128x128xf32, #tpu.memory_space<vmem>> -> memref<128x128xf32, #tpu.memory_space<vmem>>
      %dma_wait3A_111 = arith.constant 0 : i32
      %dma_wait3A_112 = tpu.memref_slice %arg8[%rem3A_49, %dma_wait3A_106, %dma_wait3A_111] : memref<2x16x128xi32, #tpu.memory_space<vmem>> -> memref<1x1x128xi32, #tpu.memory_space<vmem>>
      %dma_wait3A_113 = tpu.memref_squeeze %dma_wait3A_112 : memref<1x1x128xi32, #tpu.memory_space<vmem>> -> memref<128xi32, #tpu.memory_space<vmem>>
      %dma_wait3A_114 = arith.constant 0 : i32
      %dma_wait3A_115 = arith.constant 0 : i32
      %dma_wait3A_116 = tpu.memref_slice %arg10[%dma_wait3A_114, %dma_wait3A_115] : memref<4096x128xf32, #tpu.memory_space<vmem_shared>> -> memref<4096x128xf32, #tpu.memory_space<vmem_shared>>
      tpu.wait_indirect_dma semaphore(%arg14 : memref<!tpu.dma_semaphore, #tpu.memory_space<semaphore_mem>>) src(%dma_wait3A_110 : memref<128x128xf32, #tpu.memory_space<vmem>>) dst(%dma_wait3A_116 : memref<4096x128xf32, #tpu.memory_space<vmem_shared>>)
    }
    %scan3A_42 = arith.constant 10 : i32
    %barrier3A_43 = arith.constant 0 : index
    tpu.barrier barrier_id(%barrier3A_43)
    %mul3A_44 = arith.constant 256 : i32
    %mul3A_45 = arith.muli %arg1, %mul3A_44 : i32
    %mul3A_46 = arith.constant 256 : i32
    %mul3A_47 = arith.muli %arg1, %mul3A_46 : i32
    "tpu.region"() ({
      %run_scoped3A = tpu.sem_alloc : memref<!tpu.dma_semaphore, #tpu.memory_space<semaphore_mem>>
      %dma_start3A_48 = arith.constant 0 : i32
      %dma_start3A_49 = tpu.memref_slice %arg6[%arg0, %mul3A_47, %dma_start3A_48] : memref<2x10240x128xf32, #tpu.memory_space<hbm>> -> memref<1x256x128xf32, #tpu.memory_space<hbm>>
      %dma_start3A_50 = tpu.memref_squeeze %dma_start3A_49 : memref<1x256x128xf32, #tpu.memory_space<hbm>> -> memref<256x128xf32, #tpu.memory_space<hbm>>
      %dma_start3A_51 = arith.constant 0 : i32
      %dma_start3A_52 = tpu.memref_slice %arg10[%mul3A_45, %dma_start3A_51] : memref<4096x128xf32, #tpu.memory_space<vmem_shared>> -> memref<256x128xf32, #tpu.memory_space<vmem_shared>>
      tpu.enqueue_dma source(%dma_start3A_52 : memref<256x128xf32, #tpu.memory_space<vmem_shared>>) target(%dma_start3A_50 : memref<256x128xf32, #tpu.memory_space<hbm>>) target_semaphore(%run_scoped3A : memref<!tpu.dma_semaphore, #tpu.memory_space<semaphore_mem>>)
      %dma_wait3A = arith.constant 0 : i32
      %dma_wait3A_53 = tpu.memref_slice %arg6[%arg0, %mul3A_47, %dma_wait3A] : memref<2x10240x128xf32, #tpu.memory_space<hbm>> -> memref<1x256x128xf32, #tpu.memory_space<hbm>>
      %dma_wait3A_54 = tpu.memref_squeeze %dma_wait3A_53 : memref<1x256x128xf32, #tpu.memory_space<hbm>> -> memref<256x128xf32, #tpu.memory_space<hbm>>
      %dma_wait3A_55 = arith.constant 0 : i32
      %dma_wait3A_56 = tpu.memref_slice %arg10[%mul3A_45, %dma_wait3A_55] : memref<4096x128xf32, #tpu.memory_space<vmem_shared>> -> memref<256x128xf32, #tpu.memory_space<vmem_shared>>
      tpu.wait_dma2 semaphore(%run_scoped3A : memref<!tpu.dma_semaphore, #tpu.memory_space<semaphore_mem>>) src(%dma_wait3A_56 : memref<256x128xf32, #tpu.memory_space<vmem_shared>>) dst(%dma_wait3A_54 : memref<256x128xf32, #tpu.memory_space<hbm>>)
      tpu.yield
    }) : () -> ()
    return
  }
}

module attributes {stable_mosaic.version = 14 : i64} {
  func.func @_mm1_body(%arg0: i32, %arg1: memref<1024x128xf32, #tpu.memory_space<vmem>>, %arg2: memref<128x128xf32, #tpu.memory_space<vmem>>, %arg3: memref<1024x128xf32, #tpu.memory_space<vmem>>) attributes {dimension_semantics = [#tpu.dimension_semantics<arbitrary>], iteration_bounds = array<i64: 10>, scalar_prefetch = 0 : i64, scratch_operands = 0 : i64, tpu.core_type = #tpu.core_type<tc>, window_params = [{transform_indices = @transform_0, window_bounds = array<i64: 1024, 128>}, {pipeline_mode = #tpu.pipeline_mode<synchronous>, transform_indices = @transform_1, window_bounds = array<i64: 128, 128>}, {transform_indices = @transform_2, window_bounds = array<i64: 1024, 128>}]} {
    %get3A = arith.constant 0 : index
    %get3A_0 = arith.constant 0 : index
    %get3A_1 = vector.load %arg1[%get3A, %get3A_0] : memref<1024x128xf32, #tpu.memory_space<vmem>>, vector<1024x128xf32>
    %get3A_2 = arith.constant 0 : index
    %get3A_3 = arith.constant 0 : index
    %get3A_4 = vector.load %arg2[%get3A_2, %get3A_3] : memref<128x128xf32, #tpu.memory_space<vmem>>, vector<128x128xf32>
    %dot_general3A = arith.constant dense<0.000000e+00> : vector<1024x128xf32>
    %dot_general3A_5 = tpu.matmul %get3A_1, %get3A_4, %dot_general3A {dimension_numbers = #tpu.dot_dimension_numbers<[1], [0], [0], [1], [0, 0, 1, 1], [], []>, transpose_lhs_hint = false} : vector<1024x128xf32>, vector<128x128xf32>, vector<1024x128xf32> -> vector<1024x128xf32>
    %swap3A = arith.constant 0 : index
    %swap3A_6 = arith.constant 0 : index
    %swap3A_7 = vector.load %arg3[%swap3A, %swap3A_6] : memref<1024x128xf32, #tpu.memory_space<vmem>>, vector<1024x128xf32>
    tpu.vector_store %arg3[%swap3A, %swap3A_6], %dot_general3A_5 {strides = array<i32>} : memref<1024x128xf32, #tpu.memory_space<vmem>>, vector<1024x128xf32>,
    return
  }
  func.func @transform_0(%arg0: i32) -> (i32, i32) {
    %c0_i32 = arith.constant 0 : i32
    %c0_i32_0 = arith.constant 0 : i32
    return %arg0, %c0_i32 : i32, i32
  }
  func.func @transform_1(%arg0: i32) -> (i32, i32) {
    %c0_i32 = arith.constant 0 : i32
    %c0_i32_0 = arith.constant 0 : i32
    %c0_i32_1 = arith.constant 0 : i32
    return %c0_i32, %c0_i32_0 : i32, i32
  }
  func.func @transform_2(%arg0: i32) -> (i32, i32) {
    %c0_i32 = arith.constant 0 : i32
    %c0_i32_0 = arith.constant 0 : i32
    return %arg0, %c0_i32 : i32, i32
  }
}

module attributes {stable_mosaic.version = 14 : i64} {
  func.func @_scale1_body(%arg0: i32, %arg1: memref<2x1024xf32, #tpu.memory_space<vmem>>, %arg2: memref<1024x128xf32, #tpu.memory_space<vmem>>, %arg3: memref<1024x128xf32, #tpu.memory_space<vmem>>) attributes {dimension_semantics = [#tpu.dimension_semantics<arbitrary>], iteration_bounds = array<i64: 10>, scalar_prefetch = 0 : i64, scratch_operands = 0 : i64, tpu.core_type = #tpu.core_type<tc>, window_params = [{transform_indices = @transform_0, window_bounds = array<i64: 2, 1024>}, {transform_indices = @transform_1, window_bounds = array<i64: 1024, 128>}, {transform_indices = @transform_2, window_bounds = array<i64: 1024, 128>}]} {
    %get3A = arith.constant 0 : index
    %get3A_0 = arith.constant 0 : index
    %get3A_1 = vector.load %arg1[%get3A, %get3A_0] : memref<2x1024xf32, #tpu.memory_space<vmem>>, vector<2x1024xf32>
    %slice3A = vector.extract_strided_slice %get3A_1 {offsets = [0, 0], sizes = [1, 1024], strides = [1, 1]} : vector<2x1024xf32> to vector<1x1024xf32>
    %squeeze3A = vector.shape_cast %slice3A : vector<1x1024xf32> to vector<1024xf32>
    %slice3A_2 = vector.extract_strided_slice %get3A_1 {offsets = [1, 0], sizes = [1, 1024], strides = [1, 1]} : vector<2x1024xf32> to vector<1x1024xf32>
    %squeeze3A_3 = vector.shape_cast %slice3A_2 : vector<1x1024xf32> to vector<1024xf32>
    %add3A = arith.addf %squeeze3A, %squeeze3A_3 : vector<1024xf32>
    %add3A_4 = arith.constant 1.000000e+00 : f32
    %add3A_5 = vector.broadcast %add3A_4 : f32 to vector<1024xf32>
    %add3A_6 = arith.addf %add3A, %add3A_5 : vector<1024xf32>
    %rsqrt3A = math.rsqrt %add3A_6 : vector<1024xf32>
    %get3A_7 = arith.constant 0 : index
    %get3A_8 = arith.constant 0 : index
    %get3A_9 = vector.load %arg2[%get3A_7, %get3A_8] : memref<1024x128xf32, #tpu.memory_space<vmem>>, vector<1024x128xf32>
    %broadcast_in_dim3A = vector.shape_cast %rsqrt3A : vector<1024xf32> to vector<1024x1xf32>
    %mul3A = vector.broadcast %broadcast_in_dim3A : vector<1024x1xf32> to vector<1024x128xf32>
    %mul3A_10 = arith.mulf %get3A_9, %mul3A : vector<1024x128xf32>
    %swap3A = arith.constant 0 : index
    %swap3A_11 = arith.constant 0 : index
    %swap3A_12 = vector.load %arg3[%swap3A, %swap3A_11] : memref<1024x128xf32, #tpu.memory_space<vmem>>, vector<1024x128xf32>
    tpu.vector_store %arg3[%swap3A, %swap3A_11], %mul3A_10 {strides = array<i32>} : memref<1024x128xf32, #tpu.memory_space<vmem>>, vector<1024x128xf32>,
    return
  }
  func.func @transform_0(%arg0: i32) -> (i32, i32) {
    %c0_i32 = arith.constant 0 : i32
    %c0_i32_0 = arith.constant 0 : i32
    return %c0_i32, %arg0 : i32, i32
  }
  func.func @transform_1(%arg0: i32) -> (i32, i32) {
    %c0_i32 = arith.constant 0 : i32
    %c0_i32_0 = arith.constant 0 : i32
    return %arg0, %c0_i32 : i32, i32
  }
  func.func @transform_2(%arg0: i32) -> (i32, i32) {
    %c0_i32 = arith.constant 0 : i32
    %c0_i32_0 = arith.constant 0 : i32
    return %arg0, %c0_i32 : i32, i32
  }
}

module attributes {stable_mosaic.version = 14 : i64} {
  func.func @_mid_body(%arg0: i32, %arg1: memref<2x1024xf32, #tpu.memory_space<vmem>>, %arg2: memref<2x1024x128xf32, #tpu.memory_space<vmem>>, %arg3: memref<1024x128xf32, #tpu.memory_space<vmem>>, %arg4: memref<128xf32, #tpu.memory_space<vmem>>, %arg5: memref<128x128xf32, #tpu.memory_space<vmem>>, %arg6: memref<1024x128xf32, #tpu.memory_space<vmem>>) attributes {dimension_semantics = [#tpu.dimension_semantics<arbitrary>], iteration_bounds = array<i64: 10>, scalar_prefetch = 0 : i64, scratch_operands = 0 : i64, tpu.core_type = #tpu.core_type<tc>, window_params = [{transform_indices = @transform_0, window_bounds = array<i64: 2, 1024>}, {transform_indices = @transform_1, window_bounds = array<i64: 2, 1024, 128>}, {transform_indices = @transform_2, window_bounds = array<i64: 1024, 128>}, {pipeline_mode = #tpu.pipeline_mode<synchronous>, transform_indices = @transform_3, window_bounds = array<i64: 128>}, {pipeline_mode = #tpu.pipeline_mode<synchronous>, transform_indices = @transform_4, window_bounds = array<i64: 128, 128>}, {transform_indices = @transform_5, window_bounds = array<i64: 1024, 128>}]} {
    %get3A = arith.constant 0 : index
    %get3A_0 = arith.constant 0 : index
    %get3A_1 = vector.load %arg1[%get3A, %get3A_0] : memref<2x1024xf32, #tpu.memory_space<vmem>>, vector<2x1024xf32>
    %slice3A = vector.extract_strided_slice %get3A_1 {offsets = [0, 0], sizes = [1, 1024], strides = [1, 1]} : vector<2x1024xf32> to vector<1x1024xf32>
    %squeeze3A = vector.shape_cast %slice3A : vector<1x1024xf32> to vector<1024xf32>
    %slice3A_2 = vector.extract_strided_slice %get3A_1 {offsets = [1, 0], sizes = [1, 1024], strides = [1, 1]} : vector<2x1024xf32> to vector<1x1024xf32>
    %squeeze3A_3 = vector.shape_cast %slice3A_2 : vector<1x1024xf32> to vector<1024xf32>
    %add3A = arith.addf %squeeze3A, %squeeze3A_3 : vector<1024xf32>
    %add3A_4 = arith.constant 1.000000e+00 : f32
    %add3A_5 = vector.broadcast %add3A_4 : f32 to vector<1024xf32>
    %add3A_6 = arith.addf %add3A, %add3A_5 : vector<1024xf32>
    %rsqrt3A = math.rsqrt %add3A_6 : vector<1024xf32>
    %get3A_7 = arith.constant 0 : index
    %get3A_8 = arith.constant 0 : index
    %get3A_9 = arith.constant 0 : index
    %get3A_10 = vector.load %arg2[%get3A_7, %get3A_8, %get3A_9] : memref<2x1024x128xf32, #tpu.memory_space<vmem>>, vector<1x1024x128xf32>
    %get3A_11 = vector.shape_cast %get3A_10 : vector<1x1024x128xf32> to vector<1024x128xf32>
    %get3A_12 = arith.constant 1 : index
    %get3A_13 = arith.constant 0 : index
    %get3A_14 = arith.constant 0 : index
    %get3A_15 = vector.load %arg2[%get3A_12, %get3A_13, %get3A_14] : memref<2x1024x128xf32, #tpu.memory_space<vmem>>, vector<1x1024x128xf32>
    %get3A_16 = vector.shape_cast %get3A_15 : vector<1x1024x128xf32> to vector<1024x128xf32>
    %add3A_17 = arith.addf %get3A_11, %get3A_16 : vector<1024x128xf32>
    %get3A_18 = arith.constant 0 : index
    %get3A_19 = arith.constant 0 : index
    %get3A_20 = vector.load %arg3[%get3A_18, %get3A_19] : memref<1024x128xf32, #tpu.memory_space<vmem>>, vector<1024x128xf32>
    %add3A_21 = arith.addf %add3A_17, %get3A_20 : vector<1024x128xf32>
    %broadcast_in_dim3A = vector.shape_cast %rsqrt3A : vector<1024xf32> to vector<1024x1xf32>
    %mul3A = vector.broadcast %broadcast_in_dim3A : vector<1024x1xf32> to vector<1024x128xf32>
    %mul3A_22 = arith.mulf %mul3A, %add3A_21 : vector<1024x128xf32>
    %get3A_23 = arith.constant 0 : index
    %get3A_24 = vector.load %arg4[%get3A_23] : memref<128xf32, #tpu.memory_space<vmem>>, vector<128xf32>
    %broadcast_in_dim3A_25 = vector.shape_cast %get3A_24 : vector<128xf32> to vector<1x128xf32>
    %add3A_26 = vector.broadcast %broadcast_in_dim3A_25 : vector<1x128xf32> to vector<1024x128xf32>
    %add3A_27 = arith.addf %mul3A_22, %add3A_26 : vector<1024x128xf32>
    %max3A = arith.constant 0.000000e+00 : f32
    %max3A_28 = vector.broadcast %max3A : f32 to vector<1024x128xf32>
    %max3A_29 = arith.maximumf %add3A_27, %max3A_28 : vector<1024x128xf32>
    %broadcast_in_dim3A_30 = vector.shape_cast %rsqrt3A : vector<1024xf32> to vector<1024x1xf32>
    %mul3A_31 = vector.broadcast %broadcast_in_dim3A_30 : vector<1024x1xf32> to vector<1024x128xf32>
    %mul3A_32 = arith.mulf %max3A_29, %mul3A_31 : vector<1024x128xf32>
    %get3A_33 = arith.constant 0 : index
    %get3A_34 = arith.constant 0 : index
    %get3A_35 = vector.load %arg5[%get3A_33, %get3A_34] : memref<128x128xf32, #tpu.memory_space<vmem>>, vector<128x128xf32>
    %dot_general3A = arith.constant dense<0.000000e+00> : vector<1024x128xf32>
    %dot_general3A_36 = tpu.matmul %mul3A_32, %get3A_35, %dot_general3A {dimension_numbers = #tpu.dot_dimension_numbers<[1], [0], [0], [1], [0, 0, 1, 1], [], []>, transpose_lhs_hint = false} : vector<1024x128xf32>, vector<128x128xf32>, vector<1024x128xf32> -> vector<1024x128xf32>
    %swap3A = arith.constant 0 : index
    %swap3A_37 = arith.constant 0 : index
    %swap3A_38 = vector.load %arg6[%swap3A, %swap3A_37] : memref<1024x128xf32, #tpu.memory_space<vmem>>, vector<1024x128xf32>
    tpu.vector_store %arg6[%swap3A, %swap3A_37], %dot_general3A_36 {strides = array<i32>} : memref<1024x128xf32, #tpu.memory_space<vmem>>, vector<1024x128xf32>,
    return
  }
  func.func @transform_0(%arg0: i32) -> (i32, i32) {
    %c0_i32 = arith.constant 0 : i32
    %c0_i32_0 = arith.constant 0 : i32
    return %c0_i32, %arg0 : i32, i32
  }
  func.func @transform_1(%arg0: i32) -> (i32, i32, i32) {
    %c0_i32 = arith.constant 0 : i32
    %c0_i32_0 = arith.constant 0 : i32
    %c0_i32_1 = arith.constant 0 : i32
    return %c0_i32, %arg0, %c0_i32_0 : i32, i32, i32
  }
  func.func @transform_2(%arg0: i32) -> (i32, i32) {
    %c0_i32 = arith.constant 0 : i32
    %c0_i32_0 = arith.constant 0 : i32
    return %arg0, %c0_i32 : i32, i32
  }
  func.func @transform_3(%arg0: i32) -> i32 {
    %c0_i32 = arith.constant 0 : i32
    %c0_i32_0 = arith.constant 0 : i32
    return %c0_i32 : i32
  }
  func.func @transform_4(%arg0: i32) -> (i32, i32) {
    %c0_i32 = arith.constant 0 : i32
    %c0_i32_0 = arith.constant 0 : i32
    %c0_i32_1 = arith.constant 0 : i32
    return %c0_i32, %c0_i32_0 : i32, i32
  }
  func.func @transform_5(%arg0: i32) -> (i32, i32) {
    %c0_i32 = arith.constant 0 : i32
    %c0_i32_0 = arith.constant 0 : i32
    return %arg0, %c0_i32 : i32, i32
  }
}

module attributes {stable_mosaic.version = 14 : i64} {
  func.func @_final_body(%arg0: i32, %arg1: memref<2x1024xf32, #tpu.memory_space<vmem>>, %arg2: memref<2x1024x128xf32, #tpu.memory_space<vmem>>, %arg3: memref<1024x128xf32, #tpu.memory_space<vmem>>, %arg4: memref<128xf32, #tpu.memory_space<vmem>>, %arg5: memref<1024x128xf32, #tpu.memory_space<vmem>>) attributes {dimension_semantics = [#tpu.dimension_semantics<arbitrary>], iteration_bounds = array<i64: 10>, scalar_prefetch = 0 : i64, scratch_operands = 0 : i64, tpu.core_type = #tpu.core_type<tc>, window_params = [{transform_indices = @transform_0, window_bounds = array<i64: 2, 1024>}, {transform_indices = @transform_1, window_bounds = array<i64: 2, 1024, 128>}, {transform_indices = @transform_2, window_bounds = array<i64: 1024, 128>}, {pipeline_mode = #tpu.pipeline_mode<synchronous>, transform_indices = @transform_3, window_bounds = array<i64: 128>}, {transform_indices = @transform_4, window_bounds = array<i64: 1024, 128>}]} {
    %get3A = arith.constant 0 : index
    %get3A_0 = arith.constant 0 : index
    %get3A_1 = vector.load %arg1[%get3A, %get3A_0] : memref<2x1024xf32, #tpu.memory_space<vmem>>, vector<2x1024xf32>
    %slice3A = vector.extract_strided_slice %get3A_1 {offsets = [0, 0], sizes = [1, 1024], strides = [1, 1]} : vector<2x1024xf32> to vector<1x1024xf32>
    %squeeze3A = vector.shape_cast %slice3A : vector<1x1024xf32> to vector<1024xf32>
    %slice3A_2 = vector.extract_strided_slice %get3A_1 {offsets = [1, 0], sizes = [1, 1024], strides = [1, 1]} : vector<2x1024xf32> to vector<1x1024xf32>
    %squeeze3A_3 = vector.shape_cast %slice3A_2 : vector<1x1024xf32> to vector<1024xf32>
    %add3A = arith.addf %squeeze3A, %squeeze3A_3 : vector<1024xf32>
    %add3A_4 = arith.constant 1.000000e+00 : f32
    %add3A_5 = vector.broadcast %add3A_4 : f32 to vector<1024xf32>
    %add3A_6 = arith.addf %add3A, %add3A_5 : vector<1024xf32>
    %rsqrt3A = math.rsqrt %add3A_6 : vector<1024xf32>
    %get3A_7 = arith.constant 0 : index
    %get3A_8 = arith.constant 0 : index
    %get3A_9 = arith.constant 0 : index
    %get3A_10 = vector.load %arg2[%get3A_7, %get3A_8, %get3A_9] : memref<2x1024x128xf32, #tpu.memory_space<vmem>>, vector<1x1024x128xf32>
    %get3A_11 = vector.shape_cast %get3A_10 : vector<1x1024x128xf32> to vector<1024x128xf32>
    %get3A_12 = arith.constant 1 : index
    %get3A_13 = arith.constant 0 : index
    %get3A_14 = arith.constant 0 : index
    %get3A_15 = vector.load %arg2[%get3A_12, %get3A_13, %get3A_14] : memref<2x1024x128xf32, #tpu.memory_space<vmem>>, vector<1x1024x128xf32>
    %get3A_16 = vector.shape_cast %get3A_15 : vector<1x1024x128xf32> to vector<1024x128xf32>
    %add3A_17 = arith.addf %get3A_11, %get3A_16 : vector<1024x128xf32>
    %get3A_18 = arith.constant 0 : index
    %get3A_19 = arith.constant 0 : index
    %get3A_20 = vector.load %arg3[%get3A_18, %get3A_19] : memref<1024x128xf32, #tpu.memory_space<vmem>>, vector<1024x128xf32>
    %add3A_21 = arith.addf %add3A_17, %get3A_20 : vector<1024x128xf32>
    %broadcast_in_dim3A = vector.shape_cast %rsqrt3A : vector<1024xf32> to vector<1024x1xf32>
    %mul3A = vector.broadcast %broadcast_in_dim3A : vector<1024x1xf32> to vector<1024x128xf32>
    %mul3A_22 = arith.mulf %mul3A, %add3A_21 : vector<1024x128xf32>
    %get3A_23 = arith.constant 0 : index
    %get3A_24 = vector.load %arg4[%get3A_23] : memref<128xf32, #tpu.memory_space<vmem>>, vector<128xf32>
    %broadcast_in_dim3A_25 = vector.shape_cast %get3A_24 : vector<128xf32> to vector<1x128xf32>
    %add3A_26 = vector.broadcast %broadcast_in_dim3A_25 : vector<1x128xf32> to vector<1024x128xf32>
    %add3A_27 = arith.addf %mul3A_22, %add3A_26 : vector<1024x128xf32>
    %swap3A = arith.constant 0 : index
    %swap3A_28 = arith.constant 0 : index
    %swap3A_29 = vector.load %arg5[%swap3A, %swap3A_28] : memref<1024x128xf32, #tpu.memory_space<vmem>>, vector<1024x128xf32>
    tpu.vector_store %arg5[%swap3A, %swap3A_28], %add3A_27 {strides = array<i32>} : memref<1024x128xf32, #tpu.memory_space<vmem>>, vector<1024x128xf32>,
    return
  }
  func.func @transform_0(%arg0: i32) -> (i32, i32) {
    %c0_i32 = arith.constant 0 : i32
    %c0_i32_0 = arith.constant 0 : i32
    return %c0_i32, %arg0 : i32, i32
  }
  func.func @transform_1(%arg0: i32) -> (i32, i32, i32) {
    %c0_i32 = arith.constant 0 : i32
    %c0_i32_0 = arith.constant 0 : i32
    %c0_i32_1 = arith.constant 0 : i32
    return %c0_i32, %arg0, %c0_i32_0 : i32, i32, i32
  }
  func.func @transform_2(%arg0: i32) -> (i32, i32) {
    %c0_i32 = arith.constant 0 : i32
    %c0_i32_0 = arith.constant 0 : i32
    return %arg0, %c0_i32 : i32, i32
  }
  func.func @transform_3(%arg0: i32) -> i32 {
    %c0_i32 = arith.constant 0 : i32
    %c0_i32_0 = arith.constant 0 : i32
    return %c0_i32 : i32
  }
  func.func @transform_4(%arg0: i32) -> (i32, i32) {
    %c0_i32 = arith.constant 0 : i32
    %c0_i32_0 = arith.constant 0 : i32
    return %arg0, %c0_i32 : i32, i32
  }
}

</mosaic_0001>

<sc_bundles>
// kernel: kernel.12.cloned.1.call-start
scs
__scs_entry_jumppad:
0x0: {  	(pc) =	sbr.rel $0x88, $3  }
0x1: {  	(tag) =	ssettag $0x0;
	lr =	simm.s32 $0x1  }
0x2: {  	[smem:$0x3F9B] =	sst lr;
	_ =	strace $0xD0000000  }
0x3: {  	_ = 	snop  }
0x4: {  	_ = 	snop  }
0x5: {  	_ = 	snop  }
0x6: {  	_ = 	snop  }
0x7: {  	_ = 	snop  }
__scs_overlays_trampoline_lowered:
0x8: {  	[smem:$0x3FAA] =	sst s0  }
0x9: {  	[smem:$0x3FAB] =	sst s1  }
0xa: {  	[smem:$0x3FAC] =	sst s2  }
0xb: {  	[smem:$0x3FAD] =	sst s3  }
0xc: {  	[smem:$0x3FAE] =	sst s4  }
0xd: {  	[smem:$0x3FAF] =	sst s5  }
0xe: {  	[smem:$0x3FB0] =	sst s6  }
0xf: {  	[smem:$0x3FB1] =	sst s7  }
0x10: {  	[smem:$0x3FB2] =	sst s8  }
0x11: {  	[smem:$0x3FB3] =	sst s9;
	s0 =	simm.s32 @!p0 $0x0  }
0x12: {  	s1 =	sld [smem:$0x3F99];
	s0 =	simm.s32 @p0 $0x1  }
0x13: {  	[smem:$0x3FB4] =	sst s0;
	s0 =	simm.s32 @!p1 $0x0  }
0x14: {  	s2 =	sld [smem:$0x3F98];
	s0 =	simm.s32 @p1 $0x1  }
0x15: {  	[smem:$0x3FB5] =	sst s0;
	s0 =	simm.s32 @!p2 $0x0  }
0x16: {  	s3 =	sld [smem:$0x3FDB];
	s0 =	simm.s32 @p2 $0x1  }
0x17: {  	s4 =	simm.s32 $0x1BF5;
	[smem:$0x3FB7] =	sst s0  }
0x18: {  	s0 =	sld [smem:$0x3F9A];
	_ =	swait.ge [sflag:s4], $0x0  }
0x19: {  	s7 =	sld [smem:$0x3F9B]  }
0x1a: {  	s8 =	sadd.s32 $0xFFFFE003, lr  }
0x1b: {  	s9 =	sadd.s32 $0xFFFFFEF7, lr;
	s5 =	simm.s32 $0xFFFFFFFF;
	p2 =	slt.u32 s8, $0xFFFFF086  }
0x1c: {  	p1 =	slt.u32 s9, $0xF7A;
	s5 =	simm.s32 @!p2 $0x0  }
0x1d: {  	s5 =	simm.s32 @p1 $0x1;
	p0 =	seq.s32 s7, s2  }
0x1e: {  	s7 =	smul.u32 @!p0 $0xF7A, s2;
	p2 =	seq.s32 @!p0 s5, $0x0  }
0x1f: {  	s9 =	smul.u32 $0xF7A, s1;
	s8 =	simm.s32 @!p0 $0x1BF5;
	p2 =	por !p2, p0  }
0x20: {  	[sflag:s8] =	ssyncset.s32 @!p0 $0xFFFFF086;
	s6 =	sadd.s32 @!p0 s3, s7;
	s7 =	simm.s32 @!p0 $0x108  }
0x21: {  	s3 =	sadd.s32 s3, s9;
	s6 =	sadd.s32 @!p0 $0x88, s6;
	s7 =	simm.s32 @p2 $0x1082  }
0x22: {  	[simem:s7], [sflag:s8] =	dma.local @!p0 [hbm:s6], $0xF7A  }
0x23: {  	s9 =	sor.u32 $0xD0000000, s2;
	s6 =	simm.s32 $0x108;
	_ =	swait.ge @!p0 [sflag:s8], $0x0  }
0x24: {  	s3 =	sadd.s32 $0x88, s3;
	s6 =	simm.s32 @!p1 $0x1082;
	[sflag:s4] =	ssyncset.s32 $0xFFFFF086  }
0x25: {  	[simem:s6], [sflag:s4] =	dma.local [hbm:s3], $0xF7A  }
0x26: {  	[smem:$0x3F9B] =	sst s1;
	(tag) =	ssettag s2;
	_ =	strace s9  }
0x27: {  	s1 =	sld [smem:$0x3FAB]  }
0x28: {  	s2 =	sld [smem:$0x3FAC]  }
0x29: {  	s4 =	sld [smem:$0x3FAE]  }
0x2a: {  	p0 =	seq.s32 s5, $0x0;
	s5 =	sld [smem:$0x3FAF]  }
0x2b: {  	s6 =	sld [smem:$0x3FB0]  }
0x2c: {  	s7 =	sld [smem:$0x3FB1]  }
0x2d: {  	s3 =	simm.s32 $0x108;
	s8 =	sld [smem:$0x3FB2]  }
0x2e: {  	s3 =	simm.s32 @!p0 $0x1082;
	s9 =	sld [smem:$0x3FB3]  }
0x2f: {  	lr =	sadd.s32 s0, s3;
	s0 =	sld [smem:$0x3FAA]  }
0x30: {  	s3 =	sld [smem:$0x3FAD]  }
0x31: {  	[smem:$0x3FB6] =	sst s10  }
0x32: {  	s10 =	sld [smem:$0x3FB4];
	_ =	sdelay $0x3  }
0x33: {  	p0 =	seq.s32 s10, $0x1;
	s10 =	sld [smem:$0x3FB6];
	_ =	sdelay $0x3  }
0x34: {  	[smem:$0x3FB6] =	sst s10  }
0x35: {  	s10 =	sld [smem:$0x3FB5];
	_ =	sdelay $0x3  }
0x36: {  	p1 =	seq.s32 s10, $0x1;
	s10 =	sld [smem:$0x3FB6];
	_ =	sdelay $0x3  }
0x37: {  	[smem:$0x3FB6] =	sst s10  }
0x38: {  	s10 =	sld [smem:$0x3FB7]  }
0x39: {  	_ = 	snop;
	(pc) =	sbr.ind lr, $3  }
0x3a: {  	_ = 	snop  }
0x3b: {  	_ = 	snop  }
0x3c: {  	p2 =	seq.s32 s10, $0x1;
	s10 =	sld [smem:$0x3FB6]  }
0x3d: {  	_ =	shalt  }
0x3e: {  	_ =	shalt  }
0x3f: {  	_ =	shalt  }
0x40: {  	_ =	shalt  }
0x41: {  	_ =	shalt  }
0x42: {  	_ =	shalt  }
0x43: {  	_ =	shalt  }
0x44: {  	_ =	shalt  }
0x45: {  	_ =	shalt  }
0x46: {  	_ =	shalt  }
0x47: {  	_ =	shalt  }
0x48: {  	_ =	shalt  }
0x49: {  	_ =	shalt  }
0x4a: {  	_ =	shalt  }
0x4b: {  	_ =	shalt  }
0x4c: {  	_ =	shalt  }
0x4d: {  	_ =	shalt  }
0x4e: {  	_ =	shalt  }
0x4f: {  	_ =	shalt  }
0x50: {  	_ =	shalt  }
0x51: {  	_ =	shalt  }
0x52: {  	_ =	shalt  }
0x53: {  	_ =	shalt  }
0x54: {  	_ =	shalt  }
0x55: {  	_ =	shalt  }
0x56: {  	_ =	shalt  }
0x57: {  	_ =	shalt  }
0x58: {  	_ =	shalt  }
0x59: {  	_ =	shalt  }
0x5a: {  	_ =	shalt  }
0x5b: {  	_ =	shalt  }
0x5c: {  	_ =	shalt  }
0x5d: {  	_ =	shalt  }
0x5e: {  	_ =	shalt  }
0x5f: {  	_ =	shalt  }
0x60: {  	_ =	shalt  }
0x61: {  	_ =	shalt  }
0x62: {  	_ =	shalt  }
0x63: {  	_ =	shalt  }
0x64: {  	_ =	shalt  }
0x65: {  	_ =	shalt  }
0x66: {  	_ =	shalt  }
0x67: {  	_ =	shalt  }
0x68: {  	_ =	shalt  }
0x69: {  	_ =	shalt  }
0x6a: {  	_ =	shalt  }
0x6b: {  	_ =	shalt  }
0x6c: {  	_ =	shalt  }
0x6d: {  	_ =	shalt  }
0x6e: {  	_ =	shalt  }
0x6f: {  	_ =	shalt  }
0x70: {  	_ =	shalt  }
0x71: {  	_ =	shalt  }
0x72: {  	_ =	shalt  }
0x73: {  	_ =	shalt  }
0x74: {  	_ =	shalt  }
0x75: {  	_ =	shalt  }
0x76: {  	_ =	shalt  }
0x77: {  	_ =	shalt  }
0x78: {  	_ =	shalt  }
0x79: {  	_ =	shalt  }
0x7a: {  	_ =	shalt  }
0x7b: {  	_ =	shalt  }
0x7c: {  	_ =	shalt  }
0x7d: {  	_ =	shalt  }
0x7e: {  	_ =	shalt  }
0x7f: {  	_ =	shalt  }
0x80: {  	_ =	shalt  }
0x81: {  	_ =	shalt  }
0x82: {  	_ =	shalt  }
0x83: {  	_ =	shalt  }
0x84: {  	_ =	shalt  }
0x85: {  	_ =	shalt  }
0x86: {  	_ =	shalt  }
0x87: {  	_ =	shalt  }
.Lfunc_end0:
.L_simem_size_0:
called_computation.1_lowered:
.L_overlay_start_0:
0x88: {  	s2 =	sld [smem:$0x3FD9]  }
0x89: {  	s3 =	sld [smem:$0x3FFE];
	_ =	sdelay $0x1  }
0x8a: {  	s1 =	srdreg.scid  }
0x8b: {  	s0 =	sand.u32 $0x1, s1  }
0x8c: {  	s17 =	sshll.u32 s0, $0xA;
	s2 =	sadd.s32 s3, s2  }
0x8d: {  	s2 =	sadd.s32 s2, s17  }
0x8e: {  	[smem:$0x3FC2] =	sst s2  }
0x8f: {  	_ = 	snop  }
0x90: {  	s2 =	sld [smem:$0x3FD0];
	(tm) =	ssettm $0x1  }
0x91: {  	s18 =	sld [smem:$0x3FFB];
	_ =	sdelay $0x3  }
0x92: {  	_ =	strace s18  }
0x93: {  	s3 =	sld [smem:$0x3FFC];
	_ =	sdelay $0x3  }
0x94: {  	_ =	strace s3  }
0x95: {  	s3 =	sld [smem:$0x3FFD];
	_ =	sdelay $0x3  }
0x96: {  	_ =	strace s3  }
0x97: {  	_ =	strace $0x8FFFFFFF  }
0x98: {  	s19 =	sld [smem:$0x3FDB];
	_ =	sdelay $0x1  }
0x99: {  	s4 =	simm.s32 $_scs_section_size  }
0x9a: {  	s5 =	simm.s32 $_size__tile_overlayer_lowered;
	s6 =	simm.s32 $_tile_overlayer_lowered  }
0x9b: {  	s22 =	simm.s32 $0x1BFF;
	s21 =	sshll.u32 s6, $0x1;
	s3 =	sadd.s32 s4, s19  }
0x9c: {  	s7 =	simm.s32 $0x0;
	s20 =	sshll.u32 s5, $0x1;
	s5 =	sadd.s32 s21, s3  }
0x9d: {  	[timem:s7], [sflag:s22] =	dma.local [hbm:s5], s20  }
0x9e: {  	_ =	swait.ge [sflag:s22], s20  }
0x9f: {  	s4 =	ssub.s32 $0x0, s20;
	[sflag:s22] =	ssyncset.done $0x0  }
0xa0: {  	[sflag:s22] =	ssyncadd.s32 s4;
	_ =	sdelay $0x1  }
0xa1: {  	s23 =	simm.s32 $0x1B8B  }
0xa2: {  	_ =	swait.ge [sflag:s23], $0x1  }
0xa3: {  	[sflag:s23] =	ssyncset.done $0x0  }
0xa4: {  	s25 =	simm.s32 $0x1B8E;
	s24 =	sld [smem:$0x3FFE];
	[sflag:s23] =	ssyncadd.s32 $0xFFFFFFFF  }
0xa5: {  	s26 =	simm.s32 $execute0_lowered;
	[smem:$0x3FD2] =	sst s25  }
0xa6: {  	s5 =	sshll.u32 s26, $0x1;
	_ =	strace $0x80000049;
	[dreg:$0x1] =	wrdreg $0xFFFFFFFF  }
0xa7: {  	s28 =	simm.s32 $_size_execute0_lowered;
	s3 =	sadd.s32 s3, s5;
	[dreg:$0x0] =	wrdreg $0x0  }
0xa8: {  	s5 =	sshll.u32 s28, $0x1;
	[dreg:$0x2] =	wrdreg s3  }
0xa9: {  	[dreg:$0x3] =	wrdreg s5  }
0xaa: {  	[dreg:$0x4] =	wrdreg $0xC0  }
0xab: {  	_ =	task [dreg:s7], $0x5FFFF  }
0xac: {  	[dreg:$0x1] =	wrdreg $0xFFFFFFFF  }
0xad: {  	[dreg:$0x0] =	wrdreg $0x60  }
0xae: {  	[dreg:$0x2] =	wrdreg s2  }
0xaf: {  	[dreg:$0x3] =	wrdreg s24  }
0xb0: {  	[dreg:$0x4] =	wrdreg $0xA0000  }
0xb1: {  	[dreg:$0x5] =	wrdreg $0x9  }
0xb2: {  	_ =	task.clear_ibuf [dreg:s7], $0x6FFFF;
	_ =	strace $0x90000049  }
0xb3: {  	s29 =	simm.s32 $0x9;
	_ =	strace $0x8000004B  }
0xb4: {  	_ =	swait.ge [sflag:s29], $0x1  }
0xb5: {  	[sflag:s29] =	ssyncadd.s32 $0xFFFFFFFF  }
0xb6: {  	_ =	strace $0x9000004B  }
0xb7: {  	_ =	sfence  }
0xb8: {  	s30 =	sld [smem:$0x0];
	_ =	sdelay $0x2  }
0xb9: {  	s31 =	sshll.u32 s1, $0xD;
	s1 =	sshrl.u32 s1, $0x2  }
0xba: {  	s3 =	sand.u32 $0x4000, s31;
	s1 =	sadd.s32 s1, s30  }
0xbb: {  	s0 =	sor.u32 s3, s0;
	s1 =	sshll.u32 s1, $0x11  }
0xbc: {  	s0 =	sor.u32 s1, s0  }
0xbd: {  	s0 =	sadd.s32 $0x8F2B, s0  }
0xbe: {  	[sflag:s0] =	ssyncadd.remote.s32 $0x1  }
0xbf: {  	_ =	sfence.sel $0xFFFF  }
0xc0: {  	[dreg:$0x0] =	wrdreg $0xFFFFFFFF;
	(pc) =	sbr.abs _section_cstart, $3  }
0xc1: {  	[dreg:$0x1] =	wrdreg $0xFFFFFFFF  }
0xc2: {  	_ =	task.clear_ibuf [dreg:s7], $0x2FFFF;
	_ =	strace $0x9FFFFFFF  }
0xc3: {  	(tm) =	ssettm $0x7FFFFFFF  }
tec
execute0_lowered:
.L_overlay_start_1:
0x0: {  	(tag) =	ssettag $0x1  }
0x1: {  	s11 =	rddreg [dreg:$0x0]  }
0x2: {  	s4 =	rddreg [dreg:$0x1]  }
0x3: {  	s1 =	rddreg [dreg:$0x2]  }
0x4: {  	s0 =	rddreg [dreg:$0x3]  }
0x5: {  	s3 =	simm.s32 $0x0;
	s5 =	srdreg.scid;
	s2 =	stileid.u32  }
0x6: {  	s16 =	simm.s32 $0x80;
	s17 =	simm.s32 $0x2000;
	s18 =	simm.s32 $0x6000  }
0x7: {  	s19 =	simm.s32 $0x1;
	s20 =	simm.s32 $0x2;
	s21 =	simm.s32 $0x3  }
0x8: {  	s22 =	simm.s32 $0x4;
	s23 =	simm.s32 $0x0;
	[smem:$0x7FF] =	sst s3  }
0x9: {  	s5 =	sand.u32 $0x1, s5;
	s10 =	sadd.s32 $0x2E00, s4;
	s7 =	sshll.u32 s2, $0x1  }
0xa: {  	s8 =	sshll.u32 s2, $0xC;
	s9 =	sshll.u32 s2, $0xF;
	s13 =	smul.u32 $0xA000, s2  }
0xb: {  	s28 =	sshll.u32 s2, $0x6;
	_ =	strace $0x8000004A;
	s6 =	smul.u32 $0x140000, s5  }
0xc: {  	s7 =	sor.u32 s5, s7;
	s8 =	sadd.s32 s8, s4;
	s12 =	ssub.s32 $0x2, s5  }
0xd: {  	s5 =	smul.u32 $0x5000, s5;
	s15 =	sadd.s32 s9, s1;
	s26 =	sshrl.u32 s12, $0x1  }
0xe: {  	s7 =	smul.u32 $0x5000, s7;
	s6 =	sadd.s32 s9, s6;
	s12 =	ssub.s32 s12, s26  }
0xf: {  	s29 =	sadd.s32 s5, s13;
	s5 =	sor.u32 $0x1C06, s28;
	s13 =	simm.s32 $0x6  }
0x10: {  	s6 =	sshrl.u32 s6, $0x3;
	s7 =	sshrl.u32 s7, $0x3;
	s30 =	sor.u32 $0x800, s29  }
0x11: {  	s9 =	smax.u32 s12, $0x1;
	s12 =	sshrl.u32 s15, $0x3;
	s15 =	simm.s32 $0x5  }
0x12: {  	s14 =	sadd.s32 s6, s4;
	s4 =	sadd.s32 $0x16E00, s8;
	s6 =	sadd.s32 s11, s7  }
0x13: {  	s7 =	sadd.s32 s10, s7;
	s31 =	sshrl.u32 s30, $0x3;
	s8 =	sadd.s32 $0x66E00, s14  }
0x14: {  	s10 =	sadd.s32 s31, s10;
	s11 =	sadd.s32 s31, s11;
	s14 =	simm.s32 $0x1000  }
.LBB2_1:
0x15: {  	[spmem:s12], [sflag:s5] =	dma.local [hbm:s4], $0x1000  }
0x16: {  	_ =	swait.ge [sflag:s13], $0x1000  }
0x17: {  	[sflag:s13] =	ssyncset.done $0x0  }
0x18: {  	[sflag:s13] =	ssyncadd.s32 $0xFFFFF000  }
0x19: {  	[tilespmem:s3], [sflag:$0x5] =	stream.linear.gather [hbm4b:s6+s3], $0x800, $0x38;
	[tilespmem:$0x12000] =	vst v63  }
0x1a: {  	_ = 	snop  }
0x1b: {  	[tilespmem:s14], [sflag:$0x5] =	stream.linear.gather [hbm4b:s7+s3], $0x800, $0x38;
	[tilespmem:$0x12000] =	vst v63  }
0x1c: {  	[bflag:$0x0] =	sbarrier.arrive $0xFFFF  }
0x1d: {  	_ =	swait.ge [sflag:s15], $0x800  }
0x1e: {  	[sflag:s15] =	ssyncset.done $0x0  }
0x1f: {  	[sflag:s15] =	ssyncadd.s32 $0xFFFFF800  }
0x20: {  	p0 =	por $0x0, $0x0;
	_ =	swait.ge [sflag:s15], $0x800  }
0x21: {  	s24 =	sand.u32 @!p0 $0x800, s3;
	[sflag:s15] =	ssyncset.done $0x0  }
0x22: {  	s26 =	simm.s32 @!p0 $0x0;
	s25 =	sxor.u32 @!p0 $0x800, s24;
	[sflag:s15] =	ssyncadd.s32 $0xFFFFF800  }
0x23: {  	[tilespmem:s25], [sflag:$0x5] =	stream.linear.gather @!p0 [hbm4b:s11+s26], $0x800, $0x38;
	[tilespmem:$0x12000] =	vst v63  }
0x24: {  	s25 =	sxor.u32 @!p0 $0x1800, s24  }
0x25: {  	[tilespmem:s25], [sflag:$0x5] =	stream.linear.gather @!p0 [hbm4b:s10+s26], $0x800, $0x38;
	[tilespmem:$0x12000] =	vst v63  }
0x26: {  	s24 =	simm.s32 @p0 $0x800  }
0x27: {  	[tilespmem:s17], [sflag:$0x1] =	stream.indirect.gather [spmem:s1], $0x80, s24, s16, $0xb8;
	[tilespmem:$0x12000] =	vst v63  }
0x28: {  	s26 =	sor.u32 $0x80, s24  }
0x29: {  	[tilespmem:s18], [sflag:$0x2] =	stream.indirect.gather [spmem:s1], $0x80, s26, s16, $0xb8;
	[tilespmem:$0x12000] =	vst v63  }
0x2a: {  	_ =	swait.ge [sflag:s19], $0x4000  }
0x2b: {  	[sflag:s19] =	ssyncset.done $0x0  }
0x2c: {  	s28 =	sor.u32 $0x1000, s24;
	[sflag:s19] =	ssyncadd.s32 $0xFFFFC000  }
0x2d: {  	[spmem:s1] =	stream.indirect.scatter.add.f32 [tilespmem:s17], [sflag:$0x3], $0x80, s28, s16, $0xb8;
	[tilespmem:$0x12000] =	vst v63  }
0x2e: {  	_ =	swait.ge [sflag:s20], $0x4000  }
0x2f: {  	[sflag:s20] =	ssyncset.done $0x0  }
0x30: {  	[sflag:s20] =	ssyncadd.s32 $0xFFFFC000  }
0x31: {  	_ =	swait.ge [sflag:s21], $0x4000  }
0x32: {  	[sflag:s21] =	ssyncset.done $0x0  }
0x33: {  	s29 =	sor.u32 $0x1080, s24;
	[sflag:s21] =	ssyncadd.s32 $0xFFFFC000  }
0x34: {  	[spmem:s1] =	stream.indirect.scatter.add.f32 [tilespmem:s18], [sflag:$0x4], $0x80, s29, s16, $0xb8;
	[tilespmem:$0x12000] =	vst v63  }
0x35: {  	s30 =	sadd.s32 $0x100, s24  }
0x36: {  	[tilespmem:s17], [sflag:$0x1] =	stream.indirect.gather [spmem:s1], $0x80, s30, s16, $0xb8;
	[tilespmem:$0x12000] =	vst v63  }
0x37: {  	_ =	swait.ge [sflag:s22], $0x4000  }
0x38: {  	[sflag:s22] =	ssyncset.done $0x0  }
0x39: {  	s31 =	sor.u32 $0x180, s24;
	[sflag:s22] =	ssyncadd.s32 $0xFFFFC000  }
0x3a: {  	[tilespmem:s18], [sflag:$0x2] =	stream.indirect.gather [spmem:s1], $0x80, s31, s16, $0xb8;
	[tilespmem:$0x12000] =	vst v63  }
0x3b: {  	_ =	swait.ge [sflag:s19], $0x4000  }
0x3c: {  	[sflag:s19] =	ssyncset.done $0x0  }
0x3d: {  	s26 =	sadd.s32 $0x1100, s24;
	[sflag:s19] =	ssyncadd.s32 $0xFFFFC000  }
0x3e: {  	[spmem:s1] =	stream.indirect.scatter.add.f32 [tilespmem:s17], [sflag:$0x3], $0x80, s26, s16, $0xb8;
	[tilespmem:$0x12000] =	vst v63  }
0x3f: {  	_ =	swait.ge [sflag:s20], $0x4000  }
0x40: {  	[sflag:s20] =	ssyncset.done $0x0  }
0x41: {  	[sflag:s20] =	ssyncadd.s32 $0xFFFFC000  }
0x42: {  	_ =	swait.ge [sflag:s21], $0x4000  }
0x43: {  	[sflag:s21] =	ssyncset.done $0x0  }
0x44: {  	s28 =	sor.u32 $0x1180, s24;
	[sflag:s21] =	ssyncadd.s32 $0xFFFFC000  }
0x45: {  	[spmem:s1] =	stream.indirect.scatter.add.f32 [tilespmem:s18], [sflag:$0x4], $0x80, s28, s16, $0xb8;
	[tilespmem:$0x12000] =	vst v63  }
0x46: {  	s29 =	sadd.s32 $0x200, s24  }
0x47: {  	[tilespmem:s17], [sflag:$0x1] =	stream.indirect.gather [spmem:s1], $0x80, s29, s16, $0xb8;
	[tilespmem:$0x12000] =	vst v63  }
0x48: {  	_ =	swait.ge [sflag:s22], $0x4000  }
0x49: {  	[sflag:s22] =	ssyncset.done $0x0  }
0x4a: {  	s30 =	sor.u32 $0x280, s24;
	[sflag:s22] =	ssyncadd.s32 $0xFFFFC000  }
0x4b: {  	[tilespmem:s18], [sflag:$0x2] =	stream.indirect.gather [spmem:s1], $0x80, s30, s16, $0xb8;
	[tilespmem:$0x12000] =	vst v63  }
0x4c: {  	_ =	swait.ge [sflag:s19], $0x4000  }
0x4d: {  	[sflag:s19] =	ssyncset.done $0x0  }
0x4e: {  	s31 =	sadd.s32 $0x1200, s24;
	[sflag:s19] =	ssyncadd.s32 $0xFFFFC000  }
0x4f: {  	[spmem:s1] =	stream.indirect.scatter.add.f32 [tilespmem:s17], [sflag:$0x3], $0x80, s31, s16, $0xb8;
	[tilespmem:$0x12000] =	vst v63  }
0x50: {  	_ =	swait.ge [sflag:s20], $0x4000  }
0x51: {  	[sflag:s20] =	ssyncset.done $0x0  }
0x52: {  	[sflag:s20] =	ssyncadd.s32 $0xFFFFC000  }
0x53: {  	_ =	swait.ge [sflag:s21], $0x4000  }
0x54: {  	[sflag:s21] =	ssyncset.done $0x0  }
0x55: {  	s26 =	sor.u32 $0x1280, s24;
	[sflag:s21] =	ssyncadd.s32 $0xFFFFC000  }
0x56: {  	[spmem:s1] =	stream.indirect.scatter.add.f32 [tilespmem:s18], [sflag:$0x4], $0x80, s26, s16, $0xb8;
	[tilespmem:$0x12000] =	vst v63  }
0x57: {  	s28 =	sadd.s32 $0x300, s24  }
0x58: {  	[tilespmem:s17], [sflag:$0x1] =	stream.indirect.gather [spmem:s1], $0x80, s28, s16, $0xb8;
	[tilespmem:$0x12000] =	vst v63  }
0x59: {  	_ =	swait.ge [sflag:s22], $0x4000  }
0x5a: {  	[sflag:s22] =	ssyncset.done $0x0  }
0x5b: {  	s29 =	sor.u32 $0x380, s24;
	[sflag:s22] =	ssyncadd.s32 $0xFFFFC000  }
0x5c: {  	[tilespmem:s18], [sflag:$0x2] =	stream.indirect.gather [spmem:s1], $0x80, s29, s16, $0xb8;
	[tilespmem:$0x12000] =	vst v63  }
0x5d: {  	_ =	swait.ge [sflag:s19], $0x4000  }
0x5e: {  	[sflag:s19] =	ssyncset.done $0x0  }
0x5f: {  	s30 =	sadd.s32 $0x1300, s24;
	[sflag:s19] =	ssyncadd.s32 $0xFFFFC000  }
0x60: {  	[spmem:s1] =	stream.indirect.scatter.add.f32 [tilespmem:s17], [sflag:$0x3], $0x80, s30, s16, $0xb8;
	[tilespmem:$0x12000] =	vst v63  }
0x61: {  	_ =	swait.ge [sflag:s20], $0x4000  }
0x62: {  	[sflag:s20] =	ssyncset.done $0x0  }
0x63: {  	[sflag:s20] =	ssyncadd.s32 $0xFFFFC000  }
0x64: {  	_ =	swait.ge [sflag:s21], $0x4000  }
0x65: {  	[sflag:s21] =	ssyncset.done $0x0  }
0x66: {  	s31 =	sor.u32 $0x1380, s24;
	[sflag:s21] =	ssyncadd.s32 $0xFFFFC000  }
0x67: {  	[spmem:s1] =	stream.indirect.scatter.add.f32 [tilespmem:s18], [sflag:$0x4], $0x80, s31, s16, $0xb8;
	[tilespmem:$0x12000] =	vst v63  }
0x68: {  	s26 =	sadd.s32 $0x400, s24  }
0x69: {  	[tilespmem:s17], [sflag:$0x1] =	stream.indirect.gather [spmem:s1], $0x80, s26, s16, $0xb8;
	[tilespmem:$0x12000] =	vst v63  }
0x6a: {  	_ =	swait.ge [sflag:s22], $0x4000  }
0x6b: {  	[sflag:s22] =	ssyncset.done $0x0  }
0x6c: {  	s28 =	sor.u32 $0x480, s24;
	[sflag:s22] =	ssyncadd.s32 $0xFFFFC000  }
0x6d: {  	[tilespmem:s18], [sflag:$0x2] =	stream.indirect.gather [spmem:s1], $0x80, s28, s16, $0xb8;
	[tilespmem:$0x12000] =	vst v63  }
0x6e: {  	_ =	swait.ge [sflag:s19], $0x4000  }
0x6f: {  	[sflag:s19] =	ssyncset.done $0x0  }
0x70: {  	s29 =	sadd.s32 $0x1400, s24;
	[sflag:s19] =	ssyncadd.s32 $0xFFFFC000  }
0x71: {  	[spmem:s1] =	stream.indirect.scatter.add.f32 [tilespmem:s17], [sflag:$0x3], $0x80, s29, s16, $0xb8;
	[tilespmem:$0x12000] =	vst v63  }
0x72: {  	_ =	swait.ge [sflag:s20], $0x4000  }
0x73: {  	[sflag:s20] =	ssyncset.done $0x0  }
0x74: {  	[sflag:s20] =	ssyncadd.s32 $0xFFFFC000  }
0x75: {  	_ =	swait.ge [sflag:s21], $0x4000  }
0x76: {  	[sflag:s21] =	ssyncset.done $0x0  }
0x77: {  	s30 =	sor.u32 $0x1480, s24;
	[sflag:s21] =	ssyncadd.s32 $0xFFFFC000  }
0x78: {  	[spmem:s1] =	stream.indirect.scatter.add.f32 [tilespmem:s18], [sflag:$0x4], $0x80, s30, s16, $0xb8;
	[tilespmem:$0x12000] =	vst v63  }
0x79: {  	s31 =	sadd.s32 $0x500, s24  }
0x7a: {  	[tilespmem:s17], [sflag:$0x1] =	stream.indirect.gather [spmem:s1], $0x80, s31, s16, $0xb8;
	[tilespmem:$0x12000] =	vst v63  }
0x7b: {  	_ =	swait.ge [sflag:s22], $0x4000  }
0x7c: {  	[sflag:s22] =	ssyncset.done $0x0  }
0x7d: {  	s26 =	sor.u32 $0x580, s24;
	[sflag:s22] =	ssyncadd.s32 $0xFFFFC000  }
0x7e: {  	[tilespmem:s18], [sflag:$0x2] =	stream.indirect.gather [spmem:s1], $0x80, s26, s16, $0xb8;
	[tilespmem:$0x12000] =	vst v63  }
0x7f: {  	_ =	swait.ge [sflag:s19], $0x4000  }
0x80: {  	[sflag:s19] =	ssyncset.done $0x0  }
0x81: {  	s28 =	sadd.s32 $0x1500, s24;
	[sflag:s19] =	ssyncadd.s32 $0xFFFFC000  }
0x82: {  	[spmem:s1] =	stream.indirect.scatter.add.f32 [tilespmem:s17], [sflag:$0x3], $0x80, s28, s16, $0xb8;
	[tilespmem:$0x12000] =	vst v63  }
0x83: {  	_ =	swait.ge [sflag:s20], $0x4000  }
0x84: {  	[sflag:s20] =	ssyncset.done $0x0  }
0x85: {  	[sflag:s20] =	ssyncadd.s32 $0xFFFFC000  }
0x86: {  	_ =	swait.ge [sflag:s21], $0x4000  }
0x87: {  	[sflag:s21] =	ssyncset.done $0x0  }
0x88: {  	s29 =	sor.u32 $0x1580, s24;
	[sflag:s21] =	ssyncadd.s32 $0xFFFFC000  }
0x89: {  	[spmem:s1] =	stream.indirect.scatter.add.f32 [tilespmem:s18], [sflag:$0x4], $0x80, s29, s16, $0xb8;
	[tilespmem:$0x12000] =	vst v63  }
0x8a: {  	s30 =	sadd.s32 $0x600, s24  }
0x8b: {  	[tilespmem:s17], [sflag:$0x1] =	stream.indirect.gather [spmem:s1], $0x80, s30, s16, $0xb8;
	[tilespmem:$0x12000] =	vst v63  }
0x8c: {  	_ =	swait.ge [sflag:s22], $0x4000  }
0x8d: {  	[sflag:s22] =	ssyncset.done $0x0  }
0x8e: {  	s31 =	sor.u32 $0x680, s24;
	[sflag:s22] =	ssyncadd.s32 $0xFFFFC000  }
0x8f: {  	[tilespmem:s18], [sflag:$0x2] =	stream.indirect.gather [spmem:s1], $0x80, s31, s16, $0xb8;
	[tilespmem:$0x12000] =	vst v63  }
0x90: {  	_ =	swait.ge [sflag:s19], $0x4000  }
0x91: {  	[sflag:s19] =	ssyncset.done $0x0  }
0x92: {  	s26 =	sadd.s32 $0x1600, s24;
	[sflag:s19] =	ssyncadd.s32 $0xFFFFC000  }
0x93: {  	[spmem:s1] =	stream.indirect.scatter.add.f32 [tilespmem:s17], [sflag:$0x3], $0x80, s26, s16, $0xb8;
	[tilespmem:$0x12000] =	vst v63  }
0x94: {  	_ =	swait.ge [sflag:s20], $0x4000  }
0x95: {  	[sflag:s20] =	ssyncset.done $0x0  }
0x96: {  	[sflag:s20] =	ssyncadd.s32 $0xFFFFC000  }
0x97: {  	_ =	swait.ge [sflag:s21], $0x4000  }
0x98: {  	[sflag:s21] =	ssyncset.done $0x0  }
0x99: {  	s28 =	sor.u32 $0x1680, s24;
	[sflag:s21] =	ssyncadd.s32 $0xFFFFC000  }
0x9a: {  	[spmem:s1] =	stream.indirect.scatter.add.f32 [tilespmem:s18], [sflag:$0x4], $0x80, s28, s16, $0xb8;
	[tilespmem:$0x12000] =	vst v63  }
0x9b: {  	s29 =	sadd.s32 $0x700, s24  }
0x9c: {  	[tilespmem:s17], [sflag:$0x1] =	stream.indirect.gather [spmem:s1], $0x80, s29, s16, $0xb8;
	[tilespmem:$0x12000] =	vst v63  }
0x9d: {  	_ =	swait.ge [sflag:s22], $0x4000  }
0x9e: {  	[sflag:s22] =	ssyncset.done $0x0  }
0x9f: {  	s30 =	sor.u32 $0x780, s24;
	[sflag:s22] =	ssyncadd.s32 $0xFFFFC000  }
0xa0: {  	[tilespmem:s18], [sflag:$0x2] =	stream.indirect.gather [spmem:s1], $0x80, s30, s16, $0xb8;
	[tilespmem:$0x12000] =	vst v63  }
0xa1: {  	_ =	swait.ge [sflag:s19], $0x4000  }
0xa2: {  	[sflag:s19] =	ssyncset.done $0x0  }
0xa3: {  	s31 =	sadd.s32 $0x1700, s24;
	[sflag:s19] =	ssyncadd.s32 $0xFFFFC000  }
0xa4: {  	[spmem:s1] =	stream.indirect.scatter.add.f32 [tilespmem:s17], [sflag:$0x3], $0x80, s31, s16, $0xb8;
	[tilespmem:$0x12000] =	vst v63  }
0xa5: {  	_ =	swait.ge [sflag:s20], $0x4000  }
0xa6: {  	[sflag:s20] =	ssyncset.done $0x0  }
0xa7: {  	[sflag:s20] =	ssyncadd.s32 $0xFFFFC000  }
0xa8: {  	_ =	swait.ge [sflag:s21], $0x4000  }
0xa9: {  	[sflag:s21] =	ssyncset.done $0x0  }
0xaa: {  	s24 =	sor.u32 $0x1780, s24;
	[sflag:s21] =	ssyncadd.s32 $0xFFFFC000  }
0xab: {  	[spmem:s1] =	stream.indirect.scatter.add.f32 [tilespmem:s18], [sflag:$0x4], $0x80, s24, s16, $0xb8;
	[tilespmem:$0x12000] =	vst v63  }
0xac: {  	s25 =	sadd.s32 $0x100, s11;
	_ =	swait.ge [sflag:s22], $0x4000  }
0xad: {  	s26 =	smov.u32 s10;
	s24 =	simm.s32 $0x800;
	[sflag:s22] =	ssyncset.done $0x0  }
.LBB2_2:
0xae: {  	[sflag:s22] =	ssyncadd.s32 $0xFFFFC000  }
0xaf: {  	s26 =	sadd.s32 $0x100, s26;
	s28 =	smov.u32 s24;
	s24 =	sadd.s32 $0x800, s24  }
0xb0: {  	_ =	swait.ge [sflag:s15], $0x800;
	p0 =	sne.s32 s24, $0x5000  }
0xb1: {  	[sflag:s15] =	ssyncset.done $0x0  }
0xb2: {  	[sflag:s15] =	ssyncadd.s32 $0xFFFFF800  }
0xb3: {  	p1 =	seq.s32 s28, $0x4800;
	_ =	swait.ge [sflag:s15], $0x800  }
0xb4: {  	s28 =	sand.u32 @!p1 $0x800, s28;
	[sflag:s15] =	ssyncset.done $0x0  }
0xb5: {  	s30 =	simm.s32 @!p1 $0x0;
	s29 =	sxor.u32 @!p1 $0x800, s28;
	[sflag:s15] =	ssyncadd.s32 $0xFFFFF800  }
0xb6: {  	[tilespmem:s29], [sflag:$0x5] =	stream.linear.gather @!p1 [hbm4b:s25+s30], $0x800, $0x38;
	[tilespmem:$0x12000] =	vst v63  }
0xb7: {  	s29 =	sxor.u32 @!p1 $0x1800, s28  }
0xb8: {  	[tilespmem:s29], [sflag:$0x5] =	stream.linear.gather @!p1 [hbm4b:s26+s30], $0x800, $0x38;
	[tilespmem:$0x12000] =	vst v63  }
0xb9: {  	s28 =	simm.s32 @p1 $0x800  }
0xba: {  	[tilespmem:s17], [sflag:$0x1] =	stream.indirect.gather [spmem:s1], $0x80, s28, s16, $0xb8;
	[tilespmem:$0x12000] =	vst v63  }
0xbb: {  	s29 =	sor.u32 $0x80, s28  }
0xbc: {  	[tilespmem:s18], [sflag:$0x2] =	stream.indirect.gather [spmem:s1], $0x80, s29, s16, $0xb8;
	[tilespmem:$0x12000] =	vst v63  }
0xbd: {  	_ =	swait.ge [sflag:s19], $0x4000  }
0xbe: {  	[sflag:s19] =	ssyncset.done $0x0  }
0xbf: {  	s29 =	sor.u32 $0x1000, s28;
	[sflag:s19] =	ssyncadd.s32 $0xFFFFC000  }
0xc0: {  	[spmem:s1] =	stream.indirect.scatter.add.f32 [tilespmem:s17], [sflag:$0x3], $0x80, s29, s16, $0xb8;
	[tilespmem:$0x12000] =	vst v63  }
0xc1: {  	_ =	swait.ge [sflag:s20], $0x4000  }
0xc2: {  	[sflag:s20] =	ssyncset.done $0x0  }
0xc3: {  	[sflag:s20] =	ssyncadd.s32 $0xFFFFC000  }
0xc4: {  	_ =	swait.ge [sflag:s21], $0x4000  }
0xc5: {  	[sflag:s21] =	ssyncset.done $0x0  }
0xc6: {  	s29 =	sor.u32 $0x1080, s28;
	[sflag:s21] =	ssyncadd.s32 $0xFFFFC000  }
0xc7: {  	[spmem:s1] =	stream.indirect.scatter.add.f32 [tilespmem:s18], [sflag:$0x4], $0x80, s29, s16, $0xb8;
	[tilespmem:$0x12000] =	vst v63  }
0xc8: {  	s29 =	sadd.s32 $0x100, s28  }
0xc9: {  	[tilespmem:s17], [sflag:$0x1] =	stream.indirect.gather [spmem:s1], $0x80, s29, s16, $0xb8;
	[tilespmem:$0x12000] =	vst v63  }
0xca: {  	_ =	swait.ge [sflag:s22], $0x4000  }
0xcb: {  	[sflag:s22] =	ssyncset.done $0x0  }
0xcc: {  	s29 =	sor.u32 $0x180, s28;
	[sflag:s22] =	ssyncadd.s32 $0xFFFFC000  }
0xcd: {  	[tilespmem:s18], [sflag:$0x2] =	stream.indirect.gather [spmem:s1], $0x80, s29, s16, $0xb8;
	[tilespmem:$0x12000] =	vst v63  }
0xce: {  	_ =	swait.ge [sflag:s19], $0x4000  }
0xcf: {  	[sflag:s19] =	ssyncset.done $0x0  }
0xd0: {  	s29 =	sadd.s32 $0x1100, s28;
	[sflag:s19] =	ssyncadd.s32 $0xFFFFC000  }
0xd1: {  	[spmem:s1] =	stream.indirect.scatter.add.f32 [tilespmem:s17], [sflag:$0x3], $0x80, s29, s16, $0xb8;
	[tilespmem:$0x12000] =	vst v63  }
0xd2: {  	_ =	swait.ge [sflag:s20], $0x4000  }
0xd3: {  	[sflag:s20] =	ssyncset.done $0x0  }
0xd4: {  	[sflag:s20] =	ssyncadd.s32 $0xFFFFC000  }
0xd5: {  	_ =	swait.ge [sflag:s21], $0x4000  }
0xd6: {  	[sflag:s21] =	ssyncset.done $0x0  }
0xd7: {  	s29 =	sor.u32 $0x1180, s28;
	[sflag:s21] =	ssyncadd.s32 $0xFFFFC000  }
0xd8: {  	[spmem:s1] =	stream.indirect.scatter.add.f32 [tilespmem:s18], [sflag:$0x4], $0x80, s29, s16, $0xb8;
	[tilespmem:$0x12000] =	vst v63  }
0xd9: {  	s29 =	sadd.s32 $0x200, s28  }
0xda: {  	[tilespmem:s17], [sflag:$0x1] =	stream.indirect.gather [spmem:s1], $0x80, s29, s16, $0xb8;
	[tilespmem:$0x12000] =	vst v63  }
0xdb: {  	_ =	swait.ge [sflag:s22], $0x4000  }
0xdc: {  	[sflag:s22] =	ssyncset.done $0x0  }
0xdd: {  	s29 =	sor.u32 $0x280, s28;
	[sflag:s22] =	ssyncadd.s32 $0xFFFFC000  }
0xde: {  	[tilespmem:s18], [sflag:$0x2] =	stream.indirect.gather [spmem:s1], $0x80, s29, s16, $0xb8;
	[tilespmem:$0x12000] =	vst v63  }
0xdf: {  	_ =	swait.ge [sflag:s19], $0x4000  }
0xe0: {  	[sflag:s19] =	ssyncset.done $0x0  }
0xe1: {  	s29 =	sadd.s32 $0x1200, s28;
	[sflag:s19] =	ssyncadd.s32 $0xFFFFC000  }
0xe2: {  	[spmem:s1] =	stream.indirect.scatter.add.f32 [tilespmem:s17], [sflag:$0x3], $0x80, s29, s16, $0xb8;
	[tilespmem:$0x12000] =	vst v63  }
0xe3: {  	_ =	swait.ge [sflag:s20], $0x4000  }
0xe4: {  	[sflag:s20] =	ssyncset.done $0x0  }
0xe5: {  	[sflag:s20] =	ssyncadd.s32 $0xFFFFC000  }
0xe6: {  	_ =	swait.ge [sflag:s21], $0x4000  }
0xe7: {  	[sflag:s21] =	ssyncset.done $0x0  }
0xe8: {  	s29 =	sor.u32 $0x1280, s28;
	[sflag:s21] =	ssyncadd.s32 $0xFFFFC000  }
0xe9: {  	[spmem:s1] =	stream.indirect.scatter.add.f32 [tilespmem:s18], [sflag:$0x4], $0x80, s29, s16, $0xb8;
	[tilespmem:$0x12000] =	vst v63  }
0xea: {  	s29 =	sadd.s32 $0x300, s28  }
0xeb: {  	[tilespmem:s17], [sflag:$0x1] =	stream.indirect.gather [spmem:s1], $0x80, s29, s16, $0xb8;
	[tilespmem:$0x12000] =	vst v63  }
0xec: {  	_ =	swait.ge [sflag:s22], $0x4000  }
0xed: {  	[sflag:s22] =	ssyncset.done $0x0  }
0xee: {  	s29 =	sor.u32 $0x380, s28;
	[sflag:s22] =	ssyncadd.s32 $0xFFFFC000  }
0xef: {  	[tilespmem:s18], [sflag:$0x2] =	stream.indirect.gather [spmem:s1], $0x80, s29, s16, $0xb8;
	[tilespmem:$0x12000] =	vst v63  }
0xf0: {  	_ =	swait.ge [sflag:s19], $0x4000  }
0xf1: {  	[sflag:s19] =	ssyncset.done $0x0  }
0xf2: {  	s29 =	sadd.s32 $0x1300, s28;
	[sflag:s19] =	ssyncadd.s32 $0xFFFFC000  }
0xf3: {  	[spmem:s1] =	stream.indirect.scatter.add.f32 [tilespmem:s17], [sflag:$0x3], $0x80, s29, s16, $0xb8;
	[tilespmem:$0x12000] =	vst v63  }
0xf4: {  	_ =	swait.ge [sflag:s20], $0x4000  }
0xf5: {  	[sflag:s20] =	ssyncset.done $0x0  }
0xf6: {  	[sflag:s20] =	ssyncadd.s32 $0xFFFFC000  }
0xf7: {  	_ =	swait.ge [sflag:s21], $0x4000  }
0xf8: {  	[sflag:s21] =	ssyncset.done $0x0  }
0xf9: {  	s29 =	sor.u32 $0x1380, s28;
	[sflag:s21] =	ssyncadd.s32 $0xFFFFC000  }
0xfa: {  	[spmem:s1] =	stream.indirect.scatter.add.f32 [tilespmem:s18], [sflag:$0x4], $0x80, s29, s16, $0xb8;
	[tilespmem:$0x12000] =	vst v63  }
0xfb: {  	s29 =	sadd.s32 $0x400, s28  }
0xfc: {  	[tilespmem:s17], [sflag:$0x1] =	stream.indirect.gather [spmem:s1], $0x80, s29, s16, $0xb8;
	[tilespmem:$0x12000] =	vst v63  }
0xfd: {  	_ =	swait.ge [sflag:s22], $0x4000  }
0xfe: {  	[sflag:s22] =	ssyncset.done $0x0  }
0xff: {  	s29 =	sor.u32 $0x480, s28;
	[sflag:s22] =	ssyncadd.s32 $0xFFFFC000  }
0x100: {  	[tilespmem:s18], [sflag:$0x2] =	stream.indirect.gather [spmem:s1], $0x80, s29, s16, $0xb8;
	[tilespmem:$0x12000] =	vst v63  }
0x101: {  	_ =	swait.ge [sflag:s19], $0x4000  }
0x102: {  	[sflag:s19] =	ssyncset.done $0x0  }
0x103: {  	s29 =	sadd.s32 $0x1400, s28;
	[sflag:s19] =	ssyncadd.s32 $0xFFFFC000  }
0x104: {  	[spmem:s1] =	stream.indirect.scatter.add.f32 [tilespmem:s17], [sflag:$0x3], $0x80, s29, s16, $0xb8;
	[tilespmem:$0x12000] =	vst v63  }
0x105: {  	_ =	swait.ge [sflag:s20], $0x4000  }
0x106: {  	[sflag:s20] =	ssyncset.done $0x0  }
0x107: {  	[sflag:s20] =	ssyncadd.s32 $0xFFFFC000  }
0x108: {  	_ =	swait.ge [sflag:s21], $0x4000  }
0x109: {  	[sflag:s21] =	ssyncset.done $0x0  }
0x10a: {  	s29 =	sor.u32 $0x1480, s28;
	[sflag:s21] =	ssyncadd.s32 $0xFFFFC000  }
0x10b: {  	[spmem:s1] =	stream.indirect.scatter.add.f32 [tilespmem:s18], [sflag:$0x4], $0x80, s29, s16, $0xb8;
	[tilespmem:$0x12000] =	vst v63  }
0x10c: {  	s29 =	sadd.s32 $0x500, s28  }
0x10d: {  	[tilespmem:s17], [sflag:$0x1] =	stream.indirect.gather [spmem:s1], $0x80, s29, s16, $0xb8;
	[tilespmem:$0x12000] =	vst v63  }
0x10e: {  	_ =	swait.ge [sflag:s22], $0x4000  }
0x10f: {  	[sflag:s22] =	ssyncset.done $0x0  }
0x110: {  	s29 =	sor.u32 $0x580, s28;
	[sflag:s22] =	ssyncadd.s32 $0xFFFFC000  }
0x111: {  	[tilespmem:s18], [sflag:$0x2] =	stream.indirect.gather [spmem:s1], $0x80, s29, s16, $0xb8;
	[tilespmem:$0x12000] =	vst v63  }
0x112: {  	_ =	swait.ge [sflag:s19], $0x4000  }
0x113: {  	[sflag:s19] =	ssyncset.done $0x0  }
0x114: {  	s29 =	sadd.s32 $0x1500, s28;
	[sflag:s19] =	ssyncadd.s32 $0xFFFFC000  }
0x115: {  	[spmem:s1] =	stream.indirect.scatter.add.f32 [tilespmem:s17], [sflag:$0x3], $0x80, s29, s16, $0xb8;
	[tilespmem:$0x12000] =	vst v63  }
0x116: {  	_ =	swait.ge [sflag:s20], $0x4000  }
0x117: {  	[sflag:s20] =	ssyncset.done $0x0  }
0x118: {  	[sflag:s20] =	ssyncadd.s32 $0xFFFFC000  }
0x119: {  	_ =	swait.ge [sflag:s21], $0x4000  }
0x11a: {  	[sflag:s21] =	ssyncset.done $0x0  }
0x11b: {  	s29 =	sor.u32 $0x1580, s28;
	[sflag:s21] =	ssyncadd.s32 $0xFFFFC000  }
0x11c: {  	[spmem:s1] =	stream.indirect.scatter.add.f32 [tilespmem:s18], [sflag:$0x4], $0x80, s29, s16, $0xb8;
	[tilespmem:$0x12000] =	vst v63  }
0x11d: {  	s29 =	sadd.s32 $0x600, s28  }
0x11e: {  	[tilespmem:s17], [sflag:$0x1] =	stream.indirect.gather [spmem:s1], $0x80, s29, s16, $0xb8;
	[tilespmem:$0x12000] =	vst v63  }
0x11f: {  	_ =	swait.ge [sflag:s22], $0x4000  }
0x120: {  	[sflag:s22] =	ssyncset.done $0x0  }
0x121: {  	s29 =	sor.u32 $0x680, s28;
	[sflag:s22] =	ssyncadd.s32 $0xFFFFC000  }
0x122: {  	[tilespmem:s18], [sflag:$0x2] =	stream.indirect.gather [spmem:s1], $0x80, s29, s16, $0xb8;
	[tilespmem:$0x12000] =	vst v63  }
0x123: {  	_ =	swait.ge [sflag:s19], $0x4000  }
0x124: {  	[sflag:s19] =	ssyncset.done $0x0  }
0x125: {  	s29 =	sadd.s32 $0x1600, s28;
	[sflag:s19] =	ssyncadd.s32 $0xFFFFC000  }
0x126: {  	[spmem:s1] =	stream.indirect.scatter.add.f32 [tilespmem:s17], [sflag:$0x3], $0x80, s29, s16, $0xb8;
	[tilespmem:$0x12000] =	vst v63  }
0x127: {  	_ =	swait.ge [sflag:s20], $0x4000  }
0x128: {  	[sflag:s20] =	ssyncset.done $0x0  }
0x129: {  	[sflag:s20] =	ssyncadd.s32 $0xFFFFC000  }
0x12a: {  	_ =	swait.ge [sflag:s21], $0x4000  }
0x12b: {  	[sflag:s21] =	ssyncset.done $0x0  }
0x12c: {  	s29 =	sor.u32 $0x1680, s28;
	[sflag:s21] =	ssyncadd.s32 $0xFFFFC000  }
0x12d: {  	[spmem:s1] =	stream.indirect.scatter.add.f32 [tilespmem:s18], [sflag:$0x4], $0x80, s29, s16, $0xb8;
	[tilespmem:$0x12000] =	vst v63  }
0x12e: {  	s29 =	sadd.s32 $0x700, s28  }
0x12f: {  	[tilespmem:s17], [sflag:$0x1] =	stream.indirect.gather [spmem:s1], $0x80, s29, s16, $0xb8;
	[tilespmem:$0x12000] =	vst v63  }
0x130: {  	_ =	swait.ge [sflag:s22], $0x4000  }
0x131: {  	[sflag:s22] =	ssyncset.done $0x0  }
0x132: {  	s29 =	sor.u32 $0x780, s28;
	[sflag:s22] =	ssyncadd.s32 $0xFFFFC000  }
0x133: {  	[tilespmem:s18], [sflag:$0x2] =	stream.indirect.gather [spmem:s1], $0x80, s29, s16, $0xb8;
	[tilespmem:$0x12000] =	vst v63  }
0x134: {  	_ =	swait.ge [sflag:s19], $0x4000  }
0x135: {  	[sflag:s19] =	ssyncset.done $0x0  }
0x136: {  	s29 =	sadd.s32 $0x1700, s28;
	[sflag:s19] =	ssyncadd.s32 $0xFFFFC000  }
0x137: {  	[spmem:s1] =	stream.indirect.scatter.add.f32 [tilespmem:s17], [sflag:$0x3], $0x80, s29, s16, $0xb8;
	[tilespmem:$0x12000] =	vst v63  }
0x138: {  	_ =	swait.ge [sflag:s20], $0x4000  }
0x139: {  	[sflag:s20] =	ssyncset.done $0x0  }
0x13a: {  	[sflag:s20] =	ssyncadd.s32 $0xFFFFC000  }
0x13b: {  	_ =	swait.ge [sflag:s21], $0x4000  }
.Ltmp0:
0x13c: {  	[sflag:s21] =	ssyncset.done $0x0;
	(pc) =	sbr.rel @p0 .LBB2_2-.Ltmp0, $4  }
0x13d: {  	s28 =	sor.u32 $0x1780, s28;
	[sflag:s21] =	ssyncadd.s32 $0xFFFFC000  }
0x13e: {  	[spmem:s1] =	stream.indirect.scatter.add.f32 [tilespmem:s18], [sflag:$0x4], $0x80, s28, s16, $0xb8;
	[tilespmem:$0x12000] =	vst v63  }
0x13f: {  	_ =	swait.ge [sflag:s22], $0x4000  }
0x140: {  	s25 =	sadd.s32 $0x100, s25;
	[sflag:s22] =	ssyncset.done $0x0  }
0x141: {  	s23 =	sadd.s32 $0x1, s23  }
0x142: {  	[sflag:s22] =	ssyncadd.s32 $0xFFFFC000;
	p0 =	sne.s32 s23, s9  }
.Ltmp1:
0x143: {  	[bflag:$0x0] =	sbarrier.arrive $0xFFFF;
	(pc) =	sbr.rel @p0 .LBB2_1-.Ltmp1, $4  }
0x144: {  	[hbm:s8], [sflag:s5] =	dma.local [spmem:s12], $0x1000  }
0x145: {  	_ =	swait.ge [sflag:s13], $0x1000  }
0x146: {  	[sflag:s13] =	ssyncset.done $0x0  }
0x147: {  	[sflag:s13] =	ssyncadd.s32 $0xFFFFF000  }
0x148: {  	_ =	sfence.sel $0x180000  }
0x149: {  	[bflag:$0x0] =	sbarrier.arrive $0xFFFF  }
0x14a: {  	p0 =	sne.s32 s2, $0x0;
	_ =	strace $0x9000004A  }
0x14b: {  	s0 =	sadd.s32 @!p0 $0x100000, s0;
	[bflag:$0x2] =	sbarrier.arrive $0xFFFF  }
0x14c: {  	[sflag:s0] =	ssyncadd.tile.s32 @!p0 $0x1;
	_ =	shalt  }
.Lfunc_end2:
_tile_overlayer_lowered:
.L_overlay_start_2:
0x14d: {  	(tag) =	ssettag $0x2  }
0x14e: {  	s0 =	rddreg [dreg:$0x0];
	s2 =	stileid.u32  }
0x14f: {  	s1 =	rddreg [dreg:$0x1];
	p0 =	sne.s32 s2, $0x0  }
0x150: {  	s3 =	rddreg [dreg:$0x2];
	[bflag:$0x3] =	sbarrier.arrive $0xFFFF;
	s2 =	simm.s32 @!p0 $0x1C06  }
0x151: {  	[timem:s3], [sflag:s2] =	dma.local @!p0 [hbm:s0], s1  }
0x152: {  	s0 =	simm.s32 @!p0 $0x6  }
0x153: {  	_ =	swait.ge @!p0 [sflag:s0], s1  }
0x154: {  	s1 =	ssub.s32 @!p0 $0x0, s1;
	[sflag:s0] =	ssyncset.done @!p0 $0x0  }
0x155: {  	[sflag:s0] =	ssyncadd.s32 @!p0 s1  }
0x156: {  	[bflag:$0x3] =	sbarrier.arrive $0xFFFF  }
0x157: {  	_ =	shalt  }

// kernel: kernel.15.cloned.1.call-start
scs
__scs_entry_jumppad:
0x0: {  	(pc) =	sbr.rel $0x88, $3  }
0x1: {  	(tag) =	ssettag $0x0;
	lr =	simm.s32 $0x1  }
0x2: {  	[smem:$0x3F9B] =	sst lr;
	_ =	strace $0xD0000000  }
0x3: {  	_ = 	snop  }
0x4: {  	_ = 	snop  }
0x5: {  	_ = 	snop  }
0x6: {  	_ = 	snop  }
0x7: {  	_ = 	snop  }
__scs_overlays_trampoline_lowered:
0x8: {  	[smem:$0x3FAA] =	sst s0  }
0x9: {  	[smem:$0x3FAB] =	sst s1  }
0xa: {  	[smem:$0x3FAC] =	sst s2  }
0xb: {  	[smem:$0x3FAD] =	sst s3  }
0xc: {  	[smem:$0x3FAE] =	sst s4  }
0xd: {  	[smem:$0x3FAF] =	sst s5  }
0xe: {  	[smem:$0x3FB0] =	sst s6  }
0xf: {  	[smem:$0x3FB1] =	sst s7  }
0x10: {  	[smem:$0x3FB2] =	sst s8  }
0x11: {  	[smem:$0x3FB3] =	sst s9;
	s0 =	simm.s32 @!p0 $0x0  }
0x12: {  	s1 =	sld [smem:$0x3F99];
	s0 =	simm.s32 @p0 $0x1  }
0x13: {  	[smem:$0x3FB4] =	sst s0;
	s0 =	simm.s32 @!p1 $0x0  }
0x14: {  	s2 =	sld [smem:$0x3F98];
	s0 =	simm.s32 @p1 $0x1  }
0x15: {  	[smem:$0x3FB5] =	sst s0;
	s0 =	simm.s32 @!p2 $0x0  }
0x16: {  	s3 =	sld [smem:$0x3FDB];
	s0 =	simm.s32 @p2 $0x1  }
0x17: {  	s4 =	simm.s32 $0x1BF5;
	[smem:$0x3FB7] =	sst s0  }
0x18: {  	s0 =	sld [smem:$0x3F9A];
	_ =	swait.ge [sflag:s4], $0x0  }
0x19: {  	s7 =	sld [smem:$0x3F9B]  }
0x1a: {  	s8 =	sadd.s32 $0xFFFFE003, lr  }
0x1b: {  	s9 =	sadd.s32 $0xFFFFFEF7, lr;
	s5 =	simm.s32 $0xFFFFFFFF;
	p2 =	slt.u32 s8, $0xFFFFF086  }
0x1c: {  	p1 =	slt.u32 s9, $0xF7A;
	s5 =	simm.s32 @!p2 $0x0  }
0x1d: {  	s5 =	simm.s32 @p1 $0x1;
	p0 =	seq.s32 s7, s2  }
0x1e: {  	s7 =	smul.u32 @!p0 $0xF7A, s2;
	p2 =	seq.s32 @!p0 s5, $0x0  }
0x1f: {  	s9 =	smul.u32 $0xF7A, s1;
	s8 =	simm.s32 @!p0 $0x1BF5;
	p2 =	por !p2, p0  }
0x20: {  	[sflag:s8] =	ssyncset.s32 @!p0 $0xFFFFF086;
	s6 =	sadd.s32 @!p0 s3, s7;
	s7 =	simm.s32 @!p0 $0x108  }
0x21: {  	s3 =	sadd.s32 s3, s9;
	s6 =	sadd.s32 @!p0 $0x88, s6;
	s7 =	simm.s32 @p2 $0x1082  }
0x22: {  	[simem:s7], [sflag:s8] =	dma.local @!p0 [hbm:s6], $0xF7A  }
0x23: {  	s9 =	sor.u32 $0xD0000000, s2;
	s6 =	simm.s32 $0x108;
	_ =	swait.ge @!p0 [sflag:s8], $0x0  }
0x24: {  	s3 =	sadd.s32 $0x88, s3;
	s6 =	simm.s32 @!p1 $0x1082;
	[sflag:s4] =	ssyncset.s32 $0xFFFFF086  }
0x25: {  	[simem:s6], [sflag:s4] =	dma.local [hbm:s3], $0xF7A  }
0x26: {  	[smem:$0x3F9B] =	sst s1;
	(tag) =	ssettag s2;
	_ =	strace s9  }
0x27: {  	s1 =	sld [smem:$0x3FAB]  }
0x28: {  	s2 =	sld [smem:$0x3FAC]  }
0x29: {  	s4 =	sld [smem:$0x3FAE]  }
0x2a: {  	p0 =	seq.s32 s5, $0x0;
	s5 =	sld [smem:$0x3FAF]  }
0x2b: {  	s6 =	sld [smem:$0x3FB0]  }
0x2c: {  	s7 =	sld [smem:$0x3FB1]  }
0x2d: {  	s3 =	simm.s32 $0x108;
	s8 =	sld [smem:$0x3FB2]  }
0x2e: {  	s3 =	simm.s32 @!p0 $0x1082;
	s9 =	sld [smem:$0x3FB3]  }
0x2f: {  	lr =	sadd.s32 s0, s3;
	s0 =	sld [smem:$0x3FAA]  }
0x30: {  	s3 =	sld [smem:$0x3FAD]  }
0x31: {  	[smem:$0x3FB6] =	sst s10  }
0x32: {  	s10 =	sld [smem:$0x3FB4];
	_ =	sdelay $0x3  }
0x33: {  	p0 =	seq.s32 s10, $0x1;
	s10 =	sld [smem:$0x3FB6];
	_ =	sdelay $0x3  }
0x34: {  	[smem:$0x3FB6] =	sst s10  }
0x35: {  	s10 =	sld [smem:$0x3FB5];
	_ =	sdelay $0x3  }
0x36: {  	p1 =	seq.s32 s10, $0x1;
	s10 =	sld [smem:$0x3FB6];
	_ =	sdelay $0x3  }
0x37: {  	[smem:$0x3FB6] =	sst s10  }
0x38: {  	s10 =	sld [smem:$0x3FB7]  }
0x39: {  	_ = 	snop;
	(pc) =	sbr.ind lr, $3  }
0x3a: {  	_ = 	snop  }
0x3b: {  	_ = 	snop  }
0x3c: {  	p2 =	seq.s32 s10, $0x1;
	s10 =	sld [smem:$0x3FB6]  }
0x3d: {  	_ =	shalt  }
0x3e: {  	_ =	shalt  }
0x3f: {  	_ =	shalt  }
0x40: {  	_ =	shalt  }
0x41: {  	_ =	shalt  }
0x42: {  	_ =	shalt  }
0x43: {  	_ =	shalt  }
0x44: {  	_ =	shalt  }
0x45: {  	_ =	shalt  }
0x46: {  	_ =	shalt  }
0x47: {  	_ =	shalt  }
0x48: {  	_ =	shalt  }
0x49: {  	_ =	shalt  }
0x4a: {  	_ =	shalt  }
0x4b: {  	_ =	shalt  }
0x4c: {  	_ =	shalt  }
0x4d: {  	_ =	shalt  }
0x4e: {  	_ =	shalt  }
0x4f: {  	_ =	shalt  }
0x50: {  	_ =	shalt  }
0x51: {  	_ =	shalt  }
0x52: {  	_ =	shalt  }
0x53: {  	_ =	shalt  }
0x54: {  	_ =	shalt  }
0x55: {  	_ =	shalt  }
0x56: {  	_ =	shalt  }
0x57: {  	_ =	shalt  }
0x58: {  	_ =	shalt  }
0x59: {  	_ =	shalt  }
0x5a: {  	_ =	shalt  }
0x5b: {  	_ =	shalt  }
0x5c: {  	_ =	shalt  }
0x5d: {  	_ =	shalt  }
0x5e: {  	_ =	shalt  }
0x5f: {  	_ =	shalt  }
0x60: {  	_ =	shalt  }
0x61: {  	_ =	shalt  }
0x62: {  	_ =	shalt  }
0x63: {  	_ =	shalt  }
0x64: {  	_ =	shalt  }
0x65: {  	_ =	shalt  }
0x66: {  	_ =	shalt  }
0x67: {  	_ =	shalt  }
0x68: {  	_ =	shalt  }
0x69: {  	_ =	shalt  }
0x6a: {  	_ =	shalt  }
0x6b: {  	_ =	shalt  }
0x6c: {  	_ =	shalt  }
0x6d: {  	_ =	shalt  }
0x6e: {  	_ =	shalt  }
0x6f: {  	_ =	shalt  }
0x70: {  	_ =	shalt  }
0x71: {  	_ =	shalt  }
0x72: {  	_ =	shalt  }
0x73: {  	_ =	shalt  }
0x74: {  	_ =	shalt  }
0x75: {  	_ =	shalt  }
0x76: {  	_ =	shalt  }
0x77: {  	_ =	shalt  }
0x78: {  	_ =	shalt  }
0x79: {  	_ =	shalt  }
0x7a: {  	_ =	shalt  }
0x7b: {  	_ =	shalt  }
0x7c: {  	_ =	shalt  }
0x7d: {  	_ =	shalt  }
0x7e: {  	_ =	shalt  }
0x7f: {  	_ =	shalt  }
0x80: {  	_ =	shalt  }
0x81: {  	_ =	shalt  }
0x82: {  	_ =	shalt  }
0x83: {  	_ =	shalt  }
0x84: {  	_ =	shalt  }
0x85: {  	_ =	shalt  }
0x86: {  	_ =	shalt  }
0x87: {  	_ =	shalt  }
.Lfunc_end0:
.L_simem_size_0:
called_computation.2_lowered:
.L_overlay_start_0:
0x88: {  	s2 =	sld [smem:$0x3FD9]  }
0x89: {  	s3 =	sld [smem:$0x3FFE];
	_ =	sdelay $0x1  }
0x8a: {  	s1 =	srdreg.scid  }
0x8b: {  	s0 =	sand.u32 $0x1, s1  }
0x8c: {  	s17 =	sshll.u32 s0, $0xA;
	s2 =	sadd.s32 s3, s2  }
0x8d: {  	s2 =	sadd.s32 s2, s17  }
0x8e: {  	[smem:$0x3FC2] =	sst s2  }
0x8f: {  	_ = 	snop  }
0x90: {  	s2 =	sld [smem:$0x3FD0];
	(tm) =	ssettm $0x1  }
0x91: {  	s18 =	sld [smem:$0x3FFB];
	_ =	sdelay $0x3  }
0x92: {  	_ =	strace s18  }
0x93: {  	s3 =	sld [smem:$0x3FFC];
	_ =	sdelay $0x3  }
0x94: {  	_ =	strace s3  }
0x95: {  	s3 =	sld [smem:$0x3FFD];
	_ =	sdelay $0x3  }
0x96: {  	_ =	strace s3  }
0x97: {  	_ =	strace $0x8FFFFFFF  }
0x98: {  	s19 =	sld [smem:$0x3FDB];
	_ =	sdelay $0x1  }
0x99: {  	s4 =	simm.s32 $_scs_section_size  }
0x9a: {  	s5 =	simm.s32 $_size__tile_overlayer_lowered;
	s6 =	simm.s32 $_tile_overlayer_lowered  }
0x9b: {  	s22 =	simm.s32 $0x1BFF;
	s21 =	sshll.u32 s6, $0x1;
	s3 =	sadd.s32 s4, s19  }
0x9c: {  	s7 =	simm.s32 $0x0;
	s20 =	sshll.u32 s5, $0x1;
	s5 =	sadd.s32 s21, s3  }
0x9d: {  	[timem:s7], [sflag:s22] =	dma.local [hbm:s5], s20  }
0x9e: {  	_ =	swait.ge [sflag:s22], s20  }
0x9f: {  	s4 =	ssub.s32 $0x0, s20;
	[sflag:s22] =	ssyncset.done $0x0  }
0xa0: {  	[sflag:s22] =	ssyncadd.s32 s4;
	_ =	sdelay $0x1  }
0xa1: {  	s23 =	simm.s32 $0x1B8B  }
0xa2: {  	_ =	swait.ge [sflag:s23], $0x1  }
0xa3: {  	[sflag:s23] =	ssyncset.done $0x0  }
0xa4: {  	s25 =	simm.s32 $0x1B8E;
	s24 =	sld [smem:$0x3FFE];
	[sflag:s23] =	ssyncadd.s32 $0xFFFFFFFF  }
0xa5: {  	s26 =	simm.s32 $execute0_lowered;
	[smem:$0x3FD2] =	sst s25  }
0xa6: {  	s5 =	sshll.u32 s26, $0x1;
	_ =	strace $0x8000004C;
	[dreg:$0x1] =	wrdreg $0xFFFFFFFF  }
0xa7: {  	s28 =	simm.s32 $_size_execute0_lowered;
	s3 =	sadd.s32 s3, s5;
	[dreg:$0x0] =	wrdreg $0x0  }
0xa8: {  	s5 =	sshll.u32 s28, $0x1;
	[dreg:$0x2] =	wrdreg s3  }
0xa9: {  	[dreg:$0x3] =	wrdreg s5  }
0xaa: {  	[dreg:$0x4] =	wrdreg $0xC0  }
0xab: {  	_ =	task [dreg:s7], $0x5FFFF  }
0xac: {  	[dreg:$0x1] =	wrdreg $0xFFFFFFFF  }
0xad: {  	[dreg:$0x0] =	wrdreg $0x60  }
0xae: {  	[dreg:$0x2] =	wrdreg s2  }
0xaf: {  	[dreg:$0x3] =	wrdreg s24  }
0xb0: {  	[dreg:$0x4] =	wrdreg $0xA0000  }
0xb1: {  	[dreg:$0x5] =	wrdreg $0x9  }
0xb2: {  	_ =	task.clear_ibuf [dreg:s7], $0x6FFFF;
	_ =	strace $0x9000004C  }
0xb3: {  	s29 =	simm.s32 $0x9;
	_ =	strace $0x8000004E  }
0xb4: {  	_ =	swait.ge [sflag:s29], $0x1  }
0xb5: {  	[sflag:s29] =	ssyncadd.s32 $0xFFFFFFFF  }
0xb6: {  	_ =	strace $0x9000004E  }
0xb7: {  	_ =	sfence  }
0xb8: {  	s30 =	sld [smem:$0x0];
	_ =	sdelay $0x2  }
0xb9: {  	s31 =	sshll.u32 s1, $0xD;
	s1 =	sshrl.u32 s1, $0x2  }
0xba: {  	s3 =	sand.u32 $0x4000, s31;
	s1 =	sadd.s32 s1, s30  }
0xbb: {  	s0 =	sor.u32 s3, s0;
	s1 =	sshll.u32 s1, $0x11  }
0xbc: {  	s0 =	sor.u32 s1, s0  }
0xbd: {  	s0 =	sadd.s32 $0x8F2B, s0  }
0xbe: {  	[sflag:s0] =	ssyncadd.remote.s32 $0x1  }
0xbf: {  	_ =	sfence.sel $0xFFFF  }
0xc0: {  	[dreg:$0x0] =	wrdreg $0xFFFFFFFF;
	(pc) =	sbr.abs _section_cstart, $3  }
0xc1: {  	[dreg:$0x1] =	wrdreg $0xFFFFFFFF  }
0xc2: {  	_ =	task.clear_ibuf [dreg:s7], $0x2FFFF;
	_ =	strace $0x9FFFFFFF  }
0xc3: {  	(tm) =	ssettm $0x7FFFFFFF  }
tec
execute0_lowered:
.L_overlay_start_1:
0x0: {  	(tag) =	ssettag $0x1  }
0x1: {  	s11 =	rddreg [dreg:$0x0]  }
0x2: {  	s4 =	rddreg [dreg:$0x1]  }
0x3: {  	s1 =	rddreg [dreg:$0x2]  }
0x4: {  	s0 =	rddreg [dreg:$0x3]  }
0x5: {  	s3 =	simm.s32 $0x0;
	s5 =	srdreg.scid;
	s2 =	stileid.u32  }
0x6: {  	s16 =	simm.s32 $0x80;
	s17 =	simm.s32 $0x2000;
	s18 =	simm.s32 $0x6000  }
0x7: {  	s19 =	simm.s32 $0x1;
	s20 =	simm.s32 $0x2;
	s21 =	simm.s32 $0x3  }
0x8: {  	s22 =	simm.s32 $0x4;
	s23 =	simm.s32 $0x0;
	[smem:$0x7FF] =	sst s3  }
0x9: {  	s5 =	sand.u32 $0x1, s5;
	s10 =	sadd.s32 $0x2E00, s4;
	s7 =	sshll.u32 s2, $0x1  }
0xa: {  	s8 =	sshll.u32 s2, $0xC;
	s9 =	sshll.u32 s2, $0xF;
	s13 =	smul.u32 $0xA000, s2  }
0xb: {  	s28 =	sshll.u32 s2, $0x6;
	_ =	strace $0x8000004D;
	s6 =	smul.u32 $0x140000, s5  }
0xc: {  	s7 =	sor.u32 s5, s7;
	s8 =	sadd.s32 s8, s4;
	s12 =	ssub.s32 $0x2, s5  }
0xd: {  	s5 =	smul.u32 $0x5000, s5;
	s15 =	sadd.s32 s9, s1;
	s26 =	sshrl.u32 s12, $0x1  }
0xe: {  	s7 =	smul.u32 $0x5000, s7;
	s6 =	sadd.s32 s9, s6;
	s12 =	ssub.s32 s12, s26  }
0xf: {  	s29 =	sadd.s32 s5, s13;
	s5 =	sor.u32 $0x1C06, s28;
	s13 =	simm.s32 $0x6  }
0x10: {  	s6 =	sshrl.u32 s6, $0x3;
	s7 =	sshrl.u32 s7, $0x3;
	s30 =	sor.u32 $0x800, s29  }
0x11: {  	s9 =	smax.u32 s12, $0x1;
	s12 =	sshrl.u32 s15, $0x3;
	s15 =	simm.s32 $0x5  }
0x12: {  	s14 =	sadd.s32 s6, s4;
	s4 =	sadd.s32 $0x16E00, s8;
	s6 =	sadd.s32 s11, s7  }
0x13: {  	s7 =	sadd.s32 s10, s7;
	s31 =	sshrl.u32 s30, $0x3;
	s8 =	sadd.s32 $0x66E00, s14  }
0x14: {  	s10 =	sadd.s32 s31, s10;
	s11 =	sadd.s32 s31, s11;
	s14 =	simm.s32 $0x1000  }
.LBB2_1:
0x15: {  	[spmem:s12], [sflag:s5] =	dma.local [hbm:s4], $0x1000  }
0x16: {  	_ =	swait.ge [sflag:s13], $0x1000  }
0x17: {  	[sflag:s13] =	ssyncset.done $0x0  }
0x18: {  	[sflag:s13] =	ssyncadd.s32 $0xFFFFF000  }
0x19: {  	[tilespmem:s3], [sflag:$0x5] =	stream.linear.gather [hbm4b:s6+s3], $0x800, $0x38;
	[tilespmem:$0x12000] =	vst v63  }
0x1a: {  	_ = 	snop  }
0x1b: {  	[tilespmem:s14], [sflag:$0x5] =	stream.linear.gather [hbm4b:s7+s3], $0x800, $0x38;
	[tilespmem:$0x12000] =	vst v63  }
0x1c: {  	[bflag:$0x0] =	sbarrier.arrive $0xFFFF  }
0x1d: {  	_ =	swait.ge [sflag:s15], $0x800  }
0x1e: {  	[sflag:s15] =	ssyncset.done $0x0  }
0x1f: {  	[sflag:s15] =	ssyncadd.s32 $0xFFFFF800  }
0x20: {  	p0 =	por $0x0, $0x0;
	_ =	swait.ge [sflag:s15], $0x800  }
0x21: {  	s24 =	sand.u32 @!p0 $0x800, s3;
	[sflag:s15] =	ssyncset.done $0x0  }
0x22: {  	s26 =	simm.s32 @!p0 $0x0;
	s25 =	sxor.u32 @!p0 $0x800, s24;
	[sflag:s15] =	ssyncadd.s32 $0xFFFFF800  }
0x23: {  	[tilespmem:s25], [sflag:$0x5] =	stream.linear.gather @!p0 [hbm4b:s11+s26], $0x800, $0x38;
	[tilespmem:$0x12000] =	vst v63  }
0x24: {  	s25 =	sxor.u32 @!p0 $0x1800, s24  }
0x25: {  	[tilespmem:s25], [sflag:$0x5] =	stream.linear.gather @!p0 [hbm4b:s10+s26], $0x800, $0x38;
	[tilespmem:$0x12000] =	vst v63  }
0x26: {  	s24 =	simm.s32 @p0 $0x800  }
0x27: {  	[tilespmem:s17], [sflag:$0x1] =	stream.indirect.gather [spmem:s1], $0x80, s24, s16, $0xb8;
	[tilespmem:$0x12000] =	vst v63  }
0x28: {  	s26 =	sor.u32 $0x80, s24  }
0x29: {  	[tilespmem:s18], [sflag:$0x2] =	stream.indirect.gather [spmem:s1], $0x80, s26, s16, $0xb8;
	[tilespmem:$0x12000] =	vst v63  }
0x2a: {  	_ =	swait.ge [sflag:s19], $0x4000  }
0x2b: {  	[sflag:s19] =	ssyncset.done $0x0  }
0x2c: {  	s28 =	sor.u32 $0x1000, s24;
	[sflag:s19] =	ssyncadd.s32 $0xFFFFC000  }
0x2d: {  	[spmem:s1] =	stream.indirect.scatter.add.f32 [tilespmem:s17], [sflag:$0x3], $0x80, s28, s16, $0xb8;
	[tilespmem:$0x12000] =	vst v63  }
0x2e: {  	_ =	swait.ge [sflag:s20], $0x4000  }
0x2f: {  	[sflag:s20] =	ssyncset.done $0x0  }
0x30: {  	[sflag:s20] =	ssyncadd.s32 $0xFFFFC000  }
0x31: {  	_ =	swait.ge [sflag:s21], $0x4000  }
0x32: {  	[sflag:s21] =	ssyncset.done $0x0  }
0x33: {  	s29 =	sor.u32 $0x1080, s24;
	[sflag:s21] =	ssyncadd.s32 $0xFFFFC000  }
0x34: {  	[spmem:s1] =	stream.indirect.scatter.add.f32 [tilespmem:s18], [sflag:$0x4], $0x80, s29, s16, $0xb8;
	[tilespmem:$0x12000] =	vst v63  }
0x35: {  	s30 =	sadd.s32 $0x100, s24  }
0x36: {  	[tilespmem:s17], [sflag:$0x1] =	stream.indirect.gather [spmem:s1], $0x80, s30, s16, $0xb8;
	[tilespmem:$0x12000] =	vst v63  }
0x37: {  	_ =	swait.ge [sflag:s22], $0x4000  }
0x38: {  	[sflag:s22] =	ssyncset.done $0x0  }
0x39: {  	s31 =	sor.u32 $0x180, s24;
	[sflag:s22] =	ssyncadd.s32 $0xFFFFC000  }
0x3a: {  	[tilespmem:s18], [sflag:$0x2] =	stream.indirect.gather [spmem:s1], $0x80, s31, s16, $0xb8;
	[tilespmem:$0x12000] =	vst v63  }
0x3b: {  	_ =	swait.ge [sflag:s19], $0x4000  }
0x3c: {  	[sflag:s19] =	ssyncset.done $0x0  }
0x3d: {  	s26 =	sadd.s32 $0x1100, s24;
	[sflag:s19] =	ssyncadd.s32 $0xFFFFC000  }
0x3e: {  	[spmem:s1] =	stream.indirect.scatter.add.f32 [tilespmem:s17], [sflag:$0x3], $0x80, s26, s16, $0xb8;
	[tilespmem:$0x12000] =	vst v63  }
0x3f: {  	_ =	swait.ge [sflag:s20], $0x4000  }
0x40: {  	[sflag:s20] =	ssyncset.done $0x0  }
0x41: {  	[sflag:s20] =	ssyncadd.s32 $0xFFFFC000  }
0x42: {  	_ =	swait.ge [sflag:s21], $0x4000  }
0x43: {  	[sflag:s21] =	ssyncset.done $0x0  }
0x44: {  	s28 =	sor.u32 $0x1180, s24;
	[sflag:s21] =	ssyncadd.s32 $0xFFFFC000  }
0x45: {  	[spmem:s1] =	stream.indirect.scatter.add.f32 [tilespmem:s18], [sflag:$0x4], $0x80, s28, s16, $0xb8;
	[tilespmem:$0x12000] =	vst v63  }
0x46: {  	s29 =	sadd.s32 $0x200, s24  }
0x47: {  	[tilespmem:s17], [sflag:$0x1] =	stream.indirect.gather [spmem:s1], $0x80, s29, s16, $0xb8;
	[tilespmem:$0x12000] =	vst v63  }
0x48: {  	_ =	swait.ge [sflag:s22], $0x4000  }
0x49: {  	[sflag:s22] =	ssyncset.done $0x0  }
0x4a: {  	s30 =	sor.u32 $0x280, s24;
	[sflag:s22] =	ssyncadd.s32 $0xFFFFC000  }
0x4b: {  	[tilespmem:s18], [sflag:$0x2] =	stream.indirect.gather [spmem:s1], $0x80, s30, s16, $0xb8;
	[tilespmem:$0x12000] =	vst v63  }
0x4c: {  	_ =	swait.ge [sflag:s19], $0x4000  }
0x4d: {  	[sflag:s19] =	ssyncset.done $0x0  }
0x4e: {  	s31 =	sadd.s32 $0x1200, s24;
	[sflag:s19] =	ssyncadd.s32 $0xFFFFC000  }
0x4f: {  	[spmem:s1] =	stream.indirect.scatter.add.f32 [tilespmem:s17], [sflag:$0x3], $0x80, s31, s16, $0xb8;
	[tilespmem:$0x12000] =	vst v63  }
0x50: {  	_ =	swait.ge [sflag:s20], $0x4000  }
0x51: {  	[sflag:s20] =	ssyncset.done $0x0  }
0x52: {  	[sflag:s20] =	ssyncadd.s32 $0xFFFFC000  }
0x53: {  	_ =	swait.ge [sflag:s21], $0x4000  }
0x54: {  	[sflag:s21] =	ssyncset.done $0x0  }
0x55: {  	s26 =	sor.u32 $0x1280, s24;
	[sflag:s21] =	ssyncadd.s32 $0xFFFFC000  }
0x56: {  	[spmem:s1] =	stream.indirect.scatter.add.f32 [tilespmem:s18], [sflag:$0x4], $0x80, s26, s16, $0xb8;
	[tilespmem:$0x12000] =	vst v63  }
0x57: {  	s28 =	sadd.s32 $0x300, s24  }
0x58: {  	[tilespmem:s17], [sflag:$0x1] =	stream.indirect.gather [spmem:s1], $0x80, s28, s16, $0xb8;
	[tilespmem:$0x12000] =	vst v63  }
0x59: {  	_ =	swait.ge [sflag:s22], $0x4000  }
0x5a: {  	[sflag:s22] =	ssyncset.done $0x0  }
0x5b: {  	s29 =	sor.u32 $0x380, s24;
	[sflag:s22] =	ssyncadd.s32 $0xFFFFC000  }
0x5c: {  	[tilespmem:s18], [sflag:$0x2] =	stream.indirect.gather [spmem:s1], $0x80, s29, s16, $0xb8;
	[tilespmem:$0x12000] =	vst v63  }
0x5d: {  	_ =	swait.ge [sflag:s19], $0x4000  }
0x5e: {  	[sflag:s19] =	ssyncset.done $0x0  }
0x5f: {  	s30 =	sadd.s32 $0x1300, s24;
	[sflag:s19] =	ssyncadd.s32 $0xFFFFC000  }
0x60: {  	[spmem:s1] =	stream.indirect.scatter.add.f32 [tilespmem:s17], [sflag:$0x3], $0x80, s30, s16, $0xb8;
	[tilespmem:$0x12000] =	vst v63  }
0x61: {  	_ =	swait.ge [sflag:s20], $0x4000  }
0x62: {  	[sflag:s20] =	ssyncset.done $0x0  }
0x63: {  	[sflag:s20] =	ssyncadd.s32 $0xFFFFC000  }
0x64: {  	_ =	swait.ge [sflag:s21], $0x4000  }
0x65: {  	[sflag:s21] =	ssyncset.done $0x0  }
0x66: {  	s31 =	sor.u32 $0x1380, s24;
	[sflag:s21] =	ssyncadd.s32 $0xFFFFC000  }
0x67: {  	[spmem:s1] =	stream.indirect.scatter.add.f32 [tilespmem:s18], [sflag:$0x4], $0x80, s31, s16, $0xb8;
	[tilespmem:$0x12000] =	vst v63  }
0x68: {  	s26 =	sadd.s32 $0x400, s24  }
0x69: {  	[tilespmem:s17], [sflag:$0x1] =	stream.indirect.gather [spmem:s1], $0x80, s26, s16, $0xb8;
	[tilespmem:$0x12000] =	vst v63  }
0x6a: {  	_ =	swait.ge [sflag:s22], $0x4000  }
0x6b: {  	[sflag:s22] =	ssyncset.done $0x0  }
0x6c: {  	s28 =	sor.u32 $0x480, s24;
	[sflag:s22] =	ssyncadd.s32 $0xFFFFC000  }
0x6d: {  	[tilespmem:s18], [sflag:$0x2] =	stream.indirect.gather [spmem:s1], $0x80, s28, s16, $0xb8;
	[tilespmem:$0x12000] =	vst v63  }
0x6e: {  	_ =	swait.ge [sflag:s19], $0x4000  }
0x6f: {  	[sflag:s19] =	ssyncset.done $0x0  }
0x70: {  	s29 =	sadd.s32 $0x1400, s24;
	[sflag:s19] =	ssyncadd.s32 $0xFFFFC000  }
0x71: {  	[spmem:s1] =	stream.indirect.scatter.add.f32 [tilespmem:s17], [sflag:$0x3], $0x80, s29, s16, $0xb8;
	[tilespmem:$0x12000] =	vst v63  }
0x72: {  	_ =	swait.ge [sflag:s20], $0x4000  }
0x73: {  	[sflag:s20] =	ssyncset.done $0x0  }
0x74: {  	[sflag:s20] =	ssyncadd.s32 $0xFFFFC000  }
0x75: {  	_ =	swait.ge [sflag:s21], $0x4000  }
0x76: {  	[sflag:s21] =	ssyncset.done $0x0  }
0x77: {  	s30 =	sor.u32 $0x1480, s24;
	[sflag:s21] =	ssyncadd.s32 $0xFFFFC000  }
0x78: {  	[spmem:s1] =	stream.indirect.scatter.add.f32 [tilespmem:s18], [sflag:$0x4], $0x80, s30, s16, $0xb8;
	[tilespmem:$0x12000] =	vst v63  }
0x79: {  	s31 =	sadd.s32 $0x500, s24  }
0x7a: {  	[tilespmem:s17], [sflag:$0x1] =	stream.indirect.gather [spmem:s1], $0x80, s31, s16, $0xb8;
	[tilespmem:$0x12000] =	vst v63  }
0x7b: {  	_ =	swait.ge [sflag:s22], $0x4000  }
0x7c: {  	[sflag:s22] =	ssyncset.done $0x0  }
0x7d: {  	s26 =	sor.u32 $0x580, s24;
	[sflag:s22] =	ssyncadd.s32 $0xFFFFC000  }
0x7e: {  	[tilespmem:s18], [sflag:$0x2] =	stream.indirect.gather [spmem:s1], $0x80, s26, s16, $0xb8;
	[tilespmem:$0x12000] =	vst v63  }
0x7f: {  	_ =	swait.ge [sflag:s19], $0x4000  }
0x80: {  	[sflag:s19] =	ssyncset.done $0x0  }
0x81: {  	s28 =	sadd.s32 $0x1500, s24;
	[sflag:s19] =	ssyncadd.s32 $0xFFFFC000  }
0x82: {  	[spmem:s1] =	stream.indirect.scatter.add.f32 [tilespmem:s17], [sflag:$0x3], $0x80, s28, s16, $0xb8;
	[tilespmem:$0x12000] =	vst v63  }
0x83: {  	_ =	swait.ge [sflag:s20], $0x4000  }
0x84: {  	[sflag:s20] =	ssyncset.done $0x0  }
0x85: {  	[sflag:s20] =	ssyncadd.s32 $0xFFFFC000  }
0x86: {  	_ =	swait.ge [sflag:s21], $0x4000  }
0x87: {  	[sflag:s21] =	ssyncset.done $0x0  }
0x88: {  	s29 =	sor.u32 $0x1580, s24;
	[sflag:s21] =	ssyncadd.s32 $0xFFFFC000  }
0x89: {  	[spmem:s1] =	stream.indirect.scatter.add.f32 [tilespmem:s18], [sflag:$0x4], $0x80, s29, s16, $0xb8;
	[tilespmem:$0x12000] =	vst v63  }
0x8a: {  	s30 =	sadd.s32 $0x600, s24  }
0x8b: {  	[tilespmem:s17], [sflag:$0x1] =	stream.indirect.gather [spmem:s1], $0x80, s30, s16, $0xb8;
	[tilespmem:$0x12000] =	vst v63  }
0x8c: {  	_ =	swait.ge [sflag:s22], $0x4000  }
0x8d: {  	[sflag:s22] =	ssyncset.done $0x0  }
0x8e: {  	s31 =	sor.u32 $0x680, s24;
	[sflag:s22] =	ssyncadd.s32 $0xFFFFC000  }
0x8f: {  	[tilespmem:s18], [sflag:$0x2] =	stream.indirect.gather [spmem:s1], $0x80, s31, s16, $0xb8;
	[tilespmem:$0x12000] =	vst v63  }
0x90: {  	_ =	swait.ge [sflag:s19], $0x4000  }
0x91: {  	[sflag:s19] =	ssyncset.done $0x0  }
0x92: {  	s26 =	sadd.s32 $0x1600, s24;
	[sflag:s19] =	ssyncadd.s32 $0xFFFFC000  }
0x93: {  	[spmem:s1] =	stream.indirect.scatter.add.f32 [tilespmem:s17], [sflag:$0x3], $0x80, s26, s16, $0xb8;
	[tilespmem:$0x12000] =	vst v63  }
0x94: {  	_ =	swait.ge [sflag:s20], $0x4000  }
0x95: {  	[sflag:s20] =	ssyncset.done $0x0  }
0x96: {  	[sflag:s20] =	ssyncadd.s32 $0xFFFFC000  }
0x97: {  	_ =	swait.ge [sflag:s21], $0x4000  }
0x98: {  	[sflag:s21] =	ssyncset.done $0x0  }
0x99: {  	s28 =	sor.u32 $0x1680, s24;
	[sflag:s21] =	ssyncadd.s32 $0xFFFFC000  }
0x9a: {  	[spmem:s1] =	stream.indirect.scatter.add.f32 [tilespmem:s18], [sflag:$0x4], $0x80, s28, s16, $0xb8;
	[tilespmem:$0x12000] =	vst v63  }
0x9b: {  	s29 =	sadd.s32 $0x700, s24  }
0x9c: {  	[tilespmem:s17], [sflag:$0x1] =	stream.indirect.gather [spmem:s1], $0x80, s29, s16, $0xb8;
	[tilespmem:$0x12000] =	vst v63  }
0x9d: {  	_ =	swait.ge [sflag:s22], $0x4000  }
0x9e: {  	[sflag:s22] =	ssyncset.done $0x0  }
0x9f: {  	s30 =	sor.u32 $0x780, s24;
	[sflag:s22] =	ssyncadd.s32 $0xFFFFC000  }
0xa0: {  	[tilespmem:s18], [sflag:$0x2] =	stream.indirect.gather [spmem:s1], $0x80, s30, s16, $0xb8;
	[tilespmem:$0x12000] =	vst v63  }
0xa1: {  	_ =	swait.ge [sflag:s19], $0x4000  }
0xa2: {  	[sflag:s19] =	ssyncset.done $0x0  }
0xa3: {  	s31 =	sadd.s32 $0x1700, s24;
	[sflag:s19] =	ssyncadd.s32 $0xFFFFC000  }
0xa4: {  	[spmem:s1] =	stream.indirect.scatter.add.f32 [tilespmem:s17], [sflag:$0x3], $0x80, s31, s16, $0xb8;
	[tilespmem:$0x12000] =	vst v63  }
0xa5: {  	_ =	swait.ge [sflag:s20], $0x4000  }
0xa6: {  	[sflag:s20] =	ssyncset.done $0x0  }
0xa7: {  	[sflag:s20] =	ssyncadd.s32 $0xFFFFC000  }
0xa8: {  	_ =	swait.ge [sflag:s21], $0x4000  }
0xa9: {  	[sflag:s21] =	ssyncset.done $0x0  }
0xaa: {  	s24 =	sor.u32 $0x1780, s24;
	[sflag:s21] =	ssyncadd.s32 $0xFFFFC000  }
0xab: {  	[spmem:s1] =	stream.indirect.scatter.add.f32 [tilespmem:s18], [sflag:$0x4], $0x80, s24, s16, $0xb8;
	[tilespmem:$0x12000] =	vst v63  }
0xac: {  	s25 =	sadd.s32 $0x100, s11;
	_ =	swait.ge [sflag:s22], $0x4000  }
0xad: {  	s26 =	smov.u32 s10;
	s24 =	simm.s32 $0x800;
	[sflag:s22] =	ssyncset.done $0x0  }
.LBB2_2:
0xae: {  	[sflag:s22] =	ssyncadd.s32 $0xFFFFC000  }
0xaf: {  	s26 =	sadd.s32 $0x100, s26;
	s28 =	smov.u32 s24;
	s24 =	sadd.s32 $0x800, s24  }
0xb0: {  	_ =	swait.ge [sflag:s15], $0x800;
	p0 =	sne.s32 s24, $0x5000  }
0xb1: {  	[sflag:s15] =	ssyncset.done $0x0  }
0xb2: {  	[sflag:s15] =	ssyncadd.s32 $0xFFFFF800  }
0xb3: {  	p1 =	seq.s32 s28, $0x4800;
	_ =	swait.ge [sflag:s15], $0x800  }
0xb4: {  	s28 =	sand.u32 @!p1 $0x800, s28;
	[sflag:s15] =	ssyncset.done $0x0  }
0xb5: {  	s30 =	simm.s32 @!p1 $0x0;
	s29 =	sxor.u32 @!p1 $0x800, s28;
	[sflag:s15] =	ssyncadd.s32 $0xFFFFF800  }
0xb6: {  	[tilespmem:s29], [sflag:$0x5] =	stream.linear.gather @!p1 [hbm4b:s25+s30], $0x800, $0x38;
	[tilespmem:$0x12000] =	vst v63  }
0xb7: {  	s29 =	sxor.u32 @!p1 $0x1800, s28  }
0xb8: {  	[tilespmem:s29], [sflag:$0x5] =	stream.linear.gather @!p1 [hbm4b:s26+s30], $0x800, $0x38;
	[tilespmem:$0x12000] =	vst v63  }
0xb9: {  	s28 =	simm.s32 @p1 $0x800  }
0xba: {  	[tilespmem:s17], [sflag:$0x1] =	stream.indirect.gather [spmem:s1], $0x80, s28, s16, $0xb8;
	[tilespmem:$0x12000] =	vst v63  }
0xbb: {  	s29 =	sor.u32 $0x80, s28  }
0xbc: {  	[tilespmem:s18], [sflag:$0x2] =	stream.indirect.gather [spmem:s1], $0x80, s29, s16, $0xb8;
	[tilespmem:$0x12000] =	vst v63  }
0xbd: {  	_ =	swait.ge [sflag:s19], $0x4000  }
0xbe: {  	[sflag:s19] =	ssyncset.done $0x0  }
0xbf: {  	s29 =	sor.u32 $0x1000, s28;
	[sflag:s19] =	ssyncadd.s32 $0xFFFFC000  }
0xc0: {  	[spmem:s1] =	stream.indirect.scatter.add.f32 [tilespmem:s17], [sflag:$0x3], $0x80, s29, s16, $0xb8;
	[tilespmem:$0x12000] =	vst v63  }
0xc1: {  	_ =	swait.ge [sflag:s20], $0x4000  }
0xc2: {  	[sflag:s20] =	ssyncset.done $0x0  }
0xc3: {  	[sflag:s20] =	ssyncadd.s32 $0xFFFFC000  }
0xc4: {  	_ =	swait.ge [sflag:s21], $0x4000  }
0xc5: {  	[sflag:s21] =	ssyncset.done $0x0  }
0xc6: {  	s29 =	sor.u32 $0x1080, s28;
	[sflag:s21] =	ssyncadd.s32 $0xFFFFC000  }
0xc7: {  	[spmem:s1] =	stream.indirect.scatter.add.f32 [tilespmem:s18], [sflag:$0x4], $0x80, s29, s16, $0xb8;
	[tilespmem:$0x12000] =	vst v63  }
0xc8: {  	s29 =	sadd.s32 $0x100, s28  }
0xc9: {  	[tilespmem:s17], [sflag:$0x1] =	stream.indirect.gather [spmem:s1], $0x80, s29, s16, $0xb8;
	[tilespmem:$0x12000] =	vst v63  }
0xca: {  	_ =	swait.ge [sflag:s22], $0x4000  }
0xcb: {  	[sflag:s22] =	ssyncset.done $0x0  }
0xcc: {  	s29 =	sor.u32 $0x180, s28;
	[sflag:s22] =	ssyncadd.s32 $0xFFFFC000  }
0xcd: {  	[tilespmem:s18], [sflag:$0x2] =	stream.indirect.gather [spmem:s1], $0x80, s29, s16, $0xb8;
	[tilespmem:$0x12000] =	vst v63  }
0xce: {  	_ =	swait.ge [sflag:s19], $0x4000  }
0xcf: {  	[sflag:s19] =	ssyncset.done $0x0  }
0xd0: {  	s29 =	sadd.s32 $0x1100, s28;
	[sflag:s19] =	ssyncadd.s32 $0xFFFFC000  }
0xd1: {  	[spmem:s1] =	stream.indirect.scatter.add.f32 [tilespmem:s17], [sflag:$0x3], $0x80, s29, s16, $0xb8;
	[tilespmem:$0x12000] =	vst v63  }
0xd2: {  	_ =	swait.ge [sflag:s20], $0x4000  }
0xd3: {  	[sflag:s20] =	ssyncset.done $0x0  }
0xd4: {  	[sflag:s20] =	ssyncadd.s32 $0xFFFFC000  }
0xd5: {  	_ =	swait.ge [sflag:s21], $0x4000  }
0xd6: {  	[sflag:s21] =	ssyncset.done $0x0  }
0xd7: {  	s29 =	sor.u32 $0x1180, s28;
	[sflag:s21] =	ssyncadd.s32 $0xFFFFC000  }
0xd8: {  	[spmem:s1] =	stream.indirect.scatter.add.f32 [tilespmem:s18], [sflag:$0x4], $0x80, s29, s16, $0xb8;
	[tilespmem:$0x12000] =	vst v63  }
0xd9: {  	s29 =	sadd.s32 $0x200, s28  }
0xda: {  	[tilespmem:s17], [sflag:$0x1] =	stream.indirect.gather [spmem:s1], $0x80, s29, s16, $0xb8;
	[tilespmem:$0x12000] =	vst v63  }
0xdb: {  	_ =	swait.ge [sflag:s22], $0x4000  }
0xdc: {  	[sflag:s22] =	ssyncset.done $0x0  }
0xdd: {  	s29 =	sor.u32 $0x280, s28;
	[sflag:s22] =	ssyncadd.s32 $0xFFFFC000  }
0xde: {  	[tilespmem:s18], [sflag:$0x2] =	stream.indirect.gather [spmem:s1], $0x80, s29, s16, $0xb8;
	[tilespmem:$0x12000] =	vst v63  }
0xdf: {  	_ =	swait.ge [sflag:s19], $0x4000  }
0xe0: {  	[sflag:s19] =	ssyncset.done $0x0  }
0xe1: {  	s29 =	sadd.s32 $0x1200, s28;
	[sflag:s19] =	ssyncadd.s32 $0xFFFFC000  }
0xe2: {  	[spmem:s1] =	stream.indirect.scatter.add.f32 [tilespmem:s17], [sflag:$0x3], $0x80, s29, s16, $0xb8;
	[tilespmem:$0x12000] =	vst v63  }
0xe3: {  	_ =	swait.ge [sflag:s20], $0x4000  }
0xe4: {  	[sflag:s20] =	ssyncset.done $0x0  }
0xe5: {  	[sflag:s20] =	ssyncadd.s32 $0xFFFFC000  }
0xe6: {  	_ =	swait.ge [sflag:s21], $0x4000  }
0xe7: {  	[sflag:s21] =	ssyncset.done $0x0  }
0xe8: {  	s29 =	sor.u32 $0x1280, s28;
	[sflag:s21] =	ssyncadd.s32 $0xFFFFC000  }
0xe9: {  	[spmem:s1] =	stream.indirect.scatter.add.f32 [tilespmem:s18], [sflag:$0x4], $0x80, s29, s16, $0xb8;
	[tilespmem:$0x12000] =	vst v63  }
0xea: {  	s29 =	sadd.s32 $0x300, s28  }
0xeb: {  	[tilespmem:s17], [sflag:$0x1] =	stream.indirect.gather [spmem:s1], $0x80, s29, s16, $0xb8;
	[tilespmem:$0x12000] =	vst v63  }
0xec: {  	_ =	swait.ge [sflag:s22], $0x4000  }
0xed: {  	[sflag:s22] =	ssyncset.done $0x0  }
0xee: {  	s29 =	sor.u32 $0x380, s28;
	[sflag:s22] =	ssyncadd.s32 $0xFFFFC000  }
0xef: {  	[tilespmem:s18], [sflag:$0x2] =	stream.indirect.gather [spmem:s1], $0x80, s29, s16, $0xb8;
	[tilespmem:$0x12000] =	vst v63  }
0xf0: {  	_ =	swait.ge [sflag:s19], $0x4000  }
0xf1: {  	[sflag:s19] =	ssyncset.done $0x0  }
0xf2: {  	s29 =	sadd.s32 $0x1300, s28;
	[sflag:s19] =	ssyncadd.s32 $0xFFFFC000  }
0xf3: {  	[spmem:s1] =	stream.indirect.scatter.add.f32 [tilespmem:s17], [sflag:$0x3], $0x80, s29, s16, $0xb8;
	[tilespmem:$0x12000] =	vst v63  }
0xf4: {  	_ =	swait.ge [sflag:s20], $0x4000  }
0xf5: {  	[sflag:s20] =	ssyncset.done $0x0  }
0xf6: {  	[sflag:s20] =	ssyncadd.s32 $0xFFFFC000  }
0xf7: {  	_ =	swait.ge [sflag:s21], $0x4000  }
0xf8: {  	[sflag:s21] =	ssyncset.done $0x0  }
0xf9: {  	s29 =	sor.u32 $0x1380, s28;
	[sflag:s21] =	ssyncadd.s32 $0xFFFFC000  }
0xfa: {  	[spmem:s1] =	stream.indirect.scatter.add.f32 [tilespmem:s18], [sflag:$0x4], $0x80, s29, s16, $0xb8;
	[tilespmem:$0x12000] =	vst v63  }
0xfb: {  	s29 =	sadd.s32 $0x400, s28  }
0xfc: {  	[tilespmem:s17], [sflag:$0x1] =	stream.indirect.gather [spmem:s1], $0x80, s29, s16, $0xb8;
	[tilespmem:$0x12000] =	vst v63  }
0xfd: {  	_ =	swait.ge [sflag:s22], $0x4000  }
0xfe: {  	[sflag:s22] =	ssyncset.done $0x0  }
0xff: {  	s29 =	sor.u32 $0x480, s28;
	[sflag:s22] =	ssyncadd.s32 $0xFFFFC000  }
0x100: {  	[tilespmem:s18], [sflag:$0x2] =	stream.indirect.gather [spmem:s1], $0x80, s29, s16, $0xb8;
	[tilespmem:$0x12000] =	vst v63  }
0x101: {  	_ =	swait.ge [sflag:s19], $0x4000  }
0x102: {  	[sflag:s19] =	ssyncset.done $0x0  }
0x103: {  	s29 =	sadd.s32 $0x1400, s28;
	[sflag:s19] =	ssyncadd.s32 $0xFFFFC000  }
0x104: {  	[spmem:s1] =	stream.indirect.scatter.add.f32 [tilespmem:s17], [sflag:$0x3], $0x80, s29, s16, $0xb8;
	[tilespmem:$0x12000] =	vst v63  }
0x105: {  	_ =	swait.ge [sflag:s20], $0x4000  }
0x106: {  	[sflag:s20] =	ssyncset.done $0x0  }
0x107: {  	[sflag:s20] =	ssyncadd.s32 $0xFFFFC000  }
0x108: {  	_ =	swait.ge [sflag:s21], $0x4000  }
0x109: {  	[sflag:s21] =	ssyncset.done $0x0  }
0x10a: {  	s29 =	sor.u32 $0x1480, s28;
	[sflag:s21] =	ssyncadd.s32 $0xFFFFC000  }
0x10b: {  	[spmem:s1] =	stream.indirect.scatter.add.f32 [tilespmem:s18], [sflag:$0x4], $0x80, s29, s16, $0xb8;
	[tilespmem:$0x12000] =	vst v63  }
0x10c: {  	s29 =	sadd.s32 $0x500, s28  }
0x10d: {  	[tilespmem:s17], [sflag:$0x1] =	stream.indirect.gather [spmem:s1], $0x80, s29, s16, $0xb8;
	[tilespmem:$0x12000] =	vst v63  }
0x10e: {  	_ =	swait.ge [sflag:s22], $0x4000  }
0x10f: {  	[sflag:s22] =	ssyncset.done $0x0  }
0x110: {  	s29 =	sor.u32 $0x580, s28;
	[sflag:s22] =	ssyncadd.s32 $0xFFFFC000  }
0x111: {  	[tilespmem:s18], [sflag:$0x2] =	stream.indirect.gather [spmem:s1], $0x80, s29, s16, $0xb8;
	[tilespmem:$0x12000] =	vst v63  }
0x112: {  	_ =	swait.ge [sflag:s19], $0x4000  }
0x113: {  	[sflag:s19] =	ssyncset.done $0x0  }
0x114: {  	s29 =	sadd.s32 $0x1500, s28;
	[sflag:s19] =	ssyncadd.s32 $0xFFFFC000  }
0x115: {  	[spmem:s1] =	stream.indirect.scatter.add.f32 [tilespmem:s17], [sflag:$0x3], $0x80, s29, s16, $0xb8;
	[tilespmem:$0x12000] =	vst v63  }
0x116: {  	_ =	swait.ge [sflag:s20], $0x4000  }
0x117: {  	[sflag:s20] =	ssyncset.done $0x0  }
0x118: {  	[sflag:s20] =	ssyncadd.s32 $0xFFFFC000  }
0x119: {  	_ =	swait.ge [sflag:s21], $0x4000  }
0x11a: {  	[sflag:s21] =	ssyncset.done $0x0  }
0x11b: {  	s29 =	sor.u32 $0x1580, s28;
	[sflag:s21] =	ssyncadd.s32 $0xFFFFC000  }
0x11c: {  	[spmem:s1] =	stream.indirect.scatter.add.f32 [tilespmem:s18], [sflag:$0x4], $0x80, s29, s16, $0xb8;
	[tilespmem:$0x12000] =	vst v63  }
0x11d: {  	s29 =	sadd.s32 $0x600, s28  }
0x11e: {  	[tilespmem:s17], [sflag:$0x1] =	stream.indirect.gather [spmem:s1], $0x80, s29, s16, $0xb8;
	[tilespmem:$0x12000] =	vst v63  }
0x11f: {  	_ =	swait.ge [sflag:s22], $0x4000  }
0x120: {  	[sflag:s22] =	ssyncset.done $0x0  }
0x121: {  	s29 =	sor.u32 $0x680, s28;
	[sflag:s22] =	ssyncadd.s32 $0xFFFFC000  }
0x122: {  	[tilespmem:s18], [sflag:$0x2] =	stream.indirect.gather [spmem:s1], $0x80, s29, s16, $0xb8;
	[tilespmem:$0x12000] =	vst v63  }
0x123: {  	_ =	swait.ge [sflag:s19], $0x4000  }
0x124: {  	[sflag:s19] =	ssyncset.done $0x0  }
0x125: {  	s29 =	sadd.s32 $0x1600, s28;
	[sflag:s19] =	ssyncadd.s32 $0xFFFFC000  }
0x126: {  	[spmem:s1] =	stream.indirect.scatter.add.f32 [tilespmem:s17], [sflag:$0x3], $0x80, s29, s16, $0xb8;
	[tilespmem:$0x12000] =	vst v63  }
0x127: {  	_ =	swait.ge [sflag:s20], $0x4000  }
0x128: {  	[sflag:s20] =	ssyncset.done $0x0  }
0x129: {  	[sflag:s20] =	ssyncadd.s32 $0xFFFFC000  }
0x12a: {  	_ =	swait.ge [sflag:s21], $0x4000  }
0x12b: {  	[sflag:s21] =	ssyncset.done $0x0  }
0x12c: {  	s29 =	sor.u32 $0x1680, s28;
	[sflag:s21] =	ssyncadd.s32 $0xFFFFC000  }
0x12d: {  	[spmem:s1] =	stream.indirect.scatter.add.f32 [tilespmem:s18], [sflag:$0x4], $0x80, s29, s16, $0xb8;
	[tilespmem:$0x12000] =	vst v63  }
0x12e: {  	s29 =	sadd.s32 $0x700, s28  }
0x12f: {  	[tilespmem:s17], [sflag:$0x1] =	stream.indirect.gather [spmem:s1], $0x80, s29, s16, $0xb8;
	[tilespmem:$0x12000] =	vst v63  }
0x130: {  	_ =	swait.ge [sflag:s22], $0x4000  }
0x131: {  	[sflag:s22] =	ssyncset.done $0x0  }
0x132: {  	s29 =	sor.u32 $0x780, s28;
	[sflag:s22] =	ssyncadd.s32 $0xFFFFC000  }
0x133: {  	[tilespmem:s18], [sflag:$0x2] =	stream.indirect.gather [spmem:s1], $0x80, s29, s16, $0xb8;
	[tilespmem:$0x12000] =	vst v63  }
0x134: {  	_ =	swait.ge [sflag:s19], $0x4000  }
0x135: {  	[sflag:s19] =	ssyncset.done $0x0  }
0x136: {  	s29 =	sadd.s32 $0x1700, s28;
	[sflag:s19] =	ssyncadd.s32 $0xFFFFC000  }
0x137: {  	[spmem:s1] =	stream.indirect.scatter.add.f32 [tilespmem:s17], [sflag:$0x3], $0x80, s29, s16, $0xb8;
	[tilespmem:$0x12000] =	vst v63  }
0x138: {  	_ =	swait.ge [sflag:s20], $0x4000  }
0x139: {  	[sflag:s20] =	ssyncset.done $0x0  }
0x13a: {  	[sflag:s20] =	ssyncadd.s32 $0xFFFFC000  }
0x13b: {  	_ =	swait.ge [sflag:s21], $0x4000  }
.Ltmp0:
0x13c: {  	[sflag:s21] =	ssyncset.done $0x0;
	(pc) =	sbr.rel @p0 .LBB2_2-.Ltmp0, $4  }
0x13d: {  	s28 =	sor.u32 $0x1780, s28;
	[sflag:s21] =	ssyncadd.s32 $0xFFFFC000  }
0x13e: {  	[spmem:s1] =	stream.indirect.scatter.add.f32 [tilespmem:s18], [sflag:$0x4], $0x80, s28, s16, $0xb8;
	[tilespmem:$0x12000] =	vst v63  }
0x13f: {  	_ =	swait.ge [sflag:s22], $0x4000  }
0x140: {  	s25 =	sadd.s32 $0x100, s25;
	[sflag:s22] =	ssyncset.done $0x0  }
0x141: {  	s23 =	sadd.s32 $0x1, s23  }
0x142: {  	[sflag:s22] =	ssyncadd.s32 $0xFFFFC000;
	p0 =	sne.s32 s23, s9  }
.Ltmp1:
0x143: {  	[bflag:$0x0] =	sbarrier.arrive $0xFFFF;
	(pc) =	sbr.rel @p0 .LBB2_1-.Ltmp1, $4  }
0x144: {  	[hbm:s8], [sflag:s5] =	dma.local [spmem:s12], $0x1000  }
0x145: {  	_ =	swait.ge [sflag:s13], $0x1000  }
0x146: {  	[sflag:s13] =	ssyncset.done $0x0  }
0x147: {  	[sflag:s13] =	ssyncadd.s32 $0xFFFFF000  }
0x148: {  	_ =	sfence.sel $0x180000  }
0x149: {  	[bflag:$0x0] =	sbarrier.arrive $0xFFFF  }
0x14a: {  	p0 =	sne.s32 s2, $0x0;
	_ =	strace $0x9000004D  }
0x14b: {  	s0 =	sadd.s32 @!p0 $0x100000, s0;
	[bflag:$0x2] =	sbarrier.arrive $0xFFFF  }
0x14c: {  	[sflag:s0] =	ssyncadd.tile.s32 @!p0 $0x1;
	_ =	shalt  }
.Lfunc_end2:
_tile_overlayer_lowered:
.L_overlay_start_2:
0x14d: {  	(tag) =	ssettag $0x2  }
0x14e: {  	s0 =	rddreg [dreg:$0x0];
	s2 =	stileid.u32  }
0x14f: {  	s1 =	rddreg [dreg:$0x1];
	p0 =	sne.s32 s2, $0x0  }
0x150: {  	s3 =	rddreg [dreg:$0x2];
	[bflag:$0x3] =	sbarrier.arrive $0xFFFF;
	s2 =	simm.s32 @!p0 $0x1C06  }
0x151: {  	[timem:s3], [sflag:s2] =	dma.local @!p0 [hbm:s0], s1  }
0x152: {  	s0 =	simm.s32 @!p0 $0x6  }
0x153: {  	_ =	swait.ge @!p0 [sflag:s0], s1  }
0x154: {  	s1 =	ssub.s32 @!p0 $0x0, s1;
	[sflag:s0] =	ssyncset.done @!p0 $0x0  }
0x155: {  	[sflag:s0] =	ssyncadd.s32 @!p0 s1  }
0x156: {  	[bflag:$0x3] =	sbarrier.arrive $0xFFFF  }
0x157: {  	_ =	shalt  }

// kernel: kernel.9.cloned.1.call-start
scs
__scs_entry_jumppad:
0x0: {  	(pc) =	sbr.rel $0x88, $3  }
0x1: {  	(tag) =	ssettag $0x0;
	lr =	simm.s32 $0x1  }
0x2: {  	[smem:$0x3F9B] =	sst lr;
	_ =	strace $0xD0000000  }
0x3: {  	_ = 	snop  }
0x4: {  	_ = 	snop  }
0x5: {  	_ = 	snop  }
0x6: {  	_ = 	snop  }
0x7: {  	_ = 	snop  }
__scs_overlays_trampoline_lowered:
0x8: {  	[smem:$0x3FAA] =	sst s0  }
0x9: {  	[smem:$0x3FAB] =	sst s1  }
0xa: {  	[smem:$0x3FAC] =	sst s2  }
0xb: {  	[smem:$0x3FAD] =	sst s3  }
0xc: {  	[smem:$0x3FAE] =	sst s4  }
0xd: {  	[smem:$0x3FAF] =	sst s5  }
0xe: {  	[smem:$0x3FB0] =	sst s6  }
0xf: {  	[smem:$0x3FB1] =	sst s7  }
0x10: {  	[smem:$0x3FB2] =	sst s8  }
0x11: {  	[smem:$0x3FB3] =	sst s9;
	s0 =	simm.s32 @!p0 $0x0  }
0x12: {  	s1 =	sld [smem:$0x3F99];
	s0 =	simm.s32 @p0 $0x1  }
0x13: {  	[smem:$0x3FB4] =	sst s0;
	s0 =	simm.s32 @!p1 $0x0  }
0x14: {  	s2 =	sld [smem:$0x3F98];
	s0 =	simm.s32 @p1 $0x1  }
0x15: {  	[smem:$0x3FB5] =	sst s0;
	s0 =	simm.s32 @!p2 $0x0  }
0x16: {  	s3 =	sld [smem:$0x3FDB];
	s0 =	simm.s32 @p2 $0x1  }
0x17: {  	s4 =	simm.s32 $0x1BF5;
	[smem:$0x3FB7] =	sst s0  }
0x18: {  	s0 =	sld [smem:$0x3F9A];
	_ =	swait.ge [sflag:s4], $0x0  }
0x19: {  	s7 =	sld [smem:$0x3F9B]  }
0x1a: {  	s8 =	sadd.s32 $0xFFFFE003, lr  }
0x1b: {  	s9 =	sadd.s32 $0xFFFFFEF7, lr;
	s5 =	simm.s32 $0xFFFFFFFF;
	p2 =	slt.u32 s8, $0xFFFFF086  }
0x1c: {  	p1 =	slt.u32 s9, $0xF7A;
	s5 =	simm.s32 @!p2 $0x0  }
0x1d: {  	s5 =	simm.s32 @p1 $0x1;
	p0 =	seq.s32 s7, s2  }
0x1e: {  	s7 =	smul.u32 @!p0 $0xF7A, s2;
	p2 =	seq.s32 @!p0 s5, $0x0  }
0x1f: {  	s9 =	smul.u32 $0xF7A, s1;
	s8 =	simm.s32 @!p0 $0x1BF5;
	p2 =	por !p2, p0  }
0x20: {  	[sflag:s8] =	ssyncset.s32 @!p0 $0xFFFFF086;
	s6 =	sadd.s32 @!p0 s3, s7;
	s7 =	simm.s32 @!p0 $0x108  }
0x21: {  	s3 =	sadd.s32 s3, s9;
	s6 =	sadd.s32 @!p0 $0x88, s6;
	s7 =	simm.s32 @p2 $0x1082  }
0x22: {  	[simem:s7], [sflag:s8] =	dma.local @!p0 [hbm:s6], $0xF7A  }
0x23: {  	s9 =	sor.u32 $0xD0000000, s2;
	s6 =	simm.s32 $0x108;
	_ =	swait.ge @!p0 [sflag:s8], $0x0  }
0x24: {  	s3 =	sadd.s32 $0x88, s3;
	s6 =	simm.s32 @!p1 $0x1082;
	[sflag:s4] =	ssyncset.s32 $0xFFFFF086  }
0x25: {  	[simem:s6], [sflag:s4] =	dma.local [hbm:s3], $0xF7A  }
0x26: {  	[smem:$0x3F9B] =	sst s1;
	(tag) =	ssettag s2;
	_ =	strace s9  }
0x27: {  	s1 =	sld [smem:$0x3FAB]  }
0x28: {  	s2 =	sld [smem:$0x3FAC]  }
0x29: {  	s4 =	sld [smem:$0x3FAE]  }
0x2a: {  	p0 =	seq.s32 s5, $0x0;
	s5 =	sld [smem:$0x3FAF]  }
0x2b: {  	s6 =	sld [smem:$0x3FB0]  }
0x2c: {  	s7 =	sld [smem:$0x3FB1]  }
0x2d: {  	s3 =	simm.s32 $0x108;
	s8 =	sld [smem:$0x3FB2]  }
0x2e: {  	s3 =	simm.s32 @!p0 $0x1082;
	s9 =	sld [smem:$0x3FB3]  }
0x2f: {  	lr =	sadd.s32 s0, s3;
	s0 =	sld [smem:$0x3FAA]  }
0x30: {  	s3 =	sld [smem:$0x3FAD]  }
0x31: {  	[smem:$0x3FB6] =	sst s10  }
0x32: {  	s10 =	sld [smem:$0x3FB4];
	_ =	sdelay $0x3  }
0x33: {  	p0 =	seq.s32 s10, $0x1;
	s10 =	sld [smem:$0x3FB6];
	_ =	sdelay $0x3  }
0x34: {  	[smem:$0x3FB6] =	sst s10  }
0x35: {  	s10 =	sld [smem:$0x3FB5];
	_ =	sdelay $0x3  }
0x36: {  	p1 =	seq.s32 s10, $0x1;
	s10 =	sld [smem:$0x3FB6];
	_ =	sdelay $0x3  }
0x37: {  	[smem:$0x3FB6] =	sst s10  }
0x38: {  	s10 =	sld [smem:$0x3FB7]  }
0x39: {  	_ = 	snop;
	(pc) =	sbr.ind lr, $3  }
0x3a: {  	_ = 	snop  }
0x3b: {  	_ = 	snop  }
0x3c: {  	p2 =	seq.s32 s10, $0x1;
	s10 =	sld [smem:$0x3FB6]  }
0x3d: {  	_ =	shalt  }
0x3e: {  	_ =	shalt  }
0x3f: {  	_ =	shalt  }
0x40: {  	_ =	shalt  }
0x41: {  	_ =	shalt  }
0x42: {  	_ =	shalt  }
0x43: {  	_ =	shalt  }
0x44: {  	_ =	shalt  }
0x45: {  	_ =	shalt  }
0x46: {  	_ =	shalt  }
0x47: {  	_ =	shalt  }
0x48: {  	_ =	shalt  }
0x49: {  	_ =	shalt  }
0x4a: {  	_ =	shalt  }
0x4b: {  	_ =	shalt  }
0x4c: {  	_ =	shalt  }
0x4d: {  	_ =	shalt  }
0x4e: {  	_ =	shalt  }
0x4f: {  	_ =	shalt  }
0x50: {  	_ =	shalt  }
0x51: {  	_ =	shalt  }
0x52: {  	_ =	shalt  }
0x53: {  	_ =	shalt  }
0x54: {  	_ =	shalt  }
0x55: {  	_ =	shalt  }
0x56: {  	_ =	shalt  }
0x57: {  	_ =	shalt  }
0x58: {  	_ =	shalt  }
0x59: {  	_ =	shalt  }
0x5a: {  	_ =	shalt  }
0x5b: {  	_ =	shalt  }
0x5c: {  	_ =	shalt  }
0x5d: {  	_ =	shalt  }
0x5e: {  	_ =	shalt  }
0x5f: {  	_ =	shalt  }
0x60: {  	_ =	shalt  }
0x61: {  	_ =	shalt  }
0x62: {  	_ =	shalt  }
0x63: {  	_ =	shalt  }
0x64: {  	_ =	shalt  }
0x65: {  	_ =	shalt  }
0x66: {  	_ =	shalt  }
0x67: {  	_ =	shalt  }
0x68: {  	_ =	shalt  }
0x69: {  	_ =	shalt  }
0x6a: {  	_ =	shalt  }
0x6b: {  	_ =	shalt  }
0x6c: {  	_ =	shalt  }
0x6d: {  	_ =	shalt  }
0x6e: {  	_ =	shalt  }
0x6f: {  	_ =	shalt  }
0x70: {  	_ =	shalt  }
0x71: {  	_ =	shalt  }
0x72: {  	_ =	shalt  }
0x73: {  	_ =	shalt  }
0x74: {  	_ =	shalt  }
0x75: {  	_ =	shalt  }
0x76: {  	_ =	shalt  }
0x77: {  	_ =	shalt  }
0x78: {  	_ =	shalt  }
0x79: {  	_ =	shalt  }
0x7a: {  	_ =	shalt  }
0x7b: {  	_ =	shalt  }
0x7c: {  	_ =	shalt  }
0x7d: {  	_ =	shalt  }
0x7e: {  	_ =	shalt  }
0x7f: {  	_ =	shalt  }
0x80: {  	_ =	shalt  }
0x81: {  	_ =	shalt  }
0x82: {  	_ =	shalt  }
0x83: {  	_ =	shalt  }
0x84: {  	_ =	shalt  }
0x85: {  	_ =	shalt  }
0x86: {  	_ =	shalt  }
0x87: {  	_ =	shalt  }
.Lfunc_end0:
.L_simem_size_0:
called_computation_lowered:
.L_overlay_start_0:
0x88: {  	s2 =	sld [smem:$0x3FD9]  }
0x89: {  	s3 =	sld [smem:$0x3FFE];
	_ =	sdelay $0x1  }
0x8a: {  	s1 =	srdreg.scid  }
0x8b: {  	s0 =	sand.u32 $0x1, s1  }
0x8c: {  	s16 =	sshll.u32 s0, $0xA;
	s2 =	sadd.s32 s3, s2  }
0x8d: {  	s2 =	sadd.s32 s2, s16  }
0x8e: {  	[smem:$0x3FC2] =	sst s2  }
0x8f: {  	_ = 	snop  }
0x90: {  	(tm) =	ssettm $0x1  }
0x91: {  	s17 =	sld [smem:$0x3FFB];
	_ =	sdelay $0x3  }
0x92: {  	_ =	strace s17  }
0x93: {  	s2 =	sld [smem:$0x3FFC];
	_ =	sdelay $0x3  }
0x94: {  	_ =	strace s2  }
0x95: {  	s2 =	sld [smem:$0x3FFD];
	_ =	sdelay $0x3  }
0x96: {  	_ =	strace s2  }
0x97: {  	_ =	strace $0x8FFFFFFF  }
0x98: {  	s18 =	sld [smem:$0x3FDB];
	_ =	sdelay $0x1  }
0x99: {  	s19 =	simm.s32 $_scs_section_size  }
0x9a: {  	s4 =	simm.s32 $_size__tile_overlayer_lowered;
	s5 =	simm.s32 $_tile_overlayer_lowered  }
0x9b: {  	s22 =	simm.s32 $0x1BFF;
	s21 =	sshll.u32 s5, $0x1;
	s2 =	sadd.s32 s19, s18  }
0x9c: {  	s6 =	simm.s32 $0x0;
	s20 =	sshll.u32 s4, $0x1;
	s4 =	sadd.s32 s21, s2  }
0x9d: {  	[timem:s6], [sflag:s22] =	dma.local [hbm:s4], s20  }
0x9e: {  	_ =	swait.ge [sflag:s22], s20  }
0x9f: {  	s3 =	ssub.s32 $0x0, s20;
	[sflag:s22] =	ssyncset.done $0x0  }
0xa0: {  	[sflag:s22] =	ssyncadd.s32 s3;
	_ =	sdelay $0x1  }
0xa1: {  	s23 =	simm.s32 $0x1B8B  }
0xa2: {  	_ =	swait.ge [sflag:s23], $0x1  }
0xa3: {  	[sflag:s23] =	ssyncset.done $0x0  }
0xa4: {  	s25 =	simm.s32 $0x1B8E;
	s24 =	sld [smem:$0x3FFE];
	[sflag:s23] =	ssyncadd.s32 $0xFFFFFFFF  }
0xa5: {  	s26 =	simm.s32 $execute0_lowered;
	[smem:$0x3FD2] =	sst s25  }
0xa6: {  	s4 =	sshll.u32 s26, $0x1;
	_ =	strace $0x80000046;
	[dreg:$0x1] =	wrdreg $0xFFFFFFFF  }
0xa7: {  	s28 =	simm.s32 $_size_execute0_lowered;
	s2 =	sadd.s32 s2, s4;
	[dreg:$0x0] =	wrdreg $0x0  }
0xa8: {  	s4 =	sshll.u32 s28, $0x1;
	[dreg:$0x2] =	wrdreg s2  }
0xa9: {  	[dreg:$0x3] =	wrdreg s4  }
0xaa: {  	[dreg:$0x4] =	wrdreg $0xC0  }
0xab: {  	_ =	task [dreg:s6], $0x5FFFF  }
0xac: {  	[dreg:$0x1] =	wrdreg $0xFFFFFFFF  }
0xad: {  	[dreg:$0x0] =	wrdreg $0x60  }
0xae: {  	[dreg:$0x2] =	wrdreg s24  }
0xaf: {  	[dreg:$0x3] =	wrdreg $0x50800  }
0xb0: {  	[dreg:$0x4] =	wrdreg $0x9  }
0xb1: {  	_ =	task.clear_ibuf [dreg:s6], $0x5FFFF;
	_ =	strace $0x90000046  }
0xb2: {  	s29 =	simm.s32 $0x9;
	_ =	strace $0x80000048  }
0xb3: {  	_ =	swait.ge [sflag:s29], $0x1  }
0xb4: {  	[sflag:s29] =	ssyncadd.s32 $0xFFFFFFFF  }
0xb5: {  	_ =	strace $0x90000048  }
0xb6: {  	_ =	sfence  }
0xb7: {  	s30 =	sld [smem:$0x0];
	_ =	sdelay $0x2  }
0xb8: {  	s31 =	sshll.u32 s1, $0xD;
	s1 =	sshrl.u32 s1, $0x2  }
0xb9: {  	s3 =	sand.u32 $0x4000, s31;
	s1 =	sadd.s32 s1, s30  }
0xba: {  	s0 =	sor.u32 s3, s0;
	s1 =	sshll.u32 s1, $0x11  }
0xbb: {  	s0 =	sor.u32 s1, s0  }
0xbc: {  	s0 =	sadd.s32 $0x8F2B, s0  }
0xbd: {  	[sflag:s0] =	ssyncadd.remote.s32 $0x1  }
0xbe: {  	_ =	sfence.sel $0xFFFF  }
0xbf: {  	[dreg:$0x0] =	wrdreg $0xFFFFFFFF;
	(pc) =	sbr.abs _section_cstart, $3  }
0xc0: {  	[dreg:$0x1] =	wrdreg $0xFFFFFFFF  }
0xc1: {  	_ =	task.clear_ibuf [dreg:s6], $0x2FFFF;
	_ =	strace $0x9FFFFFFF  }
0xc2: {  	(tm) =	ssettm $0x7FFFFFFF  }
0xc3: {  	_ =	shalt  }
tec
execute0_lowered:
.L_overlay_start_1:
0x0: {  	(tag) =	ssettag $0x1  }
0x1: {  	s1 =	srdreg.scid  }
0x2: {  	s0 =	stileid.u32;
	s4 =	rddreg [dreg:$0x0]  }
0x3: {  	s2 =	rddreg [dreg:$0x1];
	s3 =	simm.s32 $0x0;
	s12 =	simm.s32 $0x5000  }
0x4: {  	s13 =	simm.s32 $0x100;
	s14 =	simm.s32 $0x180;
	s15 =	simm.s32 $0x200  }
0x5: {  	s16 =	simm.s32 $0x280;
	s17 =	simm.s32 $0x300;
	s18 =	simm.s32 $0x380  }
0x6: {  	s19 =	simm.s32 $0x1;
	s20 =	simm.s32 $0x20;
	s21 =	simm.s32 $0x10  }
0x7: {  	s22 =	simm.s32 $0x0;
	s5 =	sand.u32 $0x1, s1;
	s1 =	rddreg [dreg:$0x2]  }
0x8: {  	s29 =	sshll.u32 s0, $0x1;
	[smem:$0x7FF] =	sst s3;
	s7 =	smul.u32 $0x500, s0  }
0x9: {  	s8 =	smul.u32 $0x280, s0;
	s31 =	sshll.u32 s0, $0x6;
	s6 =	sor.u32 s5, s29  }
0xa: {  	_ =	strace $0x80000047;
	s9 =	sshll.u32 s5, $0x7;
	s5 =	ssub.s32 $0x2, s5  }
0xb: {  	s6 =	smul.u32 $0xA00, s6;
	s7 =	sor.u32 s9, s7;
	s30 =	sshrl.u32 s8, $0x3  }
0xc: {  	s10 =	sshrl.u32 s5, $0x1;
	s11 =	sadd.s32 s8, s2;
	s8 =	simm.s32 $0x2  }
0xd: {  	s7 =	sshrl.u32 s7, $0x3;
	s9 =	sadd.s32 s30, s4;
	s10 =	ssub.s32 s5, s10  }
0xe: {  	s6 =	sadd.s32 s6, s4;
	s7 =	sadd.s32 s7, s4;
	s5 =	sadd.s32 $0x16E00, s9  }
0xf: {  	s9 =	sor.u32 $0x1C02, s31;
	s4 =	sadd.s32 $0x2E00, s6;
	s6 =	sadd.s32 $0x17400, s7  }
0x10: {  	v0 =	vimm.f32 $1.000000000e+00;
	s7 =	smax.u32 s10, $0x1;
	s10 =	sshrl.u32 s11, $0x3;
	s11 =	simm.s32 $0x80  }
.LBB2_1:
0x11: {  	[tilespmem:s3], [sflag:$0x2] =	stream.linear.gather [hbm4b:s4+s3], $0x5000, $0x38;
	[tilespmem:$0x5300] =	vst v63  }
0x12: {  	_ =	swait.ge [sflag:s8], $0x5000  }
0x13: {  	[sflag:s8] =	ssyncset.done $0x0  }
0x14: {  	[sflag:s8] =	ssyncadd.s32 $0xFFFFB000  }
0x15: {  	[tilespmem:$0x5000] =	vst v0  }
0x16: {  	[tilespmem:$0x5010] =	vst v0  }
0x17: {  	[tilespmem:$0x5020] =	vst v0  }
0x18: {  	[tilespmem:$0x5030] =	vst v0  }
0x19: {  	[tilespmem:$0x5040] =	vst v0  }
0x1a: {  	[tilespmem:$0x5050] =	vst v0  }
0x1b: {  	[tilespmem:$0x5060] =	vst v0  }
0x1c: {  	[tilespmem:$0x5070] =	vst v0  }
0x1d: {  	[spmem:s10], [sflag:s9] =	dma.local [hbm:s5], $0x50  }
0x1e: {  	_ =	swait.ge [sflag:s8], $0x50  }
0x1f: {  	[sflag:s8] =	ssyncset.done $0x0  }
0x20: {  	[sflag:s8] =	ssyncadd.s32 $0xFFFFFFB0  }
0x21: {  	[bflag:$0x0] =	sbarrier.arrive $0xFFFF  }
0x22: {  	[spmem:s2] =	stream.indirect.scatter.add.f32 [tilespmem:s12], [sflag:$0x1], $0x1, s3, s11, $0xb8;
	[tilespmem:$0x5300] =	vst v63  }
0x23: {  	_ = 	snop  }
0x24: {  	[spmem:s2] =	stream.indirect.scatter.add.f32 [tilespmem:s12], [sflag:$0x1], $0x1, s11, s11, $0xb8;
	[tilespmem:$0x5300] =	vst v63  }
0x25: {  	_ = 	snop  }
0x26: {  	[spmem:s2] =	stream.indirect.scatter.add.f32 [tilespmem:s12], [sflag:$0x1], $0x1, s13, s11, $0xb8;
	[tilespmem:$0x5300] =	vst v63  }
0x27: {  	_ = 	snop  }
0x28: {  	[spmem:s2] =	stream.indirect.scatter.add.f32 [tilespmem:s12], [sflag:$0x1], $0x1, s14, s11, $0xb8;
	[tilespmem:$0x5300] =	vst v63  }
0x29: {  	_ = 	snop  }
0x2a: {  	[spmem:s2] =	stream.indirect.scatter.add.f32 [tilespmem:s12], [sflag:$0x1], $0x1, s15, s11, $0xb8;
	[tilespmem:$0x5300] =	vst v63  }
0x2b: {  	_ = 	snop  }
0x2c: {  	[spmem:s2] =	stream.indirect.scatter.add.f32 [tilespmem:s12], [sflag:$0x1], $0x1, s16, s11, $0xb8;
	[tilespmem:$0x5300] =	vst v63  }
0x2d: {  	_ = 	snop  }
0x2e: {  	[spmem:s2] =	stream.indirect.scatter.add.f32 [tilespmem:s12], [sflag:$0x1], $0x1, s17, s11, $0xb8;
	[tilespmem:$0x5300] =	vst v63  }
0x2f: {  	_ = 	snop  }
0x30: {  	[spmem:s2] =	stream.indirect.scatter.add.f32 [tilespmem:s12], [sflag:$0x1], $0x1, s18, s11, $0xb8;
	[tilespmem:$0x5300] =	vst v63  }
0x31: {  	_ =	swait.ge [sflag:s19], $0x80  }
0x32: {  	[sflag:s19] =	ssyncset.done $0x0  }
0x33: {  	s23 =	simm.s32 $0x1200;
	s24 =	simm.s32 $0x400;
	[sflag:s19] =	ssyncadd.s32 $0xFFFFFF80  }
.LBB2_2:
0x34: {  	[spmem:s2] =	stream.indirect.scatter.add.f32 [tilespmem:s12], [sflag:$0x1], $0x1, s24, s11, $0xb8;
	[tilespmem:$0x5300] =	vst v63  }
0x35: {  	s24 =	smov.u32 s23;
	p0 =	sne.s32 s23, $0x13E00  }
.Ltmp0:
0x36: {  	s23 =	sadd.s32 $0x200, s23;
	(pc) =	sbr.rel @p0 .LBB2_2-.Ltmp0, $4  }
0x37: {  	_ = 	snop  }
0x38: {  	_ =	swait.ge [sflag:s19], $0x80  }
0x39: {  	[sflag:s19] =	ssyncset.done $0x0  }
0x3a: {  	s24 =	sshra.s32 s24, $0x2;
	[sflag:s19] =	ssyncadd.s32 $0xFFFFFF80  }
0x3b: {  	[spmem:s2] =	stream.indirect.scatter.add.f32 [tilespmem:s12], [sflag:$0x1], $0x1, s24, s11, $0xb8;
	[tilespmem:$0x5300] =	vst v63  }
0x3c: {  	_ =	swait.ge [sflag:s19], $0x80  }
0x3d: {  	[sflag:s19] =	ssyncset.done $0x0  }
0x3e: {  	[sflag:s19] =	ssyncadd.s32 $0xFFFFFF80  }
0x3f: {  	_ =	swait.ge [sflag:s19], $0x80  }
0x40: {  	[sflag:s19] =	ssyncset.done $0x0  }
0x41: {  	[sflag:s19] =	ssyncadd.s32 $0xFFFFFF80  }
0x42: {  	_ =	swait.ge [sflag:s19], $0x80  }
0x43: {  	[sflag:s19] =	ssyncset.done $0x0  }
0x44: {  	[sflag:s19] =	ssyncadd.s32 $0xFFFFFF80  }
0x45: {  	_ =	swait.ge [sflag:s19], $0x80  }
0x46: {  	[sflag:s19] =	ssyncset.done $0x0  }
0x47: {  	[sflag:s19] =	ssyncadd.s32 $0xFFFFFF80  }
0x48: {  	_ =	swait.ge [sflag:s19], $0x80  }
0x49: {  	[sflag:s19] =	ssyncset.done $0x0  }
0x4a: {  	[sflag:s19] =	ssyncadd.s32 $0xFFFFFF80  }
0x4b: {  	_ =	swait.ge [sflag:s19], $0x80  }
0x4c: {  	[sflag:s19] =	ssyncset.done $0x0  }
0x4d: {  	[sflag:s19] =	ssyncadd.s32 $0xFFFFFF80  }
0x4e: {  	_ =	swait.ge [sflag:s19], $0x80  }
0x4f: {  	[sflag:s19] =	ssyncset.done $0x0  }
0x50: {  	[sflag:s19] =	ssyncadd.s32 $0xFFFFFF80  }
0x51: {  	_ =	swait.ge [sflag:s19], $0x80  }
0x52: {  	s22 =	sadd.s32 $0x1, s22;
	[sflag:s19] =	ssyncset.done $0x0  }
0x53: {  	p0 =	sne.s32 s22, s7;
	[sflag:s19] =	ssyncadd.s32 $0xFFFFFF80  }
.Ltmp1:
0x54: {  	[bflag:$0x0] =	sbarrier.arrive $0xFFFF;
	(pc) =	sbr.rel @p0 .LBB2_1-.Ltmp1, $4  }
0x55: {  	[hbm:s6@s20], [sflag:s9] =	dma.strided [spmem:s10@s21], $0x50, s19, $0x10   }
0x56: {  	_ =	swait.ge [sflag:s8], $0x50  }
0x57: {  	[sflag:s8] =	ssyncset.done $0x0  }
0x58: {  	[sflag:s8] =	ssyncadd.s32 $0xFFFFFFB0  }
0x59: {  	_ =	sfence.sel $0x180000  }
0x5a: {  	[bflag:$0x0] =	sbarrier.arrive $0xFFFF  }
0x5b: {  	p0 =	sne.s32 s0, $0x0;
	_ =	strace $0x90000047  }
0x5c: {  	s0 =	sadd.s32 @!p0 $0x100000, s1;
	[bflag:$0x2] =	sbarrier.arrive $0xFFFF  }
0x5d: {  	[sflag:s0] =	ssyncadd.tile.s32 @!p0 $0x1;
	_ =	shalt  }
.Lfunc_end2:
_tile_overlayer_lowered:
.L_overlay_start_2:
0x5e: {  	(tag) =	ssettag $0x2  }
0x5f: {  	s0 =	rddreg [dreg:$0x0];
	s2 =	stileid.u32  }
0x60: {  	s1 =	rddreg [dreg:$0x1];
	p0 =	sne.s32 s2, $0x0  }
0x61: {  	s3 =	rddreg [dreg:$0x2];
	[bflag:$0x3] =	sbarrier.arrive $0xFFFF;
	s2 =	simm.s32 @!p0 $0x1C02  }
0x62: {  	[timem:s3], [sflag:s2] =	dma.local @!p0 [hbm:s0], s1  }
0x63: {  	s0 =	simm.s32 @!p0 $0x2  }
0x64: {  	_ =	swait.ge @!p0 [sflag:s0], s1  }
0x65: {  	s1 =	ssub.s32 @!p0 $0x0, s1;
	[sflag:s0] =	ssyncset.done @!p0 $0x0  }
0x66: {  	[sflag:s0] =	ssyncadd.s32 @!p0 s1  }
0x67: {  	[bflag:$0x3] =	sbarrier.arrive $0xFFFF  }
0x68: {  	_ =	shalt  }

</sc_bundles>
